<compile_context>
chip_gen: v7x
topology: tpu7x:2x2x1
jax: 0.10.2.dev20260603
libtpu: 0.0.44.dev20260713+nightly
codegen_flags: <defaults>
</compile_context>

<pallas_src>
import functools

import jax
import jax.numpy as jnp
from jax import lax
from jax.experimental import pallas as pl
from jax.experimental.pallas import tpu as pltpu
from jax.experimental.pallas import tpu_sc as plsc

B = 1024
L = 200
E = 128
NC = 2
NS = 16
NW = NC * NS
ROWS = B * L
RPW = ROWS // NW
CHUNK = 40
NCH = RPW // CHUNK
NBUF = 10
PE_ROWS = L


LEAD = 5


def _body(seq_hbm, pe_hbm, table_hbm, out_hbm, *scratch):
    bufs = scratch[:NBUF]
    gsems = scratch[NBUF:2 * NBUF]
    osems = scratch[2 * NBUF:3 * NBUF]
    idx_v = scratch[3 * NBUF]
    pe_v = scratch[3 * NBUF + 1]
    wid = lax.axis_index("s") * NC + lax.axis_index("c")
    base = wid * RPW

    pltpu.sync_copy(seq_hbm.at[wid], idx_v)
    pltpu.sync_copy(pe_hbm, pe_v)

    def out_slice(c):
        return out_hbm.at[pl.ds(base + c * CHUNK, CHUNK)]

    for b in range(LEAD):
        pltpu.async_copy(table_hbm.at[idx_v.at[b]], bufs[b], gsems[b])

    def add_pe(buf, poff):
        @plsc.parallel_loop(0, CHUNK, 1, unroll=4)
        def row(i):
            for j in range(E // 16):
                sl = pl.ds(j * 16, 16)
                plsc.addupdate(buf.at[i, sl], pe_v[poff + i, sl])

    def group(g):
        for b in range(NBUF):
            c = g + b
            bn = (b + LEAD) % NBUF
            cn = c + LEAD

            @pl.when(cn < NCH)
            def _():
                @pl.when(cn >= NBUF)
                def _():
                    pltpu.make_async_copy(
                        bufs[bn], out_slice(cn - NBUF), osems[bn]).wait()
                pltpu.async_copy(
                    table_hbm.at[idx_v.at[cn]], bufs[bn], gsems[bn])

            pltpu.make_async_copy(
                table_hbm.at[idx_v.at[c]], bufs[b], gsems[b]).wait()
            add_pe(bufs[b], lax.rem(c, L // CHUNK) * CHUNK)
            pltpu.async_copy(bufs[b], out_slice(c), osems[b])

    pl.loop(0, NCH, step=NBUF, unroll=1)(group)

    for b in range(NBUF):
        cd = NCH - NBUF + b
        pltpu.make_async_copy(bufs[b], out_slice(cd), osems[b]).wait()


@functools.partial(jax.jit, static_argnames=())
def _run(seq, table, pe_slice):
    grid_kernel = pl.kernel(
        _body,
        mesh=plsc.VectorSubcoreMesh(core_axis_name="c", subcore_axis_name="s",
                                    num_cores=NC, num_subcores=NS),
        out_type=jax.ShapeDtypeStruct((ROWS, E), jnp.float32),
        scratch_types=(
            [pltpu.VMEM((CHUNK, E), jnp.float32) for _ in range(NBUF)]
            + [pltpu.SemaphoreType.DMA for _ in range(2 * NBUF)]
            + [pltpu.VMEM((NCH, CHUNK), jnp.int32),
               pltpu.VMEM((PE_ROWS, E), jnp.float32)]
        ),
    )
    return grid_kernel(seq, pe_slice, table)


def kernel(sequence, table, pe):
    seq = sequence.astype(jnp.int32).reshape(NW, NCH, CHUNK)
    pe_slice = pe.reshape(-1, E)[:L]
    out = _run(seq, table, pe_slice)
    return out.reshape(B, L, E)

# --- scband reference (transcript-rebuilt; emitter-appended) ---
"""Pipeline reference for scband-bertembedding-35381940584514 (READ-ONLY COPY).

The authoritative reference and input builder live on the scoring server;
editing this copy changes nothing except your own understanding.
"""

import jax, jax.numpy as jnp
import numpy as np
import math

VOCAB = 100000
EMBED = 128
MAX_LEN = 512
B = 1024
L = 200

def _make_pe(dim_model, max_len):
    pe = np.zeros((max_len, dim_model), dtype=np.float32)
    position = np.arange(0, max_len, dtype=np.float32)[:, None]
    div_term = np.exp(np.arange(0, dim_model, 2, dtype=np.float32) * -(math.log(10000.0) / dim_model))
    pe[:, 0::2] = np.sin(position * div_term)
    pe[:, 1::2] = np.cos(position * div_term)
    return jnp.asarray(pe[None, :, :])  # [1, max_len, dim]

def setup_inputs(seed: int = 0) -> dict:
    key = jax.random.key(seed)
    k_idx = jax.random.fold_in(key, 0)
    k_tab = jax.random.fold_in(key, 1)
    sequence = jax.random.randint(k_idx, (B, L), 0, VOCAB, dtype=jnp.int64 if jax.config.jax_enable_x64 else jnp.int32)
    table = jax.random.normal(k_tab, (VOCAB, EMBED), dtype=jnp.float32) * 0.02
    table = table.at[0].set(0.0)  # padding_idx=0
    pe = _make_pe(EMBED, MAX_LEN)
    return {"sequence": sequence, "table": table, "pe": pe}

def reference(sequence, table, pe):
    # token embedding lookup
    x = jnp.take(table, sequence, axis=0)  # [B, L, EMBED]
    # add (non-learned) sinusoidal position embedding, sliced to seq len
    x = x + pe[:, :sequence.shape[1]]
    # dropout is identity in eval/reference mode
    return x

if __name__ == "__main__":
    import jax
    _d = setup_inputs()
    print(jax.jit(kernel)(*tuple(_d.values())))

</pallas_src>

<mosaic_0001>
#map = affine_map<(d0, d1) -> (0, 0, 0)>
#map1 = affine_map<(d0, d1) -> (0, 0)>
module attributes {stable_mosaic.version = 14 : i64} {
  func.func @_body(%arg0: i32, %arg1: i32, %arg2: memref<32x160x40xi32, #tpu.memory_space<hbm>>, %arg3: memref<200x128xf32, #tpu.memory_space<hbm>>, %arg4: memref<100000x128xf32, #tpu.memory_space<hbm>>, %arg5: memref<204800x128xf32, #tpu.memory_space<hbm>>, %arg6: memref<40x128xf32, #tpu.memory_space<vmem>>, %arg7: memref<40x128xf32, #tpu.memory_space<vmem>>, %arg8: memref<40x128xf32, #tpu.memory_space<vmem>>, %arg9: memref<40x128xf32, #tpu.memory_space<vmem>>, %arg10: memref<40x128xf32, #tpu.memory_space<vmem>>, %arg11: memref<40x128xf32, #tpu.memory_space<vmem>>, %arg12: memref<40x128xf32, #tpu.memory_space<vmem>>, %arg13: memref<40x128xf32, #tpu.memory_space<vmem>>, %arg14: memref<40x128xf32, #tpu.memory_space<vmem>>, %arg15: memref<40x128xf32, #tpu.memory_space<vmem>>, %arg16: memref<!tpu.dma_semaphore, #tpu.memory_space<semaphore_mem>>, %arg17: memref<!tpu.dma_semaphore, #tpu.memory_space<semaphore_mem>>, %arg18: memref<!tpu.dma_semaphore, #tpu.memory_space<semaphore_mem>>, %arg19: memref<!tpu.dma_semaphore, #tpu.memory_space<semaphore_mem>>, %arg20: memref<!tpu.dma_semaphore, #tpu.memory_space<semaphore_mem>>, %arg21: memref<!tpu.dma_semaphore, #tpu.memory_space<semaphore_mem>>, %arg22: memref<!tpu.dma_semaphore, #tpu.memory_space<semaphore_mem>>, %arg23: memref<!tpu.dma_semaphore, #tpu.memory_space<semaphore_mem>>, %arg24: memref<!tpu.dma_semaphore, #tpu.memory_space<semaphore_mem>>, %arg25: memref<!tpu.dma_semaphore, #tpu.memory_space<semaphore_mem>>, %arg26: memref<!tpu.dma_semaphore, #tpu.memory_space<semaphore_mem>>, %arg27: memref<!tpu.dma_semaphore, #tpu.memory_space<semaphore_mem>>, %arg28: memref<!tpu.dma_semaphore, #tpu.memory_space<semaphore_mem>>, %arg29: memref<!tpu.dma_semaphore, #tpu.memory_space<semaphore_mem>>, %arg30: memref<!tpu.dma_semaphore, #tpu.memory_space<semaphore_mem>>, %arg31: memref<!tpu.dma_semaphore, #tpu.memory_space<semaphore_mem>>, %arg32: memref<!tpu.dma_semaphore, #tpu.memory_space<semaphore_mem>>, %arg33: memref<!tpu.dma_semaphore, #tpu.memory_space<semaphore_mem>>, %arg34: memref<!tpu.dma_semaphore, #tpu.memory_space<semaphore_mem>>, %arg35: memref<!tpu.dma_semaphore, #tpu.memory_space<semaphore_mem>>, %arg36: memref<160x40xi32, #tpu.memory_space<vmem>>, %arg37: memref<200x128xf32, #tpu.memory_space<vmem>>) attributes {dimension_semantics = [#tpu.dimension_semantics<core_parallel>, #tpu.dimension_semantics<subcore_parallel>], iteration_bounds = array<i64: 2, 16>, scalar_prefetch = 0 : i64, scratch_operands = 32 : i64, tpu.core_type = #tpu.core_type<sc_vector_subcore>, window_params = [{transform_indices = #map}, {transform_indices = #map1}, {transform_indices = #map1}, {transform_indices = #map1}]} {
    %mul3A = arith.constant 2 : i32
    %mul3A_0 = arith.muli %arg1, %mul3A : i32
    %add3A = arith.addi %mul3A_0, %arg0 : i32
    %mul3A_1 = arith.constant 6400 : i32
    %mul3A_2 = arith.muli %add3A, %mul3A_1 : i32
    "tpu.region"() ({
      %run_scoped3A = tpu.sem_alloc : memref<!tpu.dma_semaphore, #tpu.memory_space<semaphore_mem>>
      %dma_start3A_100 = arith.constant 0 : i32
      %dma_start3A_101 = arith.constant 0 : i32
      %dma_start3A_102 = tpu.memref_slice %arg2[%add3A, %dma_start3A_100, %dma_start3A_101] : memref<32x160x40xi32, #tpu.memory_space<hbm>> -> memref<1x160x40xi32, #tpu.memory_space<hbm>>
      %dma_start3A_103 = tpu.memref_squeeze %dma_start3A_102 : memref<1x160x40xi32, #tpu.memory_space<hbm>> -> memref<160x40xi32, #tpu.memory_space<hbm>>
      %dma_start3A_104 = arith.constant 0 : i32
      %dma_start3A_105 = arith.constant 0 : i32
      %dma_start3A_106 = tpu.memref_slice %arg2[%add3A, %dma_start3A_104, %dma_start3A_105] : memref<32x160x40xi32, #tpu.memory_space<hbm>> -> memref<1x160x40xi32, #tpu.memory_space<hbm>>
      %dma_start3A_107 = tpu.memref_squeeze %dma_start3A_106 : memref<1x160x40xi32, #tpu.memory_space<hbm>> -> memref<160x40xi32, #tpu.memory_space<hbm>>
      tpu.enqueue_dma source(%dma_start3A_107 : memref<160x40xi32, #tpu.memory_space<hbm>>) target(%arg36 : memref<160x40xi32, #tpu.memory_space<vmem>>) target_semaphore(%run_scoped3A : memref<!tpu.dma_semaphore, #tpu.memory_space<semaphore_mem>>)
      %dma_wait3A_108 = arith.constant 0 : i32
      %dma_wait3A_109 = arith.constant 0 : i32
      %dma_wait3A_110 = tpu.memref_slice %arg2[%add3A, %dma_wait3A_108, %dma_wait3A_109] : memref<32x160x40xi32, #tpu.memory_space<hbm>> -> memref<1x160x40xi32, #tpu.memory_space<hbm>>
      %dma_wait3A_111 = tpu.memref_squeeze %dma_wait3A_110 : memref<1x160x40xi32, #tpu.memory_space<hbm>> -> memref<160x40xi32, #tpu.memory_space<hbm>>
      %dma_wait3A_112 = arith.constant 0 : i32
      %dma_wait3A_113 = arith.constant 0 : i32
      %dma_wait3A_114 = tpu.memref_slice %arg2[%add3A, %dma_wait3A_112, %dma_wait3A_113] : memref<32x160x40xi32, #tpu.memory_space<hbm>> -> memref<1x160x40xi32, #tpu.memory_space<hbm>>
      %dma_wait3A_115 = tpu.memref_squeeze %dma_wait3A_114 : memref<1x160x40xi32, #tpu.memory_space<hbm>> -> memref<160x40xi32, #tpu.memory_space<hbm>>
      tpu.wait_dma2 semaphore(%run_scoped3A : memref<!tpu.dma_semaphore, #tpu.memory_space<semaphore_mem>>) src(%dma_wait3A_115 : memref<160x40xi32, #tpu.memory_space<hbm>>) dst(%arg36 : memref<160x40xi32, #tpu.memory_space<vmem>>)
      tpu.yield
    }) : () -> ()
    "tpu.region"() ({
      %run_scoped3A = tpu.sem_alloc : memref<!tpu.dma_semaphore, #tpu.memory_space<semaphore_mem>>
      tpu.enqueue_dma source(%arg3 : memref<200x128xf32, #tpu.memory_space<hbm>>) target(%arg37 : memref<200x128xf32, #tpu.memory_space<vmem>>) target_semaphore(%run_scoped3A : memref<!tpu.dma_semaphore, #tpu.memory_space<semaphore_mem>>)
      tpu.wait_dma2 semaphore(%run_scoped3A : memref<!tpu.dma_semaphore, #tpu.memory_space<semaphore_mem>>) src(%arg3 : memref<200x128xf32, #tpu.memory_space<hbm>>) dst(%arg37 : memref<200x128xf32, #tpu.memory_space<vmem>>)
      tpu.yield
    }) : () -> ()
    %dma_start3A = arith.constant 0 : i32
    %dma_start3A_3 = arith.constant 0 : i32
    %dma_start3A_4 = tpu.memref_slice %arg36[%dma_start3A, %dma_start3A_3] : memref<160x40xi32, #tpu.memory_space<vmem>> -> memref<1x40xi32, #tpu.memory_space<vmem>>
    %dma_start3A_5 = tpu.memref_squeeze %dma_start3A_4 : memref<1x40xi32, #tpu.memory_space<vmem>> -> memref<40xi32, #tpu.memory_space<vmem>>
    %dma_start3A_6 = arith.constant 0 : i32
    %dma_start3A_7 = arith.constant 0 : i32
    %dma_start3A_8 = tpu.memref_slice %arg4[%dma_start3A_6, %dma_start3A_7] : memref<100000x128xf32, #tpu.memory_space<hbm>> -> memref<100000x128xf32, #tpu.memory_space<hbm>>
    tpu.enqueue_indirect_dma source(%dma_start3A_8 : memref<100000x128xf32, #tpu.memory_space<hbm>>) target(%arg6 : memref<40x128xf32, #tpu.memory_space<vmem>>) offsets(%dma_start3A_5 : memref<40xi32, #tpu.memory_space<vmem>>) semaphore(%arg16 : memref<!tpu.dma_semaphore, #tpu.memory_space<semaphore_mem>>)
    %dma_start3A_9 = arith.constant 1 : i32
    %dma_start3A_10 = arith.constant 0 : i32
    %dma_start3A_11 = tpu.memref_slice %arg36[%dma_start3A_9, %dma_start3A_10] : memref<160x40xi32, #tpu.memory_space<vmem>> -> memref<1x40xi32, #tpu.memory_space<vmem>>
    %dma_start3A_12 = tpu.memref_squeeze %dma_start3A_11 : memref<1x40xi32, #tpu.memory_space<vmem>> -> memref<40xi32, #tpu.memory_space<vmem>>
    %dma_start3A_13 = arith.constant 0 : i32
    %dma_start3A_14 = arith.constant 0 : i32
    %dma_start3A_15 = tpu.memref_slice %arg4[%dma_start3A_13, %dma_start3A_14] : memref<100000x128xf32, #tpu.memory_space<hbm>> -> memref<100000x128xf32, #tpu.memory_space<hbm>>
    tpu.enqueue_indirect_dma source(%dma_start3A_15 : memref<100000x128xf32, #tpu.memory_space<hbm>>) target(%arg7 : memref<40x128xf32, #tpu.memory_space<vmem>>) offsets(%dma_start3A_12 : memref<40xi32, #tpu.memory_space<vmem>>) semaphore(%arg17 : memref<!tpu.dma_semaphore, #tpu.memory_space<semaphore_mem>>)
    %dma_start3A_16 = arith.constant 2 : i32
    %dma_start3A_17 = arith.constant 0 : i32
    %dma_start3A_18 = tpu.memref_slice %arg36[%dma_start3A_16, %dma_start3A_17] : memref<160x40xi32, #tpu.memory_space<vmem>> -> memref<1x40xi32, #tpu.memory_space<vmem>>
    %dma_start3A_19 = tpu.memref_squeeze %dma_start3A_18 : memref<1x40xi32, #tpu.memory_space<vmem>> -> memref<40xi32, #tpu.memory_space<vmem>>
    %dma_start3A_20 = arith.constant 0 : i32
    %dma_start3A_21 = arith.constant 0 : i32
    %dma_start3A_22 = tpu.memref_slice %arg4[%dma_start3A_20, %dma_start3A_21] : memref<100000x128xf32, #tpu.memory_space<hbm>> -> memref<100000x128xf32, #tpu.memory_space<hbm>>
    tpu.enqueue_indirect_dma source(%dma_start3A_22 : memref<100000x128xf32, #tpu.memory_space<hbm>>) target(%arg8 : memref<40x128xf32, #tpu.memory_space<vmem>>) offsets(%dma_start3A_19 : memref<40xi32, #tpu.memory_space<vmem>>) semaphore(%arg18 : memref<!tpu.dma_semaphore, #tpu.memory_space<semaphore_mem>>)
    %dma_start3A_23 = arith.constant 3 : i32
    %dma_start3A_24 = arith.constant 0 : i32
    %dma_start3A_25 = tpu.memref_slice %arg36[%dma_start3A_23, %dma_start3A_24] : memref<160x40xi32, #tpu.memory_space<vmem>> -> memref<1x40xi32, #tpu.memory_space<vmem>>
    %dma_start3A_26 = tpu.memref_squeeze %dma_start3A_25 : memref<1x40xi32, #tpu.memory_space<vmem>> -> memref<40xi32, #tpu.memory_space<vmem>>
    %dma_start3A_27 = arith.constant 0 : i32
    %dma_start3A_28 = arith.constant 0 : i32
    %dma_start3A_29 = tpu.memref_slice %arg4[%dma_start3A_27, %dma_start3A_28] : memref<100000x128xf32, #tpu.memory_space<hbm>> -> memref<100000x128xf32, #tpu.memory_space<hbm>>
    tpu.enqueue_indirect_dma source(%dma_start3A_29 : memref<100000x128xf32, #tpu.memory_space<hbm>>) target(%arg9 : memref<40x128xf32, #tpu.memory_space<vmem>>) offsets(%dma_start3A_26 : memref<40xi32, #tpu.memory_space<vmem>>) semaphore(%arg19 : memref<!tpu.dma_semaphore, #tpu.memory_space<semaphore_mem>>)
    %dma_start3A_30 = arith.constant 4 : i32
    %dma_start3A_31 = arith.constant 0 : i32
    %dma_start3A_32 = tpu.memref_slice %arg36[%dma_start3A_30, %dma_start3A_31] : memref<160x40xi32, #tpu.memory_space<vmem>> -> memref<1x40xi32, #tpu.memory_space<vmem>>
    %dma_start3A_33 = tpu.memref_squeeze %dma_start3A_32 : memref<1x40xi32, #tpu.memory_space<vmem>> -> memref<40xi32, #tpu.memory_space<vmem>>
    %dma_start3A_34 = arith.constant 0 : i32
    %dma_start3A_35 = arith.constant 0 : i32
    %dma_start3A_36 = tpu.memref_slice %arg4[%dma_start3A_34, %dma_start3A_35] : memref<100000x128xf32, #tpu.memory_space<hbm>> -> memref<100000x128xf32, #tpu.memory_space<hbm>>
    tpu.enqueue_indirect_dma source(%dma_start3A_36 : memref<100000x128xf32, #tpu.memory_space<hbm>>) target(%arg10 : memref<40x128xf32, #tpu.memory_space<vmem>>) offsets(%dma_start3A_33 : memref<40xi32, #tpu.memory_space<vmem>>) semaphore(%arg20 : memref<!tpu.dma_semaphore, #tpu.memory_space<semaphore_mem>>)
    %scan3A = arith.constant 0 : i32
    %scan3A_37 = arith.constant 16 : i32
    %scan3A_38 = arith.addi %scan3A, %scan3A_37 : i32
    %scan3A_39 = arith.constant 1 : i32
    scf.for %scan3A_100 = %scan3A to %scan3A_38 step %scan3A_39  : i32 {
      %mul3A_101 = arith.constant 10 : i32
      %mul3A_102 = arith.muli %scan3A_100, %mul3A_101 : i32
      %add3A_103 = arith.constant 0 : i32
      %add3A_104 = arith.addi %add3A_103, %mul3A_102 : i32
      %add3A_105 = arith.constant 0 : i32
      %add3A_106 = arith.addi %add3A_104, %add3A_105 : i32
      %add3A_107 = arith.constant 5 : i32
      %add3A_108 = arith.addi %add3A_106, %add3A_107 : i32
      %lt3A = arith.constant 160 : i32
      %lt3A_109 = arith.cmpi slt, %add3A_108, %lt3A : i32
      %convert_element_type3A = arith.extui %lt3A_109 : i1 to i32
      %cond3A = arith.constant 0 : i32
      %cond3A_110 = arith.cmpi ne, %convert_element_type3A, %cond3A : i32
      scf.if %cond3A_110 {
        %ge3A = arith.constant 10 : i32
        %ge3A_390 = arith.cmpi sge, %add3A_108, %ge3A : i32
        %convert_element_type3A_391 = arith.extui %ge3A_390 : i1 to i32
        %cond3A_392 = arith.constant 0 : i32
        %cond3A_393 = arith.cmpi ne, %convert_element_type3A_391, %cond3A_392 : i32
        scf.if %cond3A_393 {
          %sub3A = arith.constant 10 : i32
          %sub3A_400 = arith.subi %add3A_108, %sub3A : i32
          %mul3A_401 = arith.constant 40 : i32
          %mul3A_402 = arith.muli %sub3A_400, %mul3A_401 : i32
          %add3A_403 = arith.addi %mul3A_2, %mul3A_402 : i32
          %dma_wait3A_404 = arith.constant 0 : i32
          %dma_wait3A_405 = tpu.memref_slice %arg5[%add3A_403, %dma_wait3A_404] : memref<204800x128xf32, #tpu.memory_space<hbm>> -> memref<40x128xf32, #tpu.memory_space<hbm>>
          %dma_wait3A_406 = arith.constant 0 : i32
          %dma_wait3A_407 = tpu.memref_slice %arg5[%add3A_403, %dma_wait3A_406] : memref<204800x128xf32, #tpu.memory_space<hbm>> -> memref<40x128xf32, #tpu.memory_space<hbm>>
          tpu.wait_dma2 semaphore(%arg31 : memref<!tpu.dma_semaphore, #tpu.memory_space<semaphore_mem>>) src(%arg11 : memref<40x128xf32, #tpu.memory_space<vmem>>) dst(%dma_wait3A_407 : memref<40x128xf32, #tpu.memory_space<hbm>>)
        } else {
        }
        %dma_start3A_394 = arith.constant 0 : i32
        %dma_start3A_395 = tpu.memref_slice %arg36[%add3A_108, %dma_start3A_394] : memref<160x40xi32, #tpu.memory_space<vmem>> -> memref<1x40xi32, #tpu.memory_space<vmem>>
        %dma_start3A_396 = tpu.memref_squeeze %dma_start3A_395 : memref<1x40xi32, #tpu.memory_space<vmem>> -> memref<40xi32, #tpu.memory_space<vmem>>
        %dma_start3A_397 = arith.constant 0 : i32
        %dma_start3A_398 = arith.constant 0 : i32
        %dma_start3A_399 = tpu.memref_slice %arg4[%dma_start3A_397, %dma_start3A_398] : memref<100000x128xf32, #tpu.memory_space<hbm>> -> memref<100000x128xf32, #tpu.memory_space<hbm>>
        tpu.enqueue_indirect_dma source(%dma_start3A_399 : memref<100000x128xf32, #tpu.memory_space<hbm>>) target(%arg11 : memref<40x128xf32, #tpu.memory_space<vmem>>) offsets(%dma_start3A_396 : memref<40xi32, #tpu.memory_space<vmem>>) semaphore(%arg21 : memref<!tpu.dma_semaphore, #tpu.memory_space<semaphore_mem>>)
      } else {
      }
      %dma_wait3A_111 = arith.constant 0 : i32
      %dma_wait3A_112 = tpu.memref_slice %arg36[%add3A_106, %dma_wait3A_111] : memref<160x40xi32, #tpu.memory_space<vmem>> -> memref<1x40xi32, #tpu.memory_space<vmem>>
      %dma_wait3A_113 = tpu.memref_squeeze %dma_wait3A_112 : memref<1x40xi32, #tpu.memory_space<vmem>> -> memref<40xi32, #tpu.memory_space<vmem>>
      %dma_wait3A_114 = arith.constant 0 : i32
      %dma_wait3A_115 = arith.constant 0 : i32
      %dma_wait3A_116 = tpu.memref_slice %arg4[%dma_wait3A_114, %dma_wait3A_115] : memref<100000x128xf32, #tpu.memory_space<hbm>> -> memref<100000x128xf32, #tpu.memory_space<hbm>>
      tpu.wait_indirect_dma semaphore(%arg16 : memref<!tpu.dma_semaphore, #tpu.memory_space<semaphore_mem>>) src(%dma_wait3A_116 : memref<100000x128xf32, #tpu.memory_space<hbm>>) dst(%arg6 : memref<40x128xf32, #tpu.memory_space<vmem>>)
      %rem3A = arith.constant 5 : i32
      %rem3A_117 = arith.remsi %add3A_106, %rem3A : i32
      %mul3A_118 = arith.constant 40 : i32
      %mul3A_119 = arith.muli %rem3A_117, %mul3A_118 : i32
      %parallel_loop3A = arith.constant 0 : i32
      %parallel_loop3A_120 = arith.constant 40 : i32
      %parallel_loop3A_121 = arith.constant 1 : i32
      scf.for %parallel_loop3A_390 = %parallel_loop3A to %parallel_loop3A_120 step %parallel_loop3A_121  : i32 {
        %parallel_loop3A_391 = arith.addi %mul3A_119, %parallel_loop3A_390 : i32
        %parallel_loop3A_392 = arith.index_cast %parallel_loop3A_391 : i32 to index
        %parallel_loop3A_393 = arith.constant 0 : index
        %parallel_loop3A_394 = tpu.vector_load %arg37[%parallel_loop3A_392, %parallel_loop3A_393] {strides = array<i32>} : memref<200x128xf32, #tpu.memory_space<vmem>>, vector<1x16xf32>,
        %parallel_loop3A_395 = vector.shape_cast %parallel_loop3A_394 : vector<1x16xf32> to vector<16xf32>
        %parallel_loop3A_396 = arith.index_cast %parallel_loop3A_390 : i32 to index
        %parallel_loop3A_397 = arith.constant 0 : index
        %parallel_loop3A_398 = tpu.vector_load %arg6[%parallel_loop3A_396, %parallel_loop3A_397] {strides = array<i32>} : memref<40x128xf32, #tpu.memory_space<vmem>>, vector<1x16xf32>,
        %parallel_loop3A_399 = vector.shape_cast %parallel_loop3A_398 : vector<1x16xf32> to vector<16xf32>
        %parallel_loop3A_400 = vector.shape_cast %parallel_loop3A_395 : vector<16xf32> to vector<1x16xf32>
        tpu.vector_store %arg6[%parallel_loop3A_396, %parallel_loop3A_397], %parallel_loop3A_400 {add = true, strides = array<i32>} : memref<40x128xf32, #tpu.memory_space<vmem>>, vector<1x16xf32>,
        %parallel_loop3A_401 = arith.addi %mul3A_119, %parallel_loop3A_390 : i32
        %parallel_loop3A_402 = arith.index_cast %parallel_loop3A_401 : i32 to index
        %parallel_loop3A_403 = arith.constant 16 : index
        %parallel_loop3A_404 = tpu.vector_load %arg37[%parallel_loop3A_402, %parallel_loop3A_403] {strides = array<i32>} : memref<200x128xf32, #tpu.memory_space<vmem>>, vector<1x16xf32>,
        %parallel_loop3A_405 = vector.shape_cast %parallel_loop3A_404 : vector<1x16xf32> to vector<16xf32>
        %parallel_loop3A_406 = arith.index_cast %parallel_loop3A_390 : i32 to index
        %parallel_loop3A_407 = arith.constant 16 : index
        %parallel_loop3A_408 = tpu.vector_load %arg6[%parallel_loop3A_406, %parallel_loop3A_407] {strides = array<i32>} : memref<40x128xf32, #tpu.memory_space<vmem>>, vector<1x16xf32>,
        %parallel_loop3A_409 = vector.shape_cast %parallel_loop3A_408 : vector<1x16xf32> to vector<16xf32>
        %parallel_loop3A_410 = vector.shape_cast %parallel_loop3A_405 : vector<16xf32> to vector<1x16xf32>
        tpu.vector_store %arg6[%parallel_loop3A_406, %parallel_loop3A_407], %parallel_loop3A_410 {add = true, strides = array<i32>} : memref<40x128xf32, #tpu.memory_space<vmem>>, vector<1x16xf32>,
        %parallel_loop3A_411 = arith.addi %mul3A_119, %parallel_loop3A_390 : i32
        %parallel_loop3A_412 = arith.index_cast %parallel_loop3A_411 : i32 to index
        %parallel_loop3A_413 = arith.constant 32 : index
        %parallel_loop3A_414 = tpu.vector_load %arg37[%parallel_loop3A_412, %parallel_loop3A_413] {strides = array<i32>} : memref<200x128xf32, #tpu.memory_space<vmem>>, vector<1x16xf32>,
        %parallel_loop3A_415 = vector.shape_cast %parallel_loop3A_414 : vector<1x16xf32> to vector<16xf32>
        %parallel_loop3A_416 = arith.index_cast %parallel_loop3A_390 : i32 to index
        %parallel_loop3A_417 = arith.constant 32 : index
        %parallel_loop3A_418 = tpu.vector_load %arg6[%parallel_loop3A_416, %parallel_loop3A_417] {strides = array<i32>} : memref<40x128xf32, #tpu.memory_space<vmem>>, vector<1x16xf32>,
        %parallel_loop3A_419 = vector.shape_cast %parallel_loop3A_418 : vector<1x16xf32> to vector<16xf32>
        %parallel_loop3A_420 = vector.shape_cast %parallel_loop3A_415 : vector<16xf32> to vector<1x16xf32>
        tpu.vector_store %arg6[%parallel_loop3A_416, %parallel_loop3A_417], %parallel_loop3A_420 {add = true, strides = array<i32>} : memref<40x128xf32, #tpu.memory_space<vmem>>, vector<1x16xf32>,
        %parallel_loop3A_421 = arith.addi %mul3A_119, %parallel_loop3A_390 : i32
        %parallel_loop3A_422 = arith.index_cast %parallel_loop3A_421 : i32 to index
        %parallel_loop3A_423 = arith.constant 48 : index
        %parallel_loop3A_424 = tpu.vector_load %arg37[%parallel_loop3A_422, %parallel_loop3A_423] {strides = array<i32>} : memref<200x128xf32, #tpu.memory_space<vmem>>, vector<1x16xf32>,
        %parallel_loop3A_425 = vector.shape_cast %parallel_loop3A_424 : vector<1x16xf32> to vector<16xf32>
        %parallel_loop3A_426 = arith.index_cast %parallel_loop3A_390 : i32 to index
        %parallel_loop3A_427 = arith.constant 48 : index
        %parallel_loop3A_428 = tpu.vector_load %arg6[%parallel_loop3A_426, %parallel_loop3A_427] {strides = array<i32>} : memref<40x128xf32, #tpu.memory_space<vmem>>, vector<1x16xf32>,
        %parallel_loop3A_429 = vector.shape_cast %parallel_loop3A_428 : vector<1x16xf32> to vector<16xf32>
        %parallel_loop3A_430 = vector.shape_cast %parallel_loop3A_425 : vector<16xf32> to vector<1x16xf32>
        tpu.vector_store %arg6[%parallel_loop3A_426, %parallel_loop3A_427], %parallel_loop3A_430 {add = true, strides = array<i32>} : memref<40x128xf32, #tpu.memory_space<vmem>>, vector<1x16xf32>,
        %parallel_loop3A_431 = arith.addi %mul3A_119, %parallel_loop3A_390 : i32
        %parallel_loop3A_432 = arith.index_cast %parallel_loop3A_431 : i32 to index
        %parallel_loop3A_433 = arith.constant 64 : index
        %parallel_loop3A_434 = tpu.vector_load %arg37[%parallel_loop3A_432, %parallel_loop3A_433] {strides = array<i32>} : memref<200x128xf32, #tpu.memory_space<vmem>>, vector<1x16xf32>,
        %parallel_loop3A_435 = vector.shape_cast %parallel_loop3A_434 : vector<1x16xf32> to vector<16xf32>
        %parallel_loop3A_436 = arith.index_cast %parallel_loop3A_390 : i32 to index
        %parallel_loop3A_437 = arith.constant 64 : index
        %parallel_loop3A_438 = tpu.vector_load %arg6[%parallel_loop3A_436, %parallel_loop3A_437] {strides = array<i32>} : memref<40x128xf32, #tpu.memory_space<vmem>>, vector<1x16xf32>,
        %parallel_loop3A_439 = vector.shape_cast %parallel_loop3A_438 : vector<1x16xf32> to vector<16xf32>
        %parallel_loop3A_440 = vector.shape_cast %parallel_loop3A_435 : vector<16xf32> to vector<1x16xf32>
        tpu.vector_store %arg6[%parallel_loop3A_436, %parallel_loop3A_437], %parallel_loop3A_440 {add = true, strides = array<i32>} : memref<40x128xf32, #tpu.memory_space<vmem>>, vector<1x16xf32>,
        %parallel_loop3A_441 = arith.addi %mul3A_119, %parallel_loop3A_390 : i32
        %parallel_loop3A_442 = arith.index_cast %parallel_loop3A_441 : i32 to index
        %parallel_loop3A_443 = arith.constant 80 : index
        %parallel_loop3A_444 = tpu.vector_load %arg37[%parallel_loop3A_442, %parallel_loop3A_443] {strides = array<i32>} : memref<200x128xf32, #tpu.memory_space<vmem>>, vector<1x16xf32>,
        %parallel_loop3A_445 = vector.shape_cast %parallel_loop3A_444 : vector<1x16xf32> to vector<16xf32>
        %parallel_loop3A_446 = arith.index_cast %parallel_loop3A_390 : i32 to index
        %parallel_loop3A_447 = arith.constant 80 : index
        %parallel_loop3A_448 = tpu.vector_load %arg6[%parallel_loop3A_446, %parallel_loop3A_447] {strides = array<i32>} : memref<40x128xf32, #tpu.memory_space<vmem>>, vector<1x16xf32>,
        %parallel_loop3A_449 = vector.shape_cast %parallel_loop3A_448 : vector<1x16xf32> to vector<16xf32>
        %parallel_loop3A_450 = vector.shape_cast %parallel_loop3A_445 : vector<16xf32> to vector<1x16xf32>
        tpu.vector_store %arg6[%parallel_loop3A_446, %parallel_loop3A_447], %parallel_loop3A_450 {add = true, strides = array<i32>} : memref<40x128xf32, #tpu.memory_space<vmem>>, vector<1x16xf32>,
        %parallel_loop3A_451 = arith.addi %mul3A_119, %parallel_loop3A_390 : i32
        %parallel_loop3A_452 = arith.index_cast %parallel_loop3A_451 : i32 to index
        %parallel_loop3A_453 = arith.constant 96 : index
        %parallel_loop3A_454 = tpu.vector_load %arg37[%parallel_loop3A_452, %parallel_loop3A_453] {strides = array<i32>} : memref<200x128xf32, #tpu.memory_space<vmem>>, vector<1x16xf32>,
        %parallel_loop3A_455 = vector.shape_cast %parallel_loop3A_454 : vector<1x16xf32> to vector<16xf32>
        %parallel_loop3A_456 = arith.index_cast %parallel_loop3A_390 : i32 to index
        %parallel_loop3A_457 = arith.constant 96 : index
        %parallel_loop3A_458 = tpu.vector_load %arg6[%parallel_loop3A_456, %parallel_loop3A_457] {strides = array<i32>} : memref<40x128xf32, #tpu.memory_space<vmem>>, vector<1x16xf32>,
        %parallel_loop3A_459 = vector.shape_cast %parallel_loop3A_458 : vector<1x16xf32> to vector<16xf32>
        %parallel_loop3A_460 = vector.shape_cast %parallel_loop3A_455 : vector<16xf32> to vector<1x16xf32>
        tpu.vector_store %arg6[%parallel_loop3A_456, %parallel_loop3A_457], %parallel_loop3A_460 {add = true, strides = array<i32>} : memref<40x128xf32, #tpu.memory_space<vmem>>, vector<1x16xf32>,
        %parallel_loop3A_461 = arith.addi %mul3A_119, %parallel_loop3A_390 : i32
        %parallel_loop3A_462 = arith.index_cast %parallel_loop3A_461 : i32 to index
        %parallel_loop3A_463 = arith.constant 112 : index
        %parallel_loop3A_464 = tpu.vector_load %arg37[%parallel_loop3A_462, %parallel_loop3A_463] {strides = array<i32>} : memref<200x128xf32, #tpu.memory_space<vmem>>, vector<1x16xf32>,
        %parallel_loop3A_465 = vector.shape_cast %parallel_loop3A_464 : vector<1x16xf32> to vector<16xf32>
        %parallel_loop3A_466 = arith.index_cast %parallel_loop3A_390 : i32 to index
        %parallel_loop3A_467 = arith.constant 112 : index
        %parallel_loop3A_468 = tpu.vector_load %arg6[%parallel_loop3A_466, %parallel_loop3A_467] {strides = array<i32>} : memref<40x128xf32, #tpu.memory_space<vmem>>, vector<1x16xf32>,
        %parallel_loop3A_469 = vector.shape_cast %parallel_loop3A_468 : vector<1x16xf32> to vector<16xf32>
        %parallel_loop3A_470 = vector.shape_cast %parallel_loop3A_465 : vector<16xf32> to vector<1x16xf32>
        tpu.vector_store %arg6[%parallel_loop3A_466, %parallel_loop3A_467], %parallel_loop3A_470 {add = true, strides = array<i32>} : memref<40x128xf32, #tpu.memory_space<vmem>>, vector<1x16xf32>,
      } {sc.loop_unroll_factor = 4 : i64, sc.parallel_access}
      %mul3A_122 = arith.constant 40 : i32
      %mul3A_123 = arith.muli %add3A_106, %mul3A_122 : i32
      %add3A_124 = arith.addi %mul3A_2, %mul3A_123 : i32
      %dma_start3A_125 = arith.constant 0 : i32
      %dma_start3A_126 = tpu.memref_slice %arg5[%add3A_124, %dma_start3A_125] : memref<204800x128xf32, #tpu.memory_space<hbm>> -> memref<40x128xf32, #tpu.memory_space<hbm>>
      %dma_start3A_127 = arith.constant 0 : i32
      %dma_start3A_128 = tpu.memref_slice %arg5[%add3A_124, %dma_start3A_127] : memref<204800x128xf32, #tpu.memory_space<hbm>> -> memref<40x128xf32, #tpu.memory_space<hbm>>
      tpu.enqueue_dma source(%arg6 : memref<40x128xf32, #tpu.memory_space<vmem>>) target(%dma_start3A_128 : memref<40x128xf32, #tpu.memory_space<hbm>>) target_semaphore(%arg26 : memref<!tpu.dma_semaphore, #tpu.memory_space<semaphore_mem>>)
      %add3A_129 = arith.constant 1 : i32
      %add3A_130 = arith.addi %add3A_104, %add3A_129 : i32
      %add3A_131 = arith.constant 5 : i32
      %add3A_132 = arith.addi %add3A_130, %add3A_131 : i32
      %lt3A_133 = arith.constant 160 : i32
      %lt3A_134 = arith.cmpi slt, %add3A_132, %lt3A_133 : i32
      %convert_element_type3A_135 = arith.extui %lt3A_134 : i1 to i32
      %cond3A_136 = arith.constant 0 : i32
      %cond3A_137 = arith.cmpi ne, %convert_element_type3A_135, %cond3A_136 : i32
      scf.if %cond3A_137 {
        %ge3A = arith.constant 10 : i32
        %ge3A_390 = arith.cmpi sge, %add3A_132, %ge3A : i32
        %convert_element_type3A_391 = arith.extui %ge3A_390 : i1 to i32
        %cond3A_392 = arith.constant 0 : i32
        %cond3A_393 = arith.cmpi ne, %convert_element_type3A_391, %cond3A_392 : i32
        scf.if %cond3A_393 {
          %sub3A = arith.constant 10 : i32
          %sub3A_400 = arith.subi %add3A_132, %sub3A : i32
          %mul3A_401 = arith.constant 40 : i32
          %mul3A_402 = arith.muli %sub3A_400, %mul3A_401 : i32
          %add3A_403 = arith.addi %mul3A_2, %mul3A_402 : i32
          %dma_wait3A_404 = arith.constant 0 : i32
          %dma_wait3A_405 = tpu.memref_slice %arg5[%add3A_403, %dma_wait3A_404] : memref<204800x128xf32, #tpu.memory_space<hbm>> -> memref<40x128xf32, #tpu.memory_space<hbm>>
          %dma_wait3A_406 = arith.constant 0 : i32
          %dma_wait3A_407 = tpu.memref_slice %arg5[%add3A_403, %dma_wait3A_406] : memref<204800x128xf32, #tpu.memory_space<hbm>> -> memref<40x128xf32, #tpu.memory_space<hbm>>
          tpu.wait_dma2 semaphore(%arg32 : memref<!tpu.dma_semaphore, #tpu.memory_space<semaphore_mem>>) src(%arg12 : memref<40x128xf32, #tpu.memory_space<vmem>>) dst(%dma_wait3A_407 : memref<40x128xf32, #tpu.memory_space<hbm>>)
        } else {
        }
        %dma_start3A_394 = arith.constant 0 : i32
        %dma_start3A_395 = tpu.memref_slice %arg36[%add3A_132, %dma_start3A_394] : memref<160x40xi32, #tpu.memory_space<vmem>> -> memref<1x40xi32, #tpu.memory_space<vmem>>
        %dma_start3A_396 = tpu.memref_squeeze %dma_start3A_395 : memref<1x40xi32, #tpu.memory_space<vmem>> -> memref<40xi32, #tpu.memory_space<vmem>>
        %dma_start3A_397 = arith.constant 0 : i32
        %dma_start3A_398 = arith.constant 0 : i32
        %dma_start3A_399 = tpu.memref_slice %arg4[%dma_start3A_397, %dma_start3A_398] : memref<100000x128xf32, #tpu.memory_space<hbm>> -> memref<100000x128xf32, #tpu.memory_space<hbm>>
        tpu.enqueue_indirect_dma source(%dma_start3A_399 : memref<100000x128xf32, #tpu.memory_space<hbm>>) target(%arg12 : memref<40x128xf32, #tpu.memory_space<vmem>>) offsets(%dma_start3A_396 : memref<40xi32, #tpu.memory_space<vmem>>) semaphore(%arg22 : memref<!tpu.dma_semaphore, #tpu.memory_space<semaphore_mem>>)
      } else {
      }
      %dma_wait3A_138 = arith.constant 0 : i32
      %dma_wait3A_139 = tpu.memref_slice %arg36[%add3A_130, %dma_wait3A_138] : memref<160x40xi32, #tpu.memory_space<vmem>> -> memref<1x40xi32, #tpu.memory_space<vmem>>
      %dma_wait3A_140 = tpu.memref_squeeze %dma_wait3A_139 : memref<1x40xi32, #tpu.memory_space<vmem>> -> memref<40xi32, #tpu.memory_space<vmem>>
      %dma_wait3A_141 = arith.constant 0 : i32
      %dma_wait3A_142 = arith.constant 0 : i32
      %dma_wait3A_143 = tpu.memref_slice %arg4[%dma_wait3A_141, %dma_wait3A_142] : memref<100000x128xf32, #tpu.memory_space<hbm>> -> memref<100000x128xf32, #tpu.memory_space<hbm>>
      tpu.wait_indirect_dma semaphore(%arg17 : memref<!tpu.dma_semaphore, #tpu.memory_space<semaphore_mem>>) src(%dma_wait3A_143 : memref<100000x128xf32, #tpu.memory_space<hbm>>) dst(%arg7 : memref<40x128xf32, #tpu.memory_space<vmem>>)
      %rem3A_144 = arith.constant 5 : i32
      %rem3A_145 = arith.remsi %add3A_130, %rem3A_144 : i32
      %mul3A_146 = arith.constant 40 : i32
      %mul3A_147 = arith.muli %rem3A_145, %mul3A_146 : i32
      %parallel_loop3A_148 = arith.constant 0 : i32
      %parallel_loop3A_149 = arith.constant 40 : i32
      %parallel_loop3A_150 = arith.constant 1 : i32
      scf.for %parallel_loop3A_390 = %parallel_loop3A_148 to %parallel_loop3A_149 step %parallel_loop3A_150  : i32 {
        %parallel_loop3A_391 = arith.addi %mul3A_147, %parallel_loop3A_390 : i32
        %parallel_loop3A_392 = arith.index_cast %parallel_loop3A_391 : i32 to index
        %parallel_loop3A_393 = arith.constant 0 : index
        %parallel_loop3A_394 = tpu.vector_load %arg37[%parallel_loop3A_392, %parallel_loop3A_393] {strides = array<i32>} : memref<200x128xf32, #tpu.memory_space<vmem>>, vector<1x16xf32>,
        %parallel_loop3A_395 = vector.shape_cast %parallel_loop3A_394 : vector<1x16xf32> to vector<16xf32>
        %parallel_loop3A_396 = arith.index_cast %parallel_loop3A_390 : i32 to index
        %parallel_loop3A_397 = arith.constant 0 : index
        %parallel_loop3A_398 = tpu.vector_load %arg7[%parallel_loop3A_396, %parallel_loop3A_397] {strides = array<i32>} : memref<40x128xf32, #tpu.memory_space<vmem>>, vector<1x16xf32>,
        %parallel_loop3A_399 = vector.shape_cast %parallel_loop3A_398 : vector<1x16xf32> to vector<16xf32>
        %parallel_loop3A_400 = vector.shape_cast %parallel_loop3A_395 : vector<16xf32> to vector<1x16xf32>
        tpu.vector_store %arg7[%parallel_loop3A_396, %parallel_loop3A_397], %parallel_loop3A_400 {add = true, strides = array<i32>} : memref<40x128xf32, #tpu.memory_space<vmem>>, vector<1x16xf32>,
        %parallel_loop3A_401 = arith.addi %mul3A_147, %parallel_loop3A_390 : i32
        %parallel_loop3A_402 = arith.index_cast %parallel_loop3A_401 : i32 to index
        %parallel_loop3A_403 = arith.constant 16 : index
        %parallel_loop3A_404 = tpu.vector_load %arg37[%parallel_loop3A_402, %parallel_loop3A_403] {strides = array<i32>} : memref<200x128xf32, #tpu.memory_space<vmem>>, vector<1x16xf32>,
        %parallel_loop3A_405 = vector.shape_cast %parallel_loop3A_404 : vector<1x16xf32> to vector<16xf32>
        %parallel_loop3A_406 = arith.index_cast %parallel_loop3A_390 : i32 to index
        %parallel_loop3A_407 = arith.constant 16 : index
        %parallel_loop3A_408 = tpu.vector_load %arg7[%parallel_loop3A_406, %parallel_loop3A_407] {strides = array<i32>} : memref<40x128xf32, #tpu.memory_space<vmem>>, vector<1x16xf32>,
        %parallel_loop3A_409 = vector.shape_cast %parallel_loop3A_408 : vector<1x16xf32> to vector<16xf32>
        %parallel_loop3A_410 = vector.shape_cast %parallel_loop3A_405 : vector<16xf32> to vector<1x16xf32>
        tpu.vector_store %arg7[%parallel_loop3A_406, %parallel_loop3A_407], %parallel_loop3A_410 {add = true, strides = array<i32>} : memref<40x128xf32, #tpu.memory_space<vmem>>, vector<1x16xf32>,
        %parallel_loop3A_411 = arith.addi %mul3A_147, %parallel_loop3A_390 : i32
        %parallel_loop3A_412 = arith.index_cast %parallel_loop3A_411 : i32 to index
        %parallel_loop3A_413 = arith.constant 32 : index
        %parallel_loop3A_414 = tpu.vector_load %arg37[%parallel_loop3A_412, %parallel_loop3A_413] {strides = array<i32>} : memref<200x128xf32, #tpu.memory_space<vmem>>, vector<1x16xf32>,
        %parallel_loop3A_415 = vector.shape_cast %parallel_loop3A_414 : vector<1x16xf32> to vector<16xf32>
        %parallel_loop3A_416 = arith.index_cast %parallel_loop3A_390 : i32 to index
        %parallel_loop3A_417 = arith.constant 32 : index
        %parallel_loop3A_418 = tpu.vector_load %arg7[%parallel_loop3A_416, %parallel_loop3A_417] {strides = array<i32>} : memref<40x128xf32, #tpu.memory_space<vmem>>, vector<1x16xf32>,
        %parallel_loop3A_419 = vector.shape_cast %parallel_loop3A_418 : vector<1x16xf32> to vector<16xf32>
        %parallel_loop3A_420 = vector.shape_cast %parallel_loop3A_415 : vector<16xf32> to vector<1x16xf32>
        tpu.vector_store %arg7[%parallel_loop3A_416, %parallel_loop3A_417], %parallel_loop3A_420 {add = true, strides = array<i32>} : memref<40x128xf32, #tpu.memory_space<vmem>>, vector<1x16xf32>,
        %parallel_loop3A_421 = arith.addi %mul3A_147, %parallel_loop3A_390 : i32
        %parallel_loop3A_422 = arith.index_cast %parallel_loop3A_421 : i32 to index
        %parallel_loop3A_423 = arith.constant 48 : index
        %parallel_loop3A_424 = tpu.vector_load %arg37[%parallel_loop3A_422, %parallel_loop3A_423] {strides = array<i32>} : memref<200x128xf32, #tpu.memory_space<vmem>>, vector<1x16xf32>,
        %parallel_loop3A_425 = vector.shape_cast %parallel_loop3A_424 : vector<1x16xf32> to vector<16xf32>
        %parallel_loop3A_426 = arith.index_cast %parallel_loop3A_390 : i32 to index
        %parallel_loop3A_427 = arith.constant 48 : index
        %parallel_loop3A_428 = tpu.vector_load %arg7[%parallel_loop3A_426, %parallel_loop3A_427] {strides = array<i32>} : memref<40x128xf32, #tpu.memory_space<vmem>>, vector<1x16xf32>,
        %parallel_loop3A_429 = vector.shape_cast %parallel_loop3A_428 : vector<1x16xf32> to vector<16xf32>
        %parallel_loop3A_430 = vector.shape_cast %parallel_loop3A_425 : vector<16xf32> to vector<1x16xf32>
        tpu.vector_store %arg7[%parallel_loop3A_426, %parallel_loop3A_427], %parallel_loop3A_430 {add = true, strides = array<i32>} : memref<40x128xf32, #tpu.memory_space<vmem>>, vector<1x16xf32>,
        %parallel_loop3A_431 = arith.addi %mul3A_147, %parallel_loop3A_390 : i32
        %parallel_loop3A_432 = arith.index_cast %parallel_loop3A_431 : i32 to index
        %parallel_loop3A_433 = arith.constant 64 : index
        %parallel_loop3A_434 = tpu.vector_load %arg37[%parallel_loop3A_432, %parallel_loop3A_433] {strides = array<i32>} : memref<200x128xf32, #tpu.memory_space<vmem>>, vector<1x16xf32>,
        %parallel_loop3A_435 = vector.shape_cast %parallel_loop3A_434 : vector<1x16xf32> to vector<16xf32>
        %parallel_loop3A_436 = arith.index_cast %parallel_loop3A_390 : i32 to index
        %parallel_loop3A_437 = arith.constant 64 : index
        %parallel_loop3A_438 = tpu.vector_load %arg7[%parallel_loop3A_436, %parallel_loop3A_437] {strides = array<i32>} : memref<40x128xf32, #tpu.memory_space<vmem>>, vector<1x16xf32>,
        %parallel_loop3A_439 = vector.shape_cast %parallel_loop3A_438 : vector<1x16xf32> to vector<16xf32>
        %parallel_loop3A_440 = vector.shape_cast %parallel_loop3A_435 : vector<16xf32> to vector<1x16xf32>
        tpu.vector_store %arg7[%parallel_loop3A_436, %parallel_loop3A_437], %parallel_loop3A_440 {add = true, strides = array<i32>} : memref<40x128xf32, #tpu.memory_space<vmem>>, vector<1x16xf32>,
        %parallel_loop3A_441 = arith.addi %mul3A_147, %parallel_loop3A_390 : i32
        %parallel_loop3A_442 = arith.index_cast %parallel_loop3A_441 : i32 to index
        %parallel_loop3A_443 = arith.constant 80 : index
        %parallel_loop3A_444 = tpu.vector_load %arg37[%parallel_loop3A_442, %parallel_loop3A_443] {strides = array<i32>} : memref<200x128xf32, #tpu.memory_space<vmem>>, vector<1x16xf32>,
        %parallel_loop3A_445 = vector.shape_cast %parallel_loop3A_444 : vector<1x16xf32> to vector<16xf32>
        %parallel_loop3A_446 = arith.index_cast %parallel_loop3A_390 : i32 to index
        %parallel_loop3A_447 = arith.constant 80 : index
        %parallel_loop3A_448 = tpu.vector_load %arg7[%parallel_loop3A_446, %parallel_loop3A_447] {strides = array<i32>} : memref<40x128xf32, #tpu.memory_space<vmem>>, vector<1x16xf32>,
        %parallel_loop3A_449 = vector.shape_cast %parallel_loop3A_448 : vector<1x16xf32> to vector<16xf32>
        %parallel_loop3A_450 = vector.shape_cast %parallel_loop3A_445 : vector<16xf32> to vector<1x16xf32>
        tpu.vector_store %arg7[%parallel_loop3A_446, %parallel_loop3A_447], %parallel_loop3A_450 {add = true, strides = array<i32>} : memref<40x128xf32, #tpu.memory_space<vmem>>, vector<1x16xf32>,
        %parallel_loop3A_451 = arith.addi %mul3A_147, %parallel_loop3A_390 : i32
        %parallel_loop3A_452 = arith.index_cast %parallel_loop3A_451 : i32 to index
        %parallel_loop3A_453 = arith.constant 96 : index
        %parallel_loop3A_454 = tpu.vector_load %arg37[%parallel_loop3A_452, %parallel_loop3A_453] {strides = array<i32>} : memref<200x128xf32, #tpu.memory_space<vmem>>, vector<1x16xf32>,
        %parallel_loop3A_455 = vector.shape_cast %parallel_loop3A_454 : vector<1x16xf32> to vector<16xf32>
        %parallel_loop3A_456 = arith.index_cast %parallel_loop3A_390 : i32 to index
        %parallel_loop3A_457 = arith.constant 96 : index
        %parallel_loop3A_458 = tpu.vector_load %arg7[%parallel_loop3A_456, %parallel_loop3A_457] {strides = array<i32>} : memref<40x128xf32, #tpu.memory_space<vmem>>, vector<1x16xf32>,
        %parallel_loop3A_459 = vector.shape_cast %parallel_loop3A_458 : vector<1x16xf32> to vector<16xf32>
        %parallel_loop3A_460 = vector.shape_cast %parallel_loop3A_455 : vector<16xf32> to vector<1x16xf32>
        tpu.vector_store %arg7[%parallel_loop3A_456, %parallel_loop3A_457], %parallel_loop3A_460 {add = true, strides = array<i32>} : memref<40x128xf32, #tpu.memory_space<vmem>>, vector<1x16xf32>,
        %parallel_loop3A_461 = arith.addi %mul3A_147, %parallel_loop3A_390 : i32
        %parallel_loop3A_462 = arith.index_cast %parallel_loop3A_461 : i32 to index
        %parallel_loop3A_463 = arith.constant 112 : index
        %parallel_loop3A_464 = tpu.vector_load %arg37[%parallel_loop3A_462, %parallel_loop3A_463] {strides = array<i32>} : memref<200x128xf32, #tpu.memory_space<vmem>>, vector<1x16xf32>,
        %parallel_loop3A_465 = vector.shape_cast %parallel_loop3A_464 : vector<1x16xf32> to vector<16xf32>
        %parallel_loop3A_466 = arith.index_cast %parallel_loop3A_390 : i32 to index
        %parallel_loop3A_467 = arith.constant 112 : index
        %parallel_loop3A_468 = tpu.vector_load %arg7[%parallel_loop3A_466, %parallel_loop3A_467] {strides = array<i32>} : memref<40x128xf32, #tpu.memory_space<vmem>>, vector<1x16xf32>,
        %parallel_loop3A_469 = vector.shape_cast %parallel_loop3A_468 : vector<1x16xf32> to vector<16xf32>
        %parallel_loop3A_470 = vector.shape_cast %parallel_loop3A_465 : vector<16xf32> to vector<1x16xf32>
        tpu.vector_store %arg7[%parallel_loop3A_466, %parallel_loop3A_467], %parallel_loop3A_470 {add = true, strides = array<i32>} : memref<40x128xf32, #tpu.memory_space<vmem>>, vector<1x16xf32>,
      } {sc.loop_unroll_factor = 4 : i64, sc.parallel_access}
      %mul3A_151 = arith.constant 40 : i32
      %mul3A_152 = arith.muli %add3A_130, %mul3A_151 : i32
      %add3A_153 = arith.addi %mul3A_2, %mul3A_152 : i32
      %dma_start3A_154 = arith.constant 0 : i32
      %dma_start3A_155 = tpu.memref_slice %arg5[%add3A_153, %dma_start3A_154] : memref<204800x128xf32, #tpu.memory_space<hbm>> -> memref<40x128xf32, #tpu.memory_space<hbm>>
      %dma_start3A_156 = arith.constant 0 : i32
      %dma_start3A_157 = tpu.memref_slice %arg5[%add3A_153, %dma_start3A_156] : memref<204800x128xf32, #tpu.memory_space<hbm>> -> memref<40x128xf32, #tpu.memory_space<hbm>>
      tpu.enqueue_dma source(%arg7 : memref<40x128xf32, #tpu.memory_space<vmem>>) target(%dma_start3A_157 : memref<40x128xf32, #tpu.memory_space<hbm>>) target_semaphore(%arg27 : memref<!tpu.dma_semaphore, #tpu.memory_space<semaphore_mem>>)
      %add3A_158 = arith.constant 2 : i32
      %add3A_159 = arith.addi %add3A_104, %add3A_158 : i32
      %add3A_160 = arith.constant 5 : i32
      %add3A_161 = arith.addi %add3A_159, %add3A_160 : i32
      %lt3A_162 = arith.constant 160 : i32
      %lt3A_163 = arith.cmpi slt, %add3A_161, %lt3A_162 : i32
      %convert_element_type3A_164 = arith.extui %lt3A_163 : i1 to i32
      %cond3A_165 = arith.constant 0 : i32
      %cond3A_166 = arith.cmpi ne, %convert_element_type3A_164, %cond3A_165 : i32
      scf.if %cond3A_166 {
        %ge3A = arith.constant 10 : i32
        %ge3A_390 = arith.cmpi sge, %add3A_161, %ge3A : i32
        %convert_element_type3A_391 = arith.extui %ge3A_390 : i1 to i32
        %cond3A_392 = arith.constant 0 : i32
        %cond3A_393 = arith.cmpi ne, %convert_element_type3A_391, %cond3A_392 : i32
        scf.if %cond3A_393 {
          %sub3A = arith.constant 10 : i32
          %sub3A_400 = arith.subi %add3A_161, %sub3A : i32
          %mul3A_401 = arith.constant 40 : i32
          %mul3A_402 = arith.muli %sub3A_400, %mul3A_401 : i32
          %add3A_403 = arith.addi %mul3A_2, %mul3A_402 : i32
          %dma_wait3A_404 = arith.constant 0 : i32
          %dma_wait3A_405 = tpu.memref_slice %arg5[%add3A_403, %dma_wait3A_404] : memref<204800x128xf32, #tpu.memory_space<hbm>> -> memref<40x128xf32, #tpu.memory_space<hbm>>
          %dma_wait3A_406 = arith.constant 0 : i32
          %dma_wait3A_407 = tpu.memref_slice %arg5[%add3A_403, %dma_wait3A_406] : memref<204800x128xf32, #tpu.memory_space<hbm>> -> memref<40x128xf32, #tpu.memory_space<hbm>>
          tpu.wait_dma2 semaphore(%arg33 : memref<!tpu.dma_semaphore, #tpu.memory_space<semaphore_mem>>) src(%arg13 : memref<40x128xf32, #tpu.memory_space<vmem>>) dst(%dma_wait3A_407 : memref<40x128xf32, #tpu.memory_space<hbm>>)
        } else {
        }
        %dma_start3A_394 = arith.constant 0 : i32
        %dma_start3A_395 = tpu.memref_slice %arg36[%add3A_161, %dma_start3A_394] : memref<160x40xi32, #tpu.memory_space<vmem>> -> memref<1x40xi32, #tpu.memory_space<vmem>>
        %dma_start3A_396 = tpu.memref_squeeze %dma_start3A_395 : memref<1x40xi32, #tpu.memory_space<vmem>> -> memref<40xi32, #tpu.memory_space<vmem>>
        %dma_start3A_397 = arith.constant 0 : i32
        %dma_start3A_398 = arith.constant 0 : i32
        %dma_start3A_399 = tpu.memref_slice %arg4[%dma_start3A_397, %dma_start3A_398] : memref<100000x128xf32, #tpu.memory_space<hbm>> -> memref<100000x128xf32, #tpu.memory_space<hbm>>
        tpu.enqueue_indirect_dma source(%dma_start3A_399 : memref<100000x128xf32, #tpu.memory_space<hbm>>) target(%arg13 : memref<40x128xf32, #tpu.memory_space<vmem>>) offsets(%dma_start3A_396 : memref<40xi32, #tpu.memory_space<vmem>>) semaphore(%arg23 : memref<!tpu.dma_semaphore, #tpu.memory_space<semaphore_mem>>)
      } else {
      }
      %dma_wait3A_167 = arith.constant 0 : i32
      %dma_wait3A_168 = tpu.memref_slice %arg36[%add3A_159, %dma_wait3A_167] : memref<160x40xi32, #tpu.memory_space<vmem>> -> memref<1x40xi32, #tpu.memory_space<vmem>>
      %dma_wait3A_169 = tpu.memref_squeeze %dma_wait3A_168 : memref<1x40xi32, #tpu.memory_space<vmem>> -> memref<40xi32, #tpu.memory_space<vmem>>
      %dma_wait3A_170 = arith.constant 0 : i32
      %dma_wait3A_171 = arith.constant 0 : i32
      %dma_wait3A_172 = tpu.memref_slice %arg4[%dma_wait3A_170, %dma_wait3A_171] : memref<100000x128xf32, #tpu.memory_space<hbm>> -> memref<100000x128xf32, #tpu.memory_space<hbm>>
      tpu.wait_indirect_dma semaphore(%arg18 : memref<!tpu.dma_semaphore, #tpu.memory_space<semaphore_mem>>) src(%dma_wait3A_172 : memref<100000x128xf32, #tpu.memory_space<hbm>>) dst(%arg8 : memref<40x128xf32, #tpu.memory_space<vmem>>)
      %rem3A_173 = arith.constant 5 : i32
      %rem3A_174 = arith.remsi %add3A_159, %rem3A_173 : i32
      %mul3A_175 = arith.constant 40 : i32
      %mul3A_176 = arith.muli %rem3A_174, %mul3A_175 : i32
      %parallel_loop3A_177 = arith.constant 0 : i32
      %parallel_loop3A_178 = arith.constant 40 : i32
      %parallel_loop3A_179 = arith.constant 1 : i32
      scf.for %parallel_loop3A_390 = %parallel_loop3A_177 to %parallel_loop3A_178 step %parallel_loop3A_179  : i32 {
        %parallel_loop3A_391 = arith.addi %mul3A_176, %parallel_loop3A_390 : i32
        %parallel_loop3A_392 = arith.index_cast %parallel_loop3A_391 : i32 to index
        %parallel_loop3A_393 = arith.constant 0 : index
        %parallel_loop3A_394 = tpu.vector_load %arg37[%parallel_loop3A_392, %parallel_loop3A_393] {strides = array<i32>} : memref<200x128xf32, #tpu.memory_space<vmem>>, vector<1x16xf32>,
        %parallel_loop3A_395 = vector.shape_cast %parallel_loop3A_394 : vector<1x16xf32> to vector<16xf32>
        %parallel_loop3A_396 = arith.index_cast %parallel_loop3A_390 : i32 to index
        %parallel_loop3A_397 = arith.constant 0 : index
        %parallel_loop3A_398 = tpu.vector_load %arg8[%parallel_loop3A_396, %parallel_loop3A_397] {strides = array<i32>} : memref<40x128xf32, #tpu.memory_space<vmem>>, vector<1x16xf32>,
        %parallel_loop3A_399 = vector.shape_cast %parallel_loop3A_398 : vector<1x16xf32> to vector<16xf32>
        %parallel_loop3A_400 = vector.shape_cast %parallel_loop3A_395 : vector<16xf32> to vector<1x16xf32>
        tpu.vector_store %arg8[%parallel_loop3A_396, %parallel_loop3A_397], %parallel_loop3A_400 {add = true, strides = array<i32>} : memref<40x128xf32, #tpu.memory_space<vmem>>, vector<1x16xf32>,
        %parallel_loop3A_401 = arith.addi %mul3A_176, %parallel_loop3A_390 : i32
        %parallel_loop3A_402 = arith.index_cast %parallel_loop3A_401 : i32 to index
        %parallel_loop3A_403 = arith.constant 16 : index
        %parallel_loop3A_404 = tpu.vector_load %arg37[%parallel_loop3A_402, %parallel_loop3A_403] {strides = array<i32>} : memref<200x128xf32, #tpu.memory_space<vmem>>, vector<1x16xf32>,
        %parallel_loop3A_405 = vector.shape_cast %parallel_loop3A_404 : vector<1x16xf32> to vector<16xf32>
        %parallel_loop3A_406 = arith.index_cast %parallel_loop3A_390 : i32 to index
        %parallel_loop3A_407 = arith.constant 16 : index
        %parallel_loop3A_408 = tpu.vector_load %arg8[%parallel_loop3A_406, %parallel_loop3A_407] {strides = array<i32>} : memref<40x128xf32, #tpu.memory_space<vmem>>, vector<1x16xf32>,
        %parallel_loop3A_409 = vector.shape_cast %parallel_loop3A_408 : vector<1x16xf32> to vector<16xf32>
        %parallel_loop3A_410 = vector.shape_cast %parallel_loop3A_405 : vector<16xf32> to vector<1x16xf32>
        tpu.vector_store %arg8[%parallel_loop3A_406, %parallel_loop3A_407], %parallel_loop3A_410 {add = true, strides = array<i32>} : memref<40x128xf32, #tpu.memory_space<vmem>>, vector<1x16xf32>,
        %parallel_loop3A_411 = arith.addi %mul3A_176, %parallel_loop3A_390 : i32
        %parallel_loop3A_412 = arith.index_cast %parallel_loop3A_411 : i32 to index
        %parallel_loop3A_413 = arith.constant 32 : index
        %parallel_loop3A_414 = tpu.vector_load %arg37[%parallel_loop3A_412, %parallel_loop3A_413] {strides = array<i32>} : memref<200x128xf32, #tpu.memory_space<vmem>>, vector<1x16xf32>,
        %parallel_loop3A_415 = vector.shape_cast %parallel_loop3A_414 : vector<1x16xf32> to vector<16xf32>
        %parallel_loop3A_416 = arith.index_cast %parallel_loop3A_390 : i32 to index
        %parallel_loop3A_417 = arith.constant 32 : index
        %parallel_loop3A_418 = tpu.vector_load %arg8[%parallel_loop3A_416, %parallel_loop3A_417] {strides = array<i32>} : memref<40x128xf32, #tpu.memory_space<vmem>>, vector<1x16xf32>,
        %parallel_loop3A_419 = vector.shape_cast %parallel_loop3A_418 : vector<1x16xf32> to vector<16xf32>
        %parallel_loop3A_420 = vector.shape_cast %parallel_loop3A_415 : vector<16xf32> to vector<1x16xf32>
        tpu.vector_store %arg8[%parallel_loop3A_416, %parallel_loop3A_417], %parallel_loop3A_420 {add = true, strides = array<i32>} : memref<40x128xf32, #tpu.memory_space<vmem>>, vector<1x16xf32>,
        %parallel_loop3A_421 = arith.addi %mul3A_176, %parallel_loop3A_390 : i32
        %parallel_loop3A_422 = arith.index_cast %parallel_loop3A_421 : i32 to index
        %parallel_loop3A_423 = arith.constant 48 : index
        %parallel_loop3A_424 = tpu.vector_load %arg37[%parallel_loop3A_422, %parallel_loop3A_423] {strides = array<i32>} : memref<200x128xf32, #tpu.memory_space<vmem>>, vector<1x16xf32>,
        %parallel_loop3A_425 = vector.shape_cast %parallel_loop3A_424 : vector<1x16xf32> to vector<16xf32>
        %parallel_loop3A_426 = arith.index_cast %parallel_loop3A_390 : i32 to index
        %parallel_loop3A_427 = arith.constant 48 : index
        %parallel_loop3A_428 = tpu.vector_load %arg8[%parallel_loop3A_426, %parallel_loop3A_427] {strides = array<i32>} : memref<40x128xf32, #tpu.memory_space<vmem>>, vector<1x16xf32>,
        %parallel_loop3A_429 = vector.shape_cast %parallel_loop3A_428 : vector<1x16xf32> to vector<16xf32>
        %parallel_loop3A_430 = vector.shape_cast %parallel_loop3A_425 : vector<16xf32> to vector<1x16xf32>
        tpu.vector_store %arg8[%parallel_loop3A_426, %parallel_loop3A_427], %parallel_loop3A_430 {add = true, strides = array<i32>} : memref<40x128xf32, #tpu.memory_space<vmem>>, vector<1x16xf32>,
        %parallel_loop3A_431 = arith.addi %mul3A_176, %parallel_loop3A_390 : i32
        %parallel_loop3A_432 = arith.index_cast %parallel_loop3A_431 : i32 to index
        %parallel_loop3A_433 = arith.constant 64 : index
        %parallel_loop3A_434 = tpu.vector_load %arg37[%parallel_loop3A_432, %parallel_loop3A_433] {strides = array<i32>} : memref<200x128xf32, #tpu.memory_space<vmem>>, vector<1x16xf32>,
        %parallel_loop3A_435 = vector.shape_cast %parallel_loop3A_434 : vector<1x16xf32> to vector<16xf32>
        %parallel_loop3A_436 = arith.index_cast %parallel_loop3A_390 : i32 to index
        %parallel_loop3A_437 = arith.constant 64 : index
        %parallel_loop3A_438 = tpu.vector_load %arg8[%parallel_loop3A_436, %parallel_loop3A_437] {strides = array<i32>} : memref<40x128xf32, #tpu.memory_space<vmem>>, vector<1x16xf32>,
        %parallel_loop3A_439 = vector.shape_cast %parallel_loop3A_438 : vector<1x16xf32> to vector<16xf32>
        %parallel_loop3A_440 = vector.shape_cast %parallel_loop3A_435 : vector<16xf32> to vector<1x16xf32>
        tpu.vector_store %arg8[%parallel_loop3A_436, %parallel_loop3A_437], %parallel_loop3A_440 {add = true, strides = array<i32>} : memref<40x128xf32, #tpu.memory_space<vmem>>, vector<1x16xf32>,
        %parallel_loop3A_441 = arith.addi %mul3A_176, %parallel_loop3A_390 : i32
        %parallel_loop3A_442 = arith.index_cast %parallel_loop3A_441 : i32 to index
        %parallel_loop3A_443 = arith.constant 80 : index
        %parallel_loop3A_444 = tpu.vector_load %arg37[%parallel_loop3A_442, %parallel_loop3A_443] {strides = array<i32>} : memref<200x128xf32, #tpu.memory_space<vmem>>, vector<1x16xf32>,
        %parallel_loop3A_445 = vector.shape_cast %parallel_loop3A_444 : vector<1x16xf32> to vector<16xf32>
        %parallel_loop3A_446 = arith.index_cast %parallel_loop3A_390 : i32 to index
        %parallel_loop3A_447 = arith.constant 80 : index
        %parallel_loop3A_448 = tpu.vector_load %arg8[%parallel_loop3A_446, %parallel_loop3A_447] {strides = array<i32>} : memref<40x128xf32, #tpu.memory_space<vmem>>, vector<1x16xf32>,
        %parallel_loop3A_449 = vector.shape_cast %parallel_loop3A_448 : vector<1x16xf32> to vector<16xf32>
        %parallel_loop3A_450 = vector.shape_cast %parallel_loop3A_445 : vector<16xf32> to vector<1x16xf32>
        tpu.vector_store %arg8[%parallel_loop3A_446, %parallel_loop3A_447], %parallel_loop3A_450 {add = true, strides = array<i32>} : memref<40x128xf32, #tpu.memory_space<vmem>>, vector<1x16xf32>,
        %parallel_loop3A_451 = arith.addi %mul3A_176, %parallel_loop3A_390 : i32
        %parallel_loop3A_452 = arith.index_cast %parallel_loop3A_451 : i32 to index
        %parallel_loop3A_453 = arith.constant 96 : index
        %parallel_loop3A_454 = tpu.vector_load %arg37[%parallel_loop3A_452, %parallel_loop3A_453] {strides = array<i32>} : memref<200x128xf32, #tpu.memory_space<vmem>>, vector<1x16xf32>,
        %parallel_loop3A_455 = vector.shape_cast %parallel_loop3A_454 : vector<1x16xf32> to vector<16xf32>
        %parallel_loop3A_456 = arith.index_cast %parallel_loop3A_390 : i32 to index
        %parallel_loop3A_457 = arith.constant 96 : index
        %parallel_loop3A_458 = tpu.vector_load %arg8[%parallel_loop3A_456, %parallel_loop3A_457] {strides = array<i32>} : memref<40x128xf32, #tpu.memory_space<vmem>>, vector<1x16xf32>,
        %parallel_loop3A_459 = vector.shape_cast %parallel_loop3A_458 : vector<1x16xf32> to vector<16xf32>
        %parallel_loop3A_460 = vector.shape_cast %parallel_loop3A_455 : vector<16xf32> to vector<1x16xf32>
        tpu.vector_store %arg8[%parallel_loop3A_456, %parallel_loop3A_457], %parallel_loop3A_460 {add = true, strides = array<i32>} : memref<40x128xf32, #tpu.memory_space<vmem>>, vector<1x16xf32>,
        %parallel_loop3A_461 = arith.addi %mul3A_176, %parallel_loop3A_390 : i32
        %parallel_loop3A_462 = arith.index_cast %parallel_loop3A_461 : i32 to index
        %parallel_loop3A_463 = arith.constant 112 : index
        %parallel_loop3A_464 = tpu.vector_load %arg37[%parallel_loop3A_462, %parallel_loop3A_463] {strides = array<i32>} : memref<200x128xf32, #tpu.memory_space<vmem>>, vector<1x16xf32>,
        %parallel_loop3A_465 = vector.shape_cast %parallel_loop3A_464 : vector<1x16xf32> to vector<16xf32>
        %parallel_loop3A_466 = arith.index_cast %parallel_loop3A_390 : i32 to index
        %parallel_loop3A_467 = arith.constant 112 : index
        %parallel_loop3A_468 = tpu.vector_load %arg8[%parallel_loop3A_466, %parallel_loop3A_467] {strides = array<i32>} : memref<40x128xf32, #tpu.memory_space<vmem>>, vector<1x16xf32>,
        %parallel_loop3A_469 = vector.shape_cast %parallel_loop3A_468 : vector<1x16xf32> to vector<16xf32>
        %parallel_loop3A_470 = vector.shape_cast %parallel_loop3A_465 : vector<16xf32> to vector<1x16xf32>
        tpu.vector_store %arg8[%parallel_loop3A_466, %parallel_loop3A_467], %parallel_loop3A_470 {add = true, strides = array<i32>} : memref<40x128xf32, #tpu.memory_space<vmem>>, vector<1x16xf32>,
      } {sc.loop_unroll_factor = 4 : i64, sc.parallel_access}
      %mul3A_180 = arith.constant 40 : i32
      %mul3A_181 = arith.muli %add3A_159, %mul3A_180 : i32
      %add3A_182 = arith.addi %mul3A_2, %mul3A_181 : i32
      %dma_start3A_183 = arith.constant 0 : i32
      %dma_start3A_184 = tpu.memref_slice %arg5[%add3A_182, %dma_start3A_183] : memref<204800x128xf32, #tpu.memory_space<hbm>> -> memref<40x128xf32, #tpu.memory_space<hbm>>
      %dma_start3A_185 = arith.constant 0 : i32
      %dma_start3A_186 = tpu.memref_slice %arg5[%add3A_182, %dma_start3A_185] : memref<204800x128xf32, #tpu.memory_space<hbm>> -> memref<40x128xf32, #tpu.memory_space<hbm>>
      tpu.enqueue_dma source(%arg8 : memref<40x128xf32, #tpu.memory_space<vmem>>) target(%dma_start3A_186 : memref<40x128xf32, #tpu.memory_space<hbm>>) target_semaphore(%arg28 : memref<!tpu.dma_semaphore, #tpu.memory_space<semaphore_mem>>)
      %add3A_187 = arith.constant 3 : i32
      %add3A_188 = arith.addi %add3A_104, %add3A_187 : i32
      %add3A_189 = arith.constant 5 : i32
      %add3A_190 = arith.addi %add3A_188, %add3A_189 : i32
      %lt3A_191 = arith.constant 160 : i32
      %lt3A_192 = arith.cmpi slt, %add3A_190, %lt3A_191 : i32
      %convert_element_type3A_193 = arith.extui %lt3A_192 : i1 to i32
      %cond3A_194 = arith.constant 0 : i32
      %cond3A_195 = arith.cmpi ne, %convert_element_type3A_193, %cond3A_194 : i32
      scf.if %cond3A_195 {
        %ge3A = arith.constant 10 : i32
        %ge3A_390 = arith.cmpi sge, %add3A_190, %ge3A : i32
        %convert_element_type3A_391 = arith.extui %ge3A_390 : i1 to i32
        %cond3A_392 = arith.constant 0 : i32
        %cond3A_393 = arith.cmpi ne, %convert_element_type3A_391, %cond3A_392 : i32
        scf.if %cond3A_393 {
          %sub3A = arith.constant 10 : i32
          %sub3A_400 = arith.subi %add3A_190, %sub3A : i32
          %mul3A_401 = arith.constant 40 : i32
          %mul3A_402 = arith.muli %sub3A_400, %mul3A_401 : i32
          %add3A_403 = arith.addi %mul3A_2, %mul3A_402 : i32
          %dma_wait3A_404 = arith.constant 0 : i32
          %dma_wait3A_405 = tpu.memref_slice %arg5[%add3A_403, %dma_wait3A_404] : memref<204800x128xf32, #tpu.memory_space<hbm>> -> memref<40x128xf32, #tpu.memory_space<hbm>>
          %dma_wait3A_406 = arith.constant 0 : i32
          %dma_wait3A_407 = tpu.memref_slice %arg5[%add3A_403, %dma_wait3A_406] : memref<204800x128xf32, #tpu.memory_space<hbm>> -> memref<40x128xf32, #tpu.memory_space<hbm>>
          tpu.wait_dma2 semaphore(%arg34 : memref<!tpu.dma_semaphore, #tpu.memory_space<semaphore_mem>>) src(%arg14 : memref<40x128xf32, #tpu.memory_space<vmem>>) dst(%dma_wait3A_407 : memref<40x128xf32, #tpu.memory_space<hbm>>)
        } else {
        }
        %dma_start3A_394 = arith.constant 0 : i32
        %dma_start3A_395 = tpu.memref_slice %arg36[%add3A_190, %dma_start3A_394] : memref<160x40xi32, #tpu.memory_space<vmem>> -> memref<1x40xi32, #tpu.memory_space<vmem>>
        %dma_start3A_396 = tpu.memref_squeeze %dma_start3A_395 : memref<1x40xi32, #tpu.memory_space<vmem>> -> memref<40xi32, #tpu.memory_space<vmem>>
        %dma_start3A_397 = arith.constant 0 : i32
        %dma_start3A_398 = arith.constant 0 : i32
        %dma_start3A_399 = tpu.memref_slice %arg4[%dma_start3A_397, %dma_start3A_398] : memref<100000x128xf32, #tpu.memory_space<hbm>> -> memref<100000x128xf32, #tpu.memory_space<hbm>>
        tpu.enqueue_indirect_dma source(%dma_start3A_399 : memref<100000x128xf32, #tpu.memory_space<hbm>>) target(%arg14 : memref<40x128xf32, #tpu.memory_space<vmem>>) offsets(%dma_start3A_396 : memref<40xi32, #tpu.memory_space<vmem>>) semaphore(%arg24 : memref<!tpu.dma_semaphore, #tpu.memory_space<semaphore_mem>>)
      } else {
      }
      %dma_wait3A_196 = arith.constant 0 : i32
      %dma_wait3A_197 = tpu.memref_slice %arg36[%add3A_188, %dma_wait3A_196] : memref<160x40xi32, #tpu.memory_space<vmem>> -> memref<1x40xi32, #tpu.memory_space<vmem>>
      %dma_wait3A_198 = tpu.memref_squeeze %dma_wait3A_197 : memref<1x40xi32, #tpu.memory_space<vmem>> -> memref<40xi32, #tpu.memory_space<vmem>>
      %dma_wait3A_199 = arith.constant 0 : i32
      %dma_wait3A_200 = arith.constant 0 : i32
      %dma_wait3A_201 = tpu.memref_slice %arg4[%dma_wait3A_199, %dma_wait3A_200] : memref<100000x128xf32, #tpu.memory_space<hbm>> -> memref<100000x128xf32, #tpu.memory_space<hbm>>
      tpu.wait_indirect_dma semaphore(%arg19 : memref<!tpu.dma_semaphore, #tpu.memory_space<semaphore_mem>>) src(%dma_wait3A_201 : memref<100000x128xf32, #tpu.memory_space<hbm>>) dst(%arg9 : memref<40x128xf32, #tpu.memory_space<vmem>>)
      %rem3A_202 = arith.constant 5 : i32
      %rem3A_203 = arith.remsi %add3A_188, %rem3A_202 : i32
      %mul3A_204 = arith.constant 40 : i32
      %mul3A_205 = arith.muli %rem3A_203, %mul3A_204 : i32
      %parallel_loop3A_206 = arith.constant 0 : i32
      %parallel_loop3A_207 = arith.constant 40 : i32
      %parallel_loop3A_208 = arith.constant 1 : i32
      scf.for %parallel_loop3A_390 = %parallel_loop3A_206 to %parallel_loop3A_207 step %parallel_loop3A_208  : i32 {
        %parallel_loop3A_391 = arith.addi %mul3A_205, %parallel_loop3A_390 : i32
        %parallel_loop3A_392 = arith.index_cast %parallel_loop3A_391 : i32 to index
        %parallel_loop3A_393 = arith.constant 0 : index
        %parallel_loop3A_394 = tpu.vector_load %arg37[%parallel_loop3A_392, %parallel_loop3A_393] {strides = array<i32>} : memref<200x128xf32, #tpu.memory_space<vmem>>, vector<1x16xf32>,
        %parallel_loop3A_395 = vector.shape_cast %parallel_loop3A_394 : vector<1x16xf32> to vector<16xf32>
        %parallel_loop3A_396 = arith.index_cast %parallel_loop3A_390 : i32 to index
        %parallel_loop3A_397 = arith.constant 0 : index
        %parallel_loop3A_398 = tpu.vector_load %arg9[%parallel_loop3A_396, %parallel_loop3A_397] {strides = array<i32>} : memref<40x128xf32, #tpu.memory_space<vmem>>, vector<1x16xf32>,
        %parallel_loop3A_399 = vector.shape_cast %parallel_loop3A_398 : vector<1x16xf32> to vector<16xf32>
        %parallel_loop3A_400 = vector.shape_cast %parallel_loop3A_395 : vector<16xf32> to vector<1x16xf32>
        tpu.vector_store %arg9[%parallel_loop3A_396, %parallel_loop3A_397], %parallel_loop3A_400 {add = true, strides = array<i32>} : memref<40x128xf32, #tpu.memory_space<vmem>>, vector<1x16xf32>,
        %parallel_loop3A_401 = arith.addi %mul3A_205, %parallel_loop3A_390 : i32
        %parallel_loop3A_402 = arith.index_cast %parallel_loop3A_401 : i32 to index
        %parallel_loop3A_403 = arith.constant 16 : index
        %parallel_loop3A_404 = tpu.vector_load %arg37[%parallel_loop3A_402, %parallel_loop3A_403] {strides = array<i32>} : memref<200x128xf32, #tpu.memory_space<vmem>>, vector<1x16xf32>,
        %parallel_loop3A_405 = vector.shape_cast %parallel_loop3A_404 : vector<1x16xf32> to vector<16xf32>
        %parallel_loop3A_406 = arith.index_cast %parallel_loop3A_390 : i32 to index
        %parallel_loop3A_407 = arith.constant 16 : index
        %parallel_loop3A_408 = tpu.vector_load %arg9[%parallel_loop3A_406, %parallel_loop3A_407] {strides = array<i32>} : memref<40x128xf32, #tpu.memory_space<vmem>>, vector<1x16xf32>,
        %parallel_loop3A_409 = vector.shape_cast %parallel_loop3A_408 : vector<1x16xf32> to vector<16xf32>
        %parallel_loop3A_410 = vector.shape_cast %parallel_loop3A_405 : vector<16xf32> to vector<1x16xf32>
        tpu.vector_store %arg9[%parallel_loop3A_406, %parallel_loop3A_407], %parallel_loop3A_410 {add = true, strides = array<i32>} : memref<40x128xf32, #tpu.memory_space<vmem>>, vector<1x16xf32>,
        %parallel_loop3A_411 = arith.addi %mul3A_205, %parallel_loop3A_390 : i32
        %parallel_loop3A_412 = arith.index_cast %parallel_loop3A_411 : i32 to index
        %parallel_loop3A_413 = arith.constant 32 : index
        %parallel_loop3A_414 = tpu.vector_load %arg37[%parallel_loop3A_412, %parallel_loop3A_413] {strides = array<i32>} : memref<200x128xf32, #tpu.memory_space<vmem>>, vector<1x16xf32>,
        %parallel_loop3A_415 = vector.shape_cast %parallel_loop3A_414 : vector<1x16xf32> to vector<16xf32>
        %parallel_loop3A_416 = arith.index_cast %parallel_loop3A_390 : i32 to index
        %parallel_loop3A_417 = arith.constant 32 : index
        %parallel_loop3A_418 = tpu.vector_load %arg9[%parallel_loop3A_416, %parallel_loop3A_417] {strides = array<i32>} : memref<40x128xf32, #tpu.memory_space<vmem>>, vector<1x16xf32>,
        %parallel_loop3A_419 = vector.shape_cast %parallel_loop3A_418 : vector<1x16xf32> to vector<16xf32>
        %parallel_loop3A_420 = vector.shape_cast %parallel_loop3A_415 : vector<16xf32> to vector<1x16xf32>
        tpu.vector_store %arg9[%parallel_loop3A_416, %parallel_loop3A_417], %parallel_loop3A_420 {add = true, strides = array<i32>} : memref<40x128xf32, #tpu.memory_space<vmem>>, vector<1x16xf32>,
        %parallel_loop3A_421 = arith.addi %mul3A_205, %parallel_loop3A_390 : i32
        %parallel_loop3A_422 = arith.index_cast %parallel_loop3A_421 : i32 to index
        %parallel_loop3A_423 = arith.constant 48 : index
        %parallel_loop3A_424 = tpu.vector_load %arg37[%parallel_loop3A_422, %parallel_loop3A_423] {strides = array<i32>} : memref<200x128xf32, #tpu.memory_space<vmem>>, vector<1x16xf32>,
        %parallel_loop3A_425 = vector.shape_cast %parallel_loop3A_424 : vector<1x16xf32> to vector<16xf32>
        %parallel_loop3A_426 = arith.index_cast %parallel_loop3A_390 : i32 to index
        %parallel_loop3A_427 = arith.constant 48 : index
        %parallel_loop3A_428 = tpu.vector_load %arg9[%parallel_loop3A_426, %parallel_loop3A_427] {strides = array<i32>} : memref<40x128xf32, #tpu.memory_space<vmem>>, vector<1x16xf32>,
        %parallel_loop3A_429 = vector.shape_cast %parallel_loop3A_428 : vector<1x16xf32> to vector<16xf32>
        %parallel_loop3A_430 = vector.shape_cast %parallel_loop3A_425 : vector<16xf32> to vector<1x16xf32>
        tpu.vector_store %arg9[%parallel_loop3A_426, %parallel_loop3A_427], %parallel_loop3A_430 {add = true, strides = array<i32>} : memref<40x128xf32, #tpu.memory_space<vmem>>, vector<1x16xf32>,
        %parallel_loop3A_431 = arith.addi %mul3A_205, %parallel_loop3A_390 : i32
        %parallel_loop3A_432 = arith.index_cast %parallel_loop3A_431 : i32 to index
        %parallel_loop3A_433 = arith.constant 64 : index
        %parallel_loop3A_434 = tpu.vector_load %arg37[%parallel_loop3A_432, %parallel_loop3A_433] {strides = array<i32>} : memref<200x128xf32, #tpu.memory_space<vmem>>, vector<1x16xf32>,
        %parallel_loop3A_435 = vector.shape_cast %parallel_loop3A_434 : vector<1x16xf32> to vector<16xf32>
        %parallel_loop3A_436 = arith.index_cast %parallel_loop3A_390 : i32 to index
        %parallel_loop3A_437 = arith.constant 64 : index
        %parallel_loop3A_438 = tpu.vector_load %arg9[%parallel_loop3A_436, %parallel_loop3A_437] {strides = array<i32>} : memref<40x128xf32, #tpu.memory_space<vmem>>, vector<1x16xf32>,
        %parallel_loop3A_439 = vector.shape_cast %parallel_loop3A_438 : vector<1x16xf32> to vector<16xf32>
        %parallel_loop3A_440 = vector.shape_cast %parallel_loop3A_435 : vector<16xf32> to vector<1x16xf32>
        tpu.vector_store %arg9[%parallel_loop3A_436, %parallel_loop3A_437], %parallel_loop3A_440 {add = true, strides = array<i32>} : memref<40x128xf32, #tpu.memory_space<vmem>>, vector<1x16xf32>,
        %parallel_loop3A_441 = arith.addi %mul3A_205, %parallel_loop3A_390 : i32
        %parallel_loop3A_442 = arith.index_cast %parallel_loop3A_441 : i32 to index
        %parallel_loop3A_443 = arith.constant 80 : index
        %parallel_loop3A_444 = tpu.vector_load %arg37[%parallel_loop3A_442, %parallel_loop3A_443] {strides = array<i32>} : memref<200x128xf32, #tpu.memory_space<vmem>>, vector<1x16xf32>,
        %parallel_loop3A_445 = vector.shape_cast %parallel_loop3A_444 : vector<1x16xf32> to vector<16xf32>
        %parallel_loop3A_446 = arith.index_cast %parallel_loop3A_390 : i32 to index
        %parallel_loop3A_447 = arith.constant 80 : index
        %parallel_loop3A_448 = tpu.vector_load %arg9[%parallel_loop3A_446, %parallel_loop3A_447] {strides = array<i32>} : memref<40x128xf32, #tpu.memory_space<vmem>>, vector<1x16xf32>,
        %parallel_loop3A_449 = vector.shape_cast %parallel_loop3A_448 : vector<1x16xf32> to vector<16xf32>
        %parallel_loop3A_450 = vector.shape_cast %parallel_loop3A_445 : vector<16xf32> to vector<1x16xf32>
        tpu.vector_store %arg9[%parallel_loop3A_446, %parallel_loop3A_447], %parallel_loop3A_450 {add = true, strides = array<i32>} : memref<40x128xf32, #tpu.memory_space<vmem>>, vector<1x16xf32>,
        %parallel_loop3A_451 = arith.addi %mul3A_205, %parallel_loop3A_390 : i32
        %parallel_loop3A_452 = arith.index_cast %parallel_loop3A_451 : i32 to index
        %parallel_loop3A_453 = arith.constant 96 : index
        %parallel_loop3A_454 = tpu.vector_load %arg37[%parallel_loop3A_452, %parallel_loop3A_453] {strides = array<i32>} : memref<200x128xf32, #tpu.memory_space<vmem>>, vector<1x16xf32>,
        %parallel_loop3A_455 = vector.shape_cast %parallel_loop3A_454 : vector<1x16xf32> to vector<16xf32>
        %parallel_loop3A_456 = arith.index_cast %parallel_loop3A_390 : i32 to index
        %parallel_loop3A_457 = arith.constant 96 : index
        %parallel_loop3A_458 = tpu.vector_load %arg9[%parallel_loop3A_456, %parallel_loop3A_457] {strides = array<i32>} : memref<40x128xf32, #tpu.memory_space<vmem>>, vector<1x16xf32>,
        %parallel_loop3A_459 = vector.shape_cast %parallel_loop3A_458 : vector<1x16xf32> to vector<16xf32>
        %parallel_loop3A_460 = vector.shape_cast %parallel_loop3A_455 : vector<16xf32> to vector<1x16xf32>
        tpu.vector_store %arg9[%parallel_loop3A_456, %parallel_loop3A_457], %parallel_loop3A_460 {add = true, strides = array<i32>} : memref<40x128xf32, #tpu.memory_space<vmem>>, vector<1x16xf32>,
        %parallel_loop3A_461 = arith.addi %mul3A_205, %parallel_loop3A_390 : i32
        %parallel_loop3A_462 = arith.index_cast %parallel_loop3A_461 : i32 to index
        %parallel_loop3A_463 = arith.constant 112 : index
        %parallel_loop3A_464 = tpu.vector_load %arg37[%parallel_loop3A_462, %parallel_loop3A_463] {strides = array<i32>} : memref<200x128xf32, #tpu.memory_space<vmem>>, vector<1x16xf32>,
        %parallel_loop3A_465 = vector.shape_cast %parallel_loop3A_464 : vector<1x16xf32> to vector<16xf32>
        %parallel_loop3A_466 = arith.index_cast %parallel_loop3A_390 : i32 to index
        %parallel_loop3A_467 = arith.constant 112 : index
        %parallel_loop3A_468 = tpu.vector_load %arg9[%parallel_loop3A_466, %parallel_loop3A_467] {strides = array<i32>} : memref<40x128xf32, #tpu.memory_space<vmem>>, vector<1x16xf32>,
        %parallel_loop3A_469 = vector.shape_cast %parallel_loop3A_468 : vector<1x16xf32> to vector<16xf32>
        %parallel_loop3A_470 = vector.shape_cast %parallel_loop3A_465 : vector<16xf32> to vector<1x16xf32>
        tpu.vector_store %arg9[%parallel_loop3A_466, %parallel_loop3A_467], %parallel_loop3A_470 {add = true, strides = array<i32>} : memref<40x128xf32, #tpu.memory_space<vmem>>, vector<1x16xf32>,
      } {sc.loop_unroll_factor = 4 : i64, sc.parallel_access}
      %mul3A_209 = arith.constant 40 : i32
      %mul3A_210 = arith.muli %add3A_188, %mul3A_209 : i32
      %add3A_211 = arith.addi %mul3A_2, %mul3A_210 : i32
      %dma_start3A_212 = arith.constant 0 : i32
      %dma_start3A_213 = tpu.memref_slice %arg5[%add3A_211, %dma_start3A_212] : memref<204800x128xf32, #tpu.memory_space<hbm>> -> memref<40x128xf32, #tpu.memory_space<hbm>>
      %dma_start3A_214 = arith.constant 0 : i32
      %dma_start3A_215 = tpu.memref_slice %arg5[%add3A_211, %dma_start3A_214] : memref<204800x128xf32, #tpu.memory_space<hbm>> -> memref<40x128xf32, #tpu.memory_space<hbm>>
      tpu.enqueue_dma source(%arg9 : memref<40x128xf32, #tpu.memory_space<vmem>>) target(%dma_start3A_215 : memref<40x128xf32, #tpu.memory_space<hbm>>) target_semaphore(%arg29 : memref<!tpu.dma_semaphore, #tpu.memory_space<semaphore_mem>>)
      %add3A_216 = arith.constant 4 : i32
      %add3A_217 = arith.addi %add3A_104, %add3A_216 : i32
      %add3A_218 = arith.constant 5 : i32
      %add3A_219 = arith.addi %add3A_217, %add3A_218 : i32
      %lt3A_220 = arith.constant 160 : i32
      %lt3A_221 = arith.cmpi slt, %add3A_219, %lt3A_220 : i32
      %convert_element_type3A_222 = arith.extui %lt3A_221 : i1 to i32
      %cond3A_223 = arith.constant 0 : i32
      %cond3A_224 = arith.cmpi ne, %convert_element_type3A_222, %cond3A_223 : i32
      scf.if %cond3A_224 {
        %ge3A = arith.constant 10 : i32
        %ge3A_390 = arith.cmpi sge, %add3A_219, %ge3A : i32
        %convert_element_type3A_391 = arith.extui %ge3A_390 : i1 to i32
        %cond3A_392 = arith.constant 0 : i32
        %cond3A_393 = arith.cmpi ne, %convert_element_type3A_391, %cond3A_392 : i32
        scf.if %cond3A_393 {
          %sub3A = arith.constant 10 : i32
          %sub3A_400 = arith.subi %add3A_219, %sub3A : i32
          %mul3A_401 = arith.constant 40 : i32
          %mul3A_402 = arith.muli %sub3A_400, %mul3A_401 : i32
          %add3A_403 = arith.addi %mul3A_2, %mul3A_402 : i32
          %dma_wait3A_404 = arith.constant 0 : i32
          %dma_wait3A_405 = tpu.memref_slice %arg5[%add3A_403, %dma_wait3A_404] : memref<204800x128xf32, #tpu.memory_space<hbm>> -> memref<40x128xf32, #tpu.memory_space<hbm>>
          %dma_wait3A_406 = arith.constant 0 : i32
          %dma_wait3A_407 = tpu.memref_slice %arg5[%add3A_403, %dma_wait3A_406] : memref<204800x128xf32, #tpu.memory_space<hbm>> -> memref<40x128xf32, #tpu.memory_space<hbm>>
          tpu.wait_dma2 semaphore(%arg35 : memref<!tpu.dma_semaphore, #tpu.memory_space<semaphore_mem>>) src(%arg15 : memref<40x128xf32, #tpu.memory_space<vmem>>) dst(%dma_wait3A_407 : memref<40x128xf32, #tpu.memory_space<hbm>>)
        } else {
        }
        %dma_start3A_394 = arith.constant 0 : i32
        %dma_start3A_395 = tpu.memref_slice %arg36[%add3A_219, %dma_start3A_394] : memref<160x40xi32, #tpu.memory_space<vmem>> -> memref<1x40xi32, #tpu.memory_space<vmem>>
        %dma_start3A_396 = tpu.memref_squeeze %dma_start3A_395 : memref<1x40xi32, #tpu.memory_space<vmem>> -> memref<40xi32, #tpu.memory_space<vmem>>
        %dma_start3A_397 = arith.constant 0 : i32
        %dma_start3A_398 = arith.constant 0 : i32
        %dma_start3A_399 = tpu.memref_slice %arg4[%dma_start3A_397, %dma_start3A_398] : memref<100000x128xf32, #tpu.memory_space<hbm>> -> memref<100000x128xf32, #tpu.memory_space<hbm>>
        tpu.enqueue_indirect_dma source(%dma_start3A_399 : memref<100000x128xf32, #tpu.memory_space<hbm>>) target(%arg15 : memref<40x128xf32, #tpu.memory_space<vmem>>) offsets(%dma_start3A_396 : memref<40xi32, #tpu.memory_space<vmem>>) semaphore(%arg25 : memref<!tpu.dma_semaphore, #tpu.memory_space<semaphore_mem>>)
      } else {
      }
      %dma_wait3A_225 = arith.constant 0 : i32
      %dma_wait3A_226 = tpu.memref_slice %arg36[%add3A_217, %dma_wait3A_225] : memref<160x40xi32, #tpu.memory_space<vmem>> -> memref<1x40xi32, #tpu.memory_space<vmem>>
      %dma_wait3A_227 = tpu.memref_squeeze %dma_wait3A_226 : memref<1x40xi32, #tpu.memory_space<vmem>> -> memref<40xi32, #tpu.memory_space<vmem>>
      %dma_wait3A_228 = arith.constant 0 : i32
      %dma_wait3A_229 = arith.constant 0 : i32
      %dma_wait3A_230 = tpu.memref_slice %arg4[%dma_wait3A_228, %dma_wait3A_229] : memref<100000x128xf32, #tpu.memory_space<hbm>> -> memref<100000x128xf32, #tpu.memory_space<hbm>>
      tpu.wait_indirect_dma semaphore(%arg20 : memref<!tpu.dma_semaphore, #tpu.memory_space<semaphore_mem>>) src(%dma_wait3A_230 : memref<100000x128xf32, #tpu.memory_space<hbm>>) dst(%arg10 : memref<40x128xf32, #tpu.memory_space<vmem>>)
      %rem3A_231 = arith.constant 5 : i32
      %rem3A_232 = arith.remsi %add3A_217, %rem3A_231 : i32
      %mul3A_233 = arith.constant 40 : i32
      %mul3A_234 = arith.muli %rem3A_232, %mul3A_233 : i32
      %parallel_loop3A_235 = arith.constant 0 : i32
      %parallel_loop3A_236 = arith.constant 40 : i32
      %parallel_loop3A_237 = arith.constant 1 : i32
      scf.for %parallel_loop3A_390 = %parallel_loop3A_235 to %parallel_loop3A_236 step %parallel_loop3A_237  : i32 {
        %parallel_loop3A_391 = arith.addi %mul3A_234, %parallel_loop3A_390 : i32
        %parallel_loop3A_392 = arith.index_cast %parallel_loop3A_391 : i32 to index
        %parallel_loop3A_393 = arith.constant 0 : index
        %parallel_loop3A_394 = tpu.vector_load %arg37[%parallel_loop3A_392, %parallel_loop3A_393] {strides = array<i32>} : memref<200x128xf32, #tpu.memory_space<vmem>>, vector<1x16xf32>,
        %parallel_loop3A_395 = vector.shape_cast %parallel_loop3A_394 : vector<1x16xf32> to vector<16xf32>
        %parallel_loop3A_396 = arith.index_cast %parallel_loop3A_390 : i32 to index
        %parallel_loop3A_397 = arith.constant 0 : index
        %parallel_loop3A_398 = tpu.vector_load %arg10[%parallel_loop3A_396, %parallel_loop3A_397] {strides = array<i32>} : memref<40x128xf32, #tpu.memory_space<vmem>>, vector<1x16xf32>,
        %parallel_loop3A_399 = vector.shape_cast %parallel_loop3A_398 : vector<1x16xf32> to vector<16xf32>
        %parallel_loop3A_400 = vector.shape_cast %parallel_loop3A_395 : vector<16xf32> to vector<1x16xf32>
        tpu.vector_store %arg10[%parallel_loop3A_396, %parallel_loop3A_397], %parallel_loop3A_400 {add = true, strides = array<i32>} : memref<40x128xf32, #tpu.memory_space<vmem>>, vector<1x16xf32>,
        %parallel_loop3A_401 = arith.addi %mul3A_234, %parallel_loop3A_390 : i32
        %parallel_loop3A_402 = arith.index_cast %parallel_loop3A_401 : i32 to index
        %parallel_loop3A_403 = arith.constant 16 : index
        %parallel_loop3A_404 = tpu.vector_load %arg37[%parallel_loop3A_402, %parallel_loop3A_403] {strides = array<i32>} : memref<200x128xf32, #tpu.memory_space<vmem>>, vector<1x16xf32>,
        %parallel_loop3A_405 = vector.shape_cast %parallel_loop3A_404 : vector<1x16xf32> to vector<16xf32>
        %parallel_loop3A_406 = arith.index_cast %parallel_loop3A_390 : i32 to index
        %parallel_loop3A_407 = arith.constant 16 : index
        %parallel_loop3A_408 = tpu.vector_load %arg10[%parallel_loop3A_406, %parallel_loop3A_407] {strides = array<i32>} : memref<40x128xf32, #tpu.memory_space<vmem>>, vector<1x16xf32>,
        %parallel_loop3A_409 = vector.shape_cast %parallel_loop3A_408 : vector<1x16xf32> to vector<16xf32>
        %parallel_loop3A_410 = vector.shape_cast %parallel_loop3A_405 : vector<16xf32> to vector<1x16xf32>
        tpu.vector_store %arg10[%parallel_loop3A_406, %parallel_loop3A_407], %parallel_loop3A_410 {add = true, strides = array<i32>} : memref<40x128xf32, #tpu.memory_space<vmem>>, vector<1x16xf32>,
        %parallel_loop3A_411 = arith.addi %mul3A_234, %parallel_loop3A_390 : i32
        %parallel_loop3A_412 = arith.index_cast %parallel_loop3A_411 : i32 to index
        %parallel_loop3A_413 = arith.constant 32 : index
        %parallel_loop3A_414 = tpu.vector_load %arg37[%parallel_loop3A_412, %parallel_loop3A_413] {strides = array<i32>} : memref<200x128xf32, #tpu.memory_space<vmem>>, vector<1x16xf32>,
        %parallel_loop3A_415 = vector.shape_cast %parallel_loop3A_414 : vector<1x16xf32> to vector<16xf32>
        %parallel_loop3A_416 = arith.index_cast %parallel_loop3A_390 : i32 to index
        %parallel_loop3A_417 = arith.constant 32 : index
        %parallel_loop3A_418 = tpu.vector_load %arg10[%parallel_loop3A_416, %parallel_loop3A_417] {strides = array<i32>} : memref<40x128xf32, #tpu.memory_space<vmem>>, vector<1x16xf32>,
        %parallel_loop3A_419 = vector.shape_cast %parallel_loop3A_418 : vector<1x16xf32> to vector<16xf32>
        %parallel_loop3A_420 = vector.shape_cast %parallel_loop3A_415 : vector<16xf32> to vector<1x16xf32>
        tpu.vector_store %arg10[%parallel_loop3A_416, %parallel_loop3A_417], %parallel_loop3A_420 {add = true, strides = array<i32>} : memref<40x128xf32, #tpu.memory_space<vmem>>, vector<1x16xf32>,
        %parallel_loop3A_421 = arith.addi %mul3A_234, %parallel_loop3A_390 : i32
        %parallel_loop3A_422 = arith.index_cast %parallel_loop3A_421 : i32 to index
        %parallel_loop3A_423 = arith.constant 48 : index
        %parallel_loop3A_424 = tpu.vector_load %arg37[%parallel_loop3A_422, %parallel_loop3A_423] {strides = array<i32>} : memref<200x128xf32, #tpu.memory_space<vmem>>, vector<1x16xf32>,
        %parallel_loop3A_425 = vector.shape_cast %parallel_loop3A_424 : vector<1x16xf32> to vector<16xf32>
        %parallel_loop3A_426 = arith.index_cast %parallel_loop3A_390 : i32 to index
        %parallel_loop3A_427 = arith.constant 48 : index
        %parallel_loop3A_428 = tpu.vector_load %arg10[%parallel_loop3A_426, %parallel_loop3A_427] {strides = array<i32>} : memref<40x128xf32, #tpu.memory_space<vmem>>, vector<1x16xf32>,
        %parallel_loop3A_429 = vector.shape_cast %parallel_loop3A_428 : vector<1x16xf32> to vector<16xf32>
        %parallel_loop3A_430 = vector.shape_cast %parallel_loop3A_425 : vector<16xf32> to vector<1x16xf32>
        tpu.vector_store %arg10[%parallel_loop3A_426, %parallel_loop3A_427], %parallel_loop3A_430 {add = true, strides = array<i32>} : memref<40x128xf32, #tpu.memory_space<vmem>>, vector<1x16xf32>,
        %parallel_loop3A_431 = arith.addi %mul3A_234, %parallel_loop3A_390 : i32
        %parallel_loop3A_432 = arith.index_cast %parallel_loop3A_431 : i32 to index
        %parallel_loop3A_433 = arith.constant 64 : index
        %parallel_loop3A_434 = tpu.vector_load %arg37[%parallel_loop3A_432, %parallel_loop3A_433] {strides = array<i32>} : memref<200x128xf32, #tpu.memory_space<vmem>>, vector<1x16xf32>,
        %parallel_loop3A_435 = vector.shape_cast %parallel_loop3A_434 : vector<1x16xf32> to vector<16xf32>
        %parallel_loop3A_436 = arith.index_cast %parallel_loop3A_390 : i32 to index
        %parallel_loop3A_437 = arith.constant 64 : index
        %parallel_loop3A_438 = tpu.vector_load %arg10[%parallel_loop3A_436, %parallel_loop3A_437] {strides = array<i32>} : memref<40x128xf32, #tpu.memory_space<vmem>>, vector<1x16xf32>,
        %parallel_loop3A_439 = vector.shape_cast %parallel_loop3A_438 : vector<1x16xf32> to vector<16xf32>
        %parallel_loop3A_440 = vector.shape_cast %parallel_loop3A_435 : vector<16xf32> to vector<1x16xf32>
        tpu.vector_store %arg10[%parallel_loop3A_436, %parallel_loop3A_437], %parallel_loop3A_440 {add = true, strides = array<i32>} : memref<40x128xf32, #tpu.memory_space<vmem>>, vector<1x16xf32>,
        %parallel_loop3A_441 = arith.addi %mul3A_234, %parallel_loop3A_390 : i32
        %parallel_loop3A_442 = arith.index_cast %parallel_loop3A_441 : i32 to index
        %parallel_loop3A_443 = arith.constant 80 : index
        %parallel_loop3A_444 = tpu.vector_load %arg37[%parallel_loop3A_442, %parallel_loop3A_443] {strides = array<i32>} : memref<200x128xf32, #tpu.memory_space<vmem>>, vector<1x16xf32>,
        %parallel_loop3A_445 = vector.shape_cast %parallel_loop3A_444 : vector<1x16xf32> to vector<16xf32>
        %parallel_loop3A_446 = arith.index_cast %parallel_loop3A_390 : i32 to index
        %parallel_loop3A_447 = arith.constant 80 : index
        %parallel_loop3A_448 = tpu.vector_load %arg10[%parallel_loop3A_446, %parallel_loop3A_447] {strides = array<i32>} : memref<40x128xf32, #tpu.memory_space<vmem>>, vector<1x16xf32>,
        %parallel_loop3A_449 = vector.shape_cast %parallel_loop3A_448 : vector<1x16xf32> to vector<16xf32>
        %parallel_loop3A_450 = vector.shape_cast %parallel_loop3A_445 : vector<16xf32> to vector<1x16xf32>
        tpu.vector_store %arg10[%parallel_loop3A_446, %parallel_loop3A_447], %parallel_loop3A_450 {add = true, strides = array<i32>} : memref<40x128xf32, #tpu.memory_space<vmem>>, vector<1x16xf32>,
        %parallel_loop3A_451 = arith.addi %mul3A_234, %parallel_loop3A_390 : i32
        %parallel_loop3A_452 = arith.index_cast %parallel_loop3A_451 : i32 to index
        %parallel_loop3A_453 = arith.constant 96 : index
        %parallel_loop3A_454 = tpu.vector_load %arg37[%parallel_loop3A_452, %parallel_loop3A_453] {strides = array<i32>} : memref<200x128xf32, #tpu.memory_space<vmem>>, vector<1x16xf32>,
        %parallel_loop3A_455 = vector.shape_cast %parallel_loop3A_454 : vector<1x16xf32> to vector<16xf32>
        %parallel_loop3A_456 = arith.index_cast %parallel_loop3A_390 : i32 to index
        %parallel_loop3A_457 = arith.constant 96 : index
        %parallel_loop3A_458 = tpu.vector_load %arg10[%parallel_loop3A_456, %parallel_loop3A_457] {strides = array<i32>} : memref<40x128xf32, #tpu.memory_space<vmem>>, vector<1x16xf32>,
        %parallel_loop3A_459 = vector.shape_cast %parallel_loop3A_458 : vector<1x16xf32> to vector<16xf32>
        %parallel_loop3A_460 = vector.shape_cast %parallel_loop3A_455 : vector<16xf32> to vector<1x16xf32>
        tpu.vector_store %arg10[%parallel_loop3A_456, %parallel_loop3A_457], %parallel_loop3A_460 {add = true, strides = array<i32>} : memref<40x128xf32, #tpu.memory_space<vmem>>, vector<1x16xf32>,
        %parallel_loop3A_461 = arith.addi %mul3A_234, %parallel_loop3A_390 : i32
        %parallel_loop3A_462 = arith.index_cast %parallel_loop3A_461 : i32 to index
        %parallel_loop3A_463 = arith.constant 112 : index
        %parallel_loop3A_464 = tpu.vector_load %arg37[%parallel_loop3A_462, %parallel_loop3A_463] {strides = array<i32>} : memref<200x128xf32, #tpu.memory_space<vmem>>, vector<1x16xf32>,
        %parallel_loop3A_465 = vector.shape_cast %parallel_loop3A_464 : vector<1x16xf32> to vector<16xf32>
        %parallel_loop3A_466 = arith.index_cast %parallel_loop3A_390 : i32 to index
        %parallel_loop3A_467 = arith.constant 112 : index
        %parallel_loop3A_468 = tpu.vector_load %arg10[%parallel_loop3A_466, %parallel_loop3A_467] {strides = array<i32>} : memref<40x128xf32, #tpu.memory_space<vmem>>, vector<1x16xf32>,
        %parallel_loop3A_469 = vector.shape_cast %parallel_loop3A_468 : vector<1x16xf32> to vector<16xf32>
        %parallel_loop3A_470 = vector.shape_cast %parallel_loop3A_465 : vector<16xf32> to vector<1x16xf32>
        tpu.vector_store %arg10[%parallel_loop3A_466, %parallel_loop3A_467], %parallel_loop3A_470 {add = true, strides = array<i32>} : memref<40x128xf32, #tpu.memory_space<vmem>>, vector<1x16xf32>,
      } {sc.loop_unroll_factor = 4 : i64, sc.parallel_access}
      %mul3A_238 = arith.constant 40 : i32
      %mul3A_239 = arith.muli %add3A_217, %mul3A_238 : i32
      %add3A_240 = arith.addi %mul3A_2, %mul3A_239 : i32
      %dma_start3A_241 = arith.constant 0 : i32
      %dma_start3A_242 = tpu.memref_slice %arg5[%add3A_240, %dma_start3A_241] : memref<204800x128xf32, #tpu.memory_space<hbm>> -> memref<40x128xf32, #tpu.memory_space<hbm>>
      %dma_start3A_243 = arith.constant 0 : i32
      %dma_start3A_244 = tpu.memref_slice %arg5[%add3A_240, %dma_start3A_243] : memref<204800x128xf32, #tpu.memory_space<hbm>> -> memref<40x128xf32, #tpu.memory_space<hbm>>
      tpu.enqueue_dma source(%arg10 : memref<40x128xf32, #tpu.memory_space<vmem>>) target(%dma_start3A_244 : memref<40x128xf32, #tpu.memory_space<hbm>>) target_semaphore(%arg30 : memref<!tpu.dma_semaphore, #tpu.memory_space<semaphore_mem>>)
      %add3A_245 = arith.constant 5 : i32
      %add3A_246 = arith.addi %add3A_104, %add3A_245 : i32
      %add3A_247 = arith.constant 5 : i32
      %add3A_248 = arith.addi %add3A_246, %add3A_247 : i32
      %lt3A_249 = arith.constant 160 : i32
      %lt3A_250 = arith.cmpi slt, %add3A_248, %lt3A_249 : i32
      %convert_element_type3A_251 = arith.extui %lt3A_250 : i1 to i32
      %cond3A_252 = arith.constant 0 : i32
      %cond3A_253 = arith.cmpi ne, %convert_element_type3A_251, %cond3A_252 : i32
      scf.if %cond3A_253 {
        %ge3A = arith.constant 10 : i32
        %ge3A_390 = arith.cmpi sge, %add3A_248, %ge3A : i32
        %convert_element_type3A_391 = arith.extui %ge3A_390 : i1 to i32
        %cond3A_392 = arith.constant 0 : i32
        %cond3A_393 = arith.cmpi ne, %convert_element_type3A_391, %cond3A_392 : i32
        scf.if %cond3A_393 {
          %sub3A = arith.constant 10 : i32
          %sub3A_400 = arith.subi %add3A_248, %sub3A : i32
          %mul3A_401 = arith.constant 40 : i32
          %mul3A_402 = arith.muli %sub3A_400, %mul3A_401 : i32
          %add3A_403 = arith.addi %mul3A_2, %mul3A_402 : i32
          %dma_wait3A_404 = arith.constant 0 : i32
          %dma_wait3A_405 = tpu.memref_slice %arg5[%add3A_403, %dma_wait3A_404] : memref<204800x128xf32, #tpu.memory_space<hbm>> -> memref<40x128xf32, #tpu.memory_space<hbm>>
          %dma_wait3A_406 = arith.constant 0 : i32
          %dma_wait3A_407 = tpu.memref_slice %arg5[%add3A_403, %dma_wait3A_406] : memref<204800x128xf32, #tpu.memory_space<hbm>> -> memref<40x128xf32, #tpu.memory_space<hbm>>
          tpu.wait_dma2 semaphore(%arg26 : memref<!tpu.dma_semaphore, #tpu.memory_space<semaphore_mem>>) src(%arg6 : memref<40x128xf32, #tpu.memory_space<vmem>>) dst(%dma_wait3A_407 : memref<40x128xf32, #tpu.memory_space<hbm>>)
        } else {
        }
        %dma_start3A_394 = arith.constant 0 : i32
        %dma_start3A_395 = tpu.memref_slice %arg36[%add3A_248, %dma_start3A_394] : memref<160x40xi32, #tpu.memory_space<vmem>> -> memref<1x40xi32, #tpu.memory_space<vmem>>
        %dma_start3A_396 = tpu.memref_squeeze %dma_start3A_395 : memref<1x40xi32, #tpu.memory_space<vmem>> -> memref<40xi32, #tpu.memory_space<vmem>>
        %dma_start3A_397 = arith.constant 0 : i32
        %dma_start3A_398 = arith.constant 0 : i32
        %dma_start3A_399 = tpu.memref_slice %arg4[%dma_start3A_397, %dma_start3A_398] : memref<100000x128xf32, #tpu.memory_space<hbm>> -> memref<100000x128xf32, #tpu.memory_space<hbm>>
        tpu.enqueue_indirect_dma source(%dma_start3A_399 : memref<100000x128xf32, #tpu.memory_space<hbm>>) target(%arg6 : memref<40x128xf32, #tpu.memory_space<vmem>>) offsets(%dma_start3A_396 : memref<40xi32, #tpu.memory_space<vmem>>) semaphore(%arg16 : memref<!tpu.dma_semaphore, #tpu.memory_space<semaphore_mem>>)
      } else {
      }
      %dma_wait3A_254 = arith.constant 0 : i32
      %dma_wait3A_255 = tpu.memref_slice %arg36[%add3A_246, %dma_wait3A_254] : memref<160x40xi32, #tpu.memory_space<vmem>> -> memref<1x40xi32, #tpu.memory_space<vmem>>
      %dma_wait3A_256 = tpu.memref_squeeze %dma_wait3A_255 : memref<1x40xi32, #tpu.memory_space<vmem>> -> memref<40xi32, #tpu.memory_space<vmem>>
      %dma_wait3A_257 = arith.constant 0 : i32
      %dma_wait3A_258 = arith.constant 0 : i32
      %dma_wait3A_259 = tpu.memref_slice %arg4[%dma_wait3A_257, %dma_wait3A_258] : memref<100000x128xf32, #tpu.memory_space<hbm>> -> memref<100000x128xf32, #tpu.memory_space<hbm>>
      tpu.wait_indirect_dma semaphore(%arg21 : memref<!tpu.dma_semaphore, #tpu.memory_space<semaphore_mem>>) src(%dma_wait3A_259 : memref<100000x128xf32, #tpu.memory_space<hbm>>) dst(%arg11 : memref<40x128xf32, #tpu.memory_space<vmem>>)
      %rem3A_260 = arith.constant 5 : i32
      %rem3A_261 = arith.remsi %add3A_246, %rem3A_260 : i32
      %mul3A_262 = arith.constant 40 : i32
      %mul3A_263 = arith.muli %rem3A_261, %mul3A_262 : i32
      %parallel_loop3A_264 = arith.constant 0 : i32
      %parallel_loop3A_265 = arith.constant 40 : i32
      %parallel_loop3A_266 = arith.constant 1 : i32
      scf.for %parallel_loop3A_390 = %parallel_loop3A_264 to %parallel_loop3A_265 step %parallel_loop3A_266  : i32 {
        %parallel_loop3A_391 = arith.addi %mul3A_263, %parallel_loop3A_390 : i32
        %parallel_loop3A_392 = arith.index_cast %parallel_loop3A_391 : i32 to index
        %parallel_loop3A_393 = arith.constant 0 : index
        %parallel_loop3A_394 = tpu.vector_load %arg37[%parallel_loop3A_392, %parallel_loop3A_393] {strides = array<i32>} : memref<200x128xf32, #tpu.memory_space<vmem>>, vector<1x16xf32>,
        %parallel_loop3A_395 = vector.shape_cast %parallel_loop3A_394 : vector<1x16xf32> to vector<16xf32>
        %parallel_loop3A_396 = arith.index_cast %parallel_loop3A_390 : i32 to index
        %parallel_loop3A_397 = arith.constant 0 : index
        %parallel_loop3A_398 = tpu.vector_load %arg11[%parallel_loop3A_396, %parallel_loop3A_397] {strides = array<i32>} : memref<40x128xf32, #tpu.memory_space<vmem>>, vector<1x16xf32>,
        %parallel_loop3A_399 = vector.shape_cast %parallel_loop3A_398 : vector<1x16xf32> to vector<16xf32>
        %parallel_loop3A_400 = vector.shape_cast %parallel_loop3A_395 : vector<16xf32> to vector<1x16xf32>
        tpu.vector_store %arg11[%parallel_loop3A_396, %parallel_loop3A_397], %parallel_loop3A_400 {add = true, strides = array<i32>} : memref<40x128xf32, #tpu.memory_space<vmem>>, vector<1x16xf32>,
        %parallel_loop3A_401 = arith.addi %mul3A_263, %parallel_loop3A_390 : i32
        %parallel_loop3A_402 = arith.index_cast %parallel_loop3A_401 : i32 to index
        %parallel_loop3A_403 = arith.constant 16 : index
        %parallel_loop3A_404 = tpu.vector_load %arg37[%parallel_loop3A_402, %parallel_loop3A_403] {strides = array<i32>} : memref<200x128xf32, #tpu.memory_space<vmem>>, vector<1x16xf32>,
        %parallel_loop3A_405 = vector.shape_cast %parallel_loop3A_404 : vector<1x16xf32> to vector<16xf32>
        %parallel_loop3A_406 = arith.index_cast %parallel_loop3A_390 : i32 to index
        %parallel_loop3A_407 = arith.constant 16 : index
        %parallel_loop3A_408 = tpu.vector_load %arg11[%parallel_loop3A_406, %parallel_loop3A_407] {strides = array<i32>} : memref<40x128xf32, #tpu.memory_space<vmem>>, vector<1x16xf32>,
        %parallel_loop3A_409 = vector.shape_cast %parallel_loop3A_408 : vector<1x16xf32> to vector<16xf32>
        %parallel_loop3A_410 = vector.shape_cast %parallel_loop3A_405 : vector<16xf32> to vector<1x16xf32>
        tpu.vector_store %arg11[%parallel_loop3A_406, %parallel_loop3A_407], %parallel_loop3A_410 {add = true, strides = array<i32>} : memref<40x128xf32, #tpu.memory_space<vmem>>, vector<1x16xf32>,
        %parallel_loop3A_411 = arith.addi %mul3A_263, %parallel_loop3A_390 : i32
        %parallel_loop3A_412 = arith.index_cast %parallel_loop3A_411 : i32 to index
        %parallel_loop3A_413 = arith.constant 32 : index
        %parallel_loop3A_414 = tpu.vector_load %arg37[%parallel_loop3A_412, %parallel_loop3A_413] {strides = array<i32>} : memref<200x128xf32, #tpu.memory_space<vmem>>, vector<1x16xf32>,
        %parallel_loop3A_415 = vector.shape_cast %parallel_loop3A_414 : vector<1x16xf32> to vector<16xf32>
        %parallel_loop3A_416 = arith.index_cast %parallel_loop3A_390 : i32 to index
        %parallel_loop3A_417 = arith.constant 32 : index
        %parallel_loop3A_418 = tpu.vector_load %arg11[%parallel_loop3A_416, %parallel_loop3A_417] {strides = array<i32>} : memref<40x128xf32, #tpu.memory_space<vmem>>, vector<1x16xf32>,
        %parallel_loop3A_419 = vector.shape_cast %parallel_loop3A_418 : vector<1x16xf32> to vector<16xf32>
        %parallel_loop3A_420 = vector.shape_cast %parallel_loop3A_415 : vector<16xf32> to vector<1x16xf32>
        tpu.vector_store %arg11[%parallel_loop3A_416, %parallel_loop3A_417], %parallel_loop3A_420 {add = true, strides = array<i32>} : memref<40x128xf32, #tpu.memory_space<vmem>>, vector<1x16xf32>,
        %parallel_loop3A_421 = arith.addi %mul3A_263, %parallel_loop3A_390 : i32
        %parallel_loop3A_422 = arith.index_cast %parallel_loop3A_421 : i32 to index
        %parallel_loop3A_423 = arith.constant 48 : index
        %parallel_loop3A_424 = tpu.vector_load %arg37[%parallel_loop3A_422, %parallel_loop3A_423] {strides = array<i32>} : memref<200x128xf32, #tpu.memory_space<vmem>>, vector<1x16xf32>,
        %parallel_loop3A_425 = vector.shape_cast %parallel_loop3A_424 : vector<1x16xf32> to vector<16xf32>
        %parallel_loop3A_426 = arith.index_cast %parallel_loop3A_390 : i32 to index
        %parallel_loop3A_427 = arith.constant 48 : index
        %parallel_loop3A_428 = tpu.vector_load %arg11[%parallel_loop3A_426, %parallel_loop3A_427] {strides = array<i32>} : memref<40x128xf32, #tpu.memory_space<vmem>>, vector<1x16xf32>,
        %parallel_loop3A_429 = vector.shape_cast %parallel_loop3A_428 : vector<1x16xf32> to vector<16xf32>
        %parallel_loop3A_430 = vector.shape_cast %parallel_loop3A_425 : vector<16xf32> to vector<1x16xf32>
        tpu.vector_store %arg11[%parallel_loop3A_426, %parallel_loop3A_427], %parallel_loop3A_430 {add = true, strides = array<i32>} : memref<40x128xf32, #tpu.memory_space<vmem>>, vector<1x16xf32>,
        %parallel_loop3A_431 = arith.addi %mul3A_263, %parallel_loop3A_390 : i32
        %parallel_loop3A_432 = arith.index_cast %parallel_loop3A_431 : i32 to index
        %parallel_loop3A_433 = arith.constant 64 : index
        %parallel_loop3A_434 = tpu.vector_load %arg37[%parallel_loop3A_432, %parallel_loop3A_433] {strides = array<i32>} : memref<200x128xf32, #tpu.memory_space<vmem>>, vector<1x16xf32>,
        %parallel_loop3A_435 = vector.shape_cast %parallel_loop3A_434 : vector<1x16xf32> to vector<16xf32>
        %parallel_loop3A_436 = arith.index_cast %parallel_loop3A_390 : i32 to index
        %parallel_loop3A_437 = arith.constant 64 : index
        %parallel_loop3A_438 = tpu.vector_load %arg11[%parallel_loop3A_436, %parallel_loop3A_437] {strides = array<i32>} : memref<40x128xf32, #tpu.memory_space<vmem>>, vector<1x16xf32>,
        %parallel_loop3A_439 = vector.shape_cast %parallel_loop3A_438 : vector<1x16xf32> to vector<16xf32>
        %parallel_loop3A_440 = vector.shape_cast %parallel_loop3A_435 : vector<16xf32> to vector<1x16xf32>
        tpu.vector_store %arg11[%parallel_loop3A_436, %parallel_loop3A_437], %parallel_loop3A_440 {add = true, strides = array<i32>} : memref<40x128xf32, #tpu.memory_space<vmem>>, vector<1x16xf32>,
        %parallel_loop3A_441 = arith.addi %mul3A_263, %parallel_loop3A_390 : i32
        %parallel_loop3A_442 = arith.index_cast %parallel_loop3A_441 : i32 to index
        %parallel_loop3A_443 = arith.constant 80 : index
        %parallel_loop3A_444 = tpu.vector_load %arg37[%parallel_loop3A_442, %parallel_loop3A_443] {strides = array<i32>} : memref<200x128xf32, #tpu.memory_space<vmem>>, vector<1x16xf32>,
        %parallel_loop3A_445 = vector.shape_cast %parallel_loop3A_444 : vector<1x16xf32> to vector<16xf32>
        %parallel_loop3A_446 = arith.index_cast %parallel_loop3A_390 : i32 to index
        %parallel_loop3A_447 = arith.constant 80 : index
        %parallel_loop3A_448 = tpu.vector_load %arg11[%parallel_loop3A_446, %parallel_loop3A_447] {strides = array<i32>} : memref<40x128xf32, #tpu.memory_space<vmem>>, vector<1x16xf32>,
        %parallel_loop3A_449 = vector.shape_cast %parallel_loop3A_448 : vector<1x16xf32> to vector<16xf32>
        %parallel_loop3A_450 = vector.shape_cast %parallel_loop3A_445 : vector<16xf32> to vector<1x16xf32>
        tpu.vector_store %arg11[%parallel_loop3A_446, %parallel_loop3A_447], %parallel_loop3A_450 {add = true, strides = array<i32>} : memref<40x128xf32, #tpu.memory_space<vmem>>, vector<1x16xf32>,
        %parallel_loop3A_451 = arith.addi %mul3A_263, %parallel_loop3A_390 : i32
        %parallel_loop3A_452 = arith.index_cast %parallel_loop3A_451 : i32 to index
        %parallel_loop3A_453 = arith.constant 96 : index
        %parallel_loop3A_454 = tpu.vector_load %arg37[%parallel_loop3A_452, %parallel_loop3A_453] {strides = array<i32>} : memref<200x128xf32, #tpu.memory_space<vmem>>, vector<1x16xf32>,
        %parallel_loop3A_455 = vector.shape_cast %parallel_loop3A_454 : vector<1x16xf32> to vector<16xf32>
        %parallel_loop3A_456 = arith.index_cast %parallel_loop3A_390 : i32 to index
        %parallel_loop3A_457 = arith.constant 96 : index
        %parallel_loop3A_458 = tpu.vector_load %arg11[%parallel_loop3A_456, %parallel_loop3A_457] {strides = array<i32>} : memref<40x128xf32, #tpu.memory_space<vmem>>, vector<1x16xf32>,
        %parallel_loop3A_459 = vector.shape_cast %parallel_loop3A_458 : vector<1x16xf32> to vector<16xf32>
        %parallel_loop3A_460 = vector.shape_cast %parallel_loop3A_455 : vector<16xf32> to vector<1x16xf32>
        tpu.vector_store %arg11[%parallel_loop3A_456, %parallel_loop3A_457], %parallel_loop3A_460 {add = true, strides = array<i32>} : memref<40x128xf32, #tpu.memory_space<vmem>>, vector<1x16xf32>,
        %parallel_loop3A_461 = arith.addi %mul3A_263, %parallel_loop3A_390 : i32
        %parallel_loop3A_462 = arith.index_cast %parallel_loop3A_461 : i32 to index
        %parallel_loop3A_463 = arith.constant 112 : index
        %parallel_loop3A_464 = tpu.vector_load %arg37[%parallel_loop3A_462, %parallel_loop3A_463] {strides = array<i32>} : memref<200x128xf32, #tpu.memory_space<vmem>>, vector<1x16xf32>,
        %parallel_loop3A_465 = vector.shape_cast %parallel_loop3A_464 : vector<1x16xf32> to vector<16xf32>
        %parallel_loop3A_466 = arith.index_cast %parallel_loop3A_390 : i32 to index
        %parallel_loop3A_467 = arith.constant 112 : index
        %parallel_loop3A_468 = tpu.vector_load %arg11[%parallel_loop3A_466, %parallel_loop3A_467] {strides = array<i32>} : memref<40x128xf32, #tpu.memory_space<vmem>>, vector<1x16xf32>,
        %parallel_loop3A_469 = vector.shape_cast %parallel_loop3A_468 : vector<1x16xf32> to vector<16xf32>
        %parallel_loop3A_470 = vector.shape_cast %parallel_loop3A_465 : vector<16xf32> to vector<1x16xf32>
        tpu.vector_store %arg11[%parallel_loop3A_466, %parallel_loop3A_467], %parallel_loop3A_470 {add = true, strides = array<i32>} : memref<40x128xf32, #tpu.memory_space<vmem>>, vector<1x16xf32>,
      } {sc.loop_unroll_factor = 4 : i64, sc.parallel_access}
      %mul3A_267 = arith.constant 40 : i32
      %mul3A_268 = arith.muli %add3A_246, %mul3A_267 : i32
      %add3A_269 = arith.addi %mul3A_2, %mul3A_268 : i32
      %dma_start3A_270 = arith.constant 0 : i32
      %dma_start3A_271 = tpu.memref_slice %arg5[%add3A_269, %dma_start3A_270] : memref<204800x128xf32, #tpu.memory_space<hbm>> -> memref<40x128xf32, #tpu.memory_space<hbm>>
      %dma_start3A_272 = arith.constant 0 : i32
      %dma_start3A_273 = tpu.memref_slice %arg5[%add3A_269, %dma_start3A_272] : memref<204800x128xf32, #tpu.memory_space<hbm>> -> memref<40x128xf32, #tpu.memory_space<hbm>>
      tpu.enqueue_dma source(%arg11 : memref<40x128xf32, #tpu.memory_space<vmem>>) target(%dma_start3A_273 : memref<40x128xf32, #tpu.memory_space<hbm>>) target_semaphore(%arg31 : memref<!tpu.dma_semaphore, #tpu.memory_space<semaphore_mem>>)
      %add3A_274 = arith.constant 6 : i32
      %add3A_275 = arith.addi %add3A_104, %add3A_274 : i32
      %add3A_276 = arith.constant 5 : i32
      %add3A_277 = arith.addi %add3A_275, %add3A_276 : i32
      %lt3A_278 = arith.constant 160 : i32
      %lt3A_279 = arith.cmpi slt, %add3A_277, %lt3A_278 : i32
      %convert_element_type3A_280 = arith.extui %lt3A_279 : i1 to i32
      %cond3A_281 = arith.constant 0 : i32
      %cond3A_282 = arith.cmpi ne, %convert_element_type3A_280, %cond3A_281 : i32
      scf.if %cond3A_282 {
        %ge3A = arith.constant 10 : i32
        %ge3A_390 = arith.cmpi sge, %add3A_277, %ge3A : i32
        %convert_element_type3A_391 = arith.extui %ge3A_390 : i1 to i32
        %cond3A_392 = arith.constant 0 : i32
        %cond3A_393 = arith.cmpi ne, %convert_element_type3A_391, %cond3A_392 : i32
        scf.if %cond3A_393 {
          %sub3A = arith.constant 10 : i32
          %sub3A_400 = arith.subi %add3A_277, %sub3A : i32
          %mul3A_401 = arith.constant 40 : i32
          %mul3A_402 = arith.muli %sub3A_400, %mul3A_401 : i32
          %add3A_403 = arith.addi %mul3A_2, %mul3A_402 : i32
          %dma_wait3A_404 = arith.constant 0 : i32
          %dma_wait3A_405 = tpu.memref_slice %arg5[%add3A_403, %dma_wait3A_404] : memref<204800x128xf32, #tpu.memory_space<hbm>> -> memref<40x128xf32, #tpu.memory_space<hbm>>
          %dma_wait3A_406 = arith.constant 0 : i32
          %dma_wait3A_407 = tpu.memref_slice %arg5[%add3A_403, %dma_wait3A_406] : memref<204800x128xf32, #tpu.memory_space<hbm>> -> memref<40x128xf32, #tpu.memory_space<hbm>>
          tpu.wait_dma2 semaphore(%arg27 : memref<!tpu.dma_semaphore, #tpu.memory_space<semaphore_mem>>) src(%arg7 : memref<40x128xf32, #tpu.memory_space<vmem>>) dst(%dma_wait3A_407 : memref<40x128xf32, #tpu.memory_space<hbm>>)
        } else {
        }
        %dma_start3A_394 = arith.constant 0 : i32
        %dma_start3A_395 = tpu.memref_slice %arg36[%add3A_277, %dma_start3A_394] : memref<160x40xi32, #tpu.memory_space<vmem>> -> memref<1x40xi32, #tpu.memory_space<vmem>>
        %dma_start3A_396 = tpu.memref_squeeze %dma_start3A_395 : memref<1x40xi32, #tpu.memory_space<vmem>> -> memref<40xi32, #tpu.memory_space<vmem>>
        %dma_start3A_397 = arith.constant 0 : i32
        %dma_start3A_398 = arith.constant 0 : i32
        %dma_start3A_399 = tpu.memref_slice %arg4[%dma_start3A_397, %dma_start3A_398] : memref<100000x128xf32, #tpu.memory_space<hbm>> -> memref<100000x128xf32, #tpu.memory_space<hbm>>
        tpu.enqueue_indirect_dma source(%dma_start3A_399 : memref<100000x128xf32, #tpu.memory_space<hbm>>) target(%arg7 : memref<40x128xf32, #tpu.memory_space<vmem>>) offsets(%dma_start3A_396 : memref<40xi32, #tpu.memory_space<vmem>>) semaphore(%arg17 : memref<!tpu.dma_semaphore, #tpu.memory_space<semaphore_mem>>)
      } else {
      }
      %dma_wait3A_283 = arith.constant 0 : i32
      %dma_wait3A_284 = tpu.memref_slice %arg36[%add3A_275, %dma_wait3A_283] : memref<160x40xi32, #tpu.memory_space<vmem>> -> memref<1x40xi32, #tpu.memory_space<vmem>>
      %dma_wait3A_285 = tpu.memref_squeeze %dma_wait3A_284 : memref<1x40xi32, #tpu.memory_space<vmem>> -> memref<40xi32, #tpu.memory_space<vmem>>
      %dma_wait3A_286 = arith.constant 0 : i32
      %dma_wait3A_287 = arith.constant 0 : i32
      %dma_wait3A_288 = tpu.memref_slice %arg4[%dma_wait3A_286, %dma_wait3A_287] : memref<100000x128xf32, #tpu.memory_space<hbm>> -> memref<100000x128xf32, #tpu.memory_space<hbm>>
      tpu.wait_indirect_dma semaphore(%arg22 : memref<!tpu.dma_semaphore, #tpu.memory_space<semaphore_mem>>) src(%dma_wait3A_288 : memref<100000x128xf32, #tpu.memory_space<hbm>>) dst(%arg12 : memref<40x128xf32, #tpu.memory_space<vmem>>)
      %rem3A_289 = arith.constant 5 : i32
      %rem3A_290 = arith.remsi %add3A_275, %rem3A_289 : i32
      %mul3A_291 = arith.constant 40 : i32
      %mul3A_292 = arith.muli %rem3A_290, %mul3A_291 : i32
      %parallel_loop3A_293 = arith.constant 0 : i32
      %parallel_loop3A_294 = arith.constant 40 : i32
      %parallel_loop3A_295 = arith.constant 1 : i32
      scf.for %parallel_loop3A_390 = %parallel_loop3A_293 to %parallel_loop3A_294 step %parallel_loop3A_295  : i32 {
        %parallel_loop3A_391 = arith.addi %mul3A_292, %parallel_loop3A_390 : i32
        %parallel_loop3A_392 = arith.index_cast %parallel_loop3A_391 : i32 to index
        %parallel_loop3A_393 = arith.constant 0 : index
        %parallel_loop3A_394 = tpu.vector_load %arg37[%parallel_loop3A_392, %parallel_loop3A_393] {strides = array<i32>} : memref<200x128xf32, #tpu.memory_space<vmem>>, vector<1x16xf32>,
        %parallel_loop3A_395 = vector.shape_cast %parallel_loop3A_394 : vector<1x16xf32> to vector<16xf32>
        %parallel_loop3A_396 = arith.index_cast %parallel_loop3A_390 : i32 to index
        %parallel_loop3A_397 = arith.constant 0 : index
        %parallel_loop3A_398 = tpu.vector_load %arg12[%parallel_loop3A_396, %parallel_loop3A_397] {strides = array<i32>} : memref<40x128xf32, #tpu.memory_space<vmem>>, vector<1x16xf32>,
        %parallel_loop3A_399 = vector.shape_cast %parallel_loop3A_398 : vector<1x16xf32> to vector<16xf32>
        %parallel_loop3A_400 = vector.shape_cast %parallel_loop3A_395 : vector<16xf32> to vector<1x16xf32>
        tpu.vector_store %arg12[%parallel_loop3A_396, %parallel_loop3A_397], %parallel_loop3A_400 {add = true, strides = array<i32>} : memref<40x128xf32, #tpu.memory_space<vmem>>, vector<1x16xf32>,
        %parallel_loop3A_401 = arith.addi %mul3A_292, %parallel_loop3A_390 : i32
        %parallel_loop3A_402 = arith.index_cast %parallel_loop3A_401 : i32 to index
        %parallel_loop3A_403 = arith.constant 16 : index
        %parallel_loop3A_404 = tpu.vector_load %arg37[%parallel_loop3A_402, %parallel_loop3A_403] {strides = array<i32>} : memref<200x128xf32, #tpu.memory_space<vmem>>, vector<1x16xf32>,
        %parallel_loop3A_405 = vector.shape_cast %parallel_loop3A_404 : vector<1x16xf32> to vector<16xf32>
        %parallel_loop3A_406 = arith.index_cast %parallel_loop3A_390 : i32 to index
        %parallel_loop3A_407 = arith.constant 16 : index
        %parallel_loop3A_408 = tpu.vector_load %arg12[%parallel_loop3A_406, %parallel_loop3A_407] {strides = array<i32>} : memref<40x128xf32, #tpu.memory_space<vmem>>, vector<1x16xf32>,
        %parallel_loop3A_409 = vector.shape_cast %parallel_loop3A_408 : vector<1x16xf32> to vector<16xf32>
        %parallel_loop3A_410 = vector.shape_cast %parallel_loop3A_405 : vector<16xf32> to vector<1x16xf32>
        tpu.vector_store %arg12[%parallel_loop3A_406, %parallel_loop3A_407], %parallel_loop3A_410 {add = true, strides = array<i32>} : memref<40x128xf32, #tpu.memory_space<vmem>>, vector<1x16xf32>,
        %parallel_loop3A_411 = arith.addi %mul3A_292, %parallel_loop3A_390 : i32
        %parallel_loop3A_412 = arith.index_cast %parallel_loop3A_411 : i32 to index
        %parallel_loop3A_413 = arith.constant 32 : index
        %parallel_loop3A_414 = tpu.vector_load %arg37[%parallel_loop3A_412, %parallel_loop3A_413] {strides = array<i32>} : memref<200x128xf32, #tpu.memory_space<vmem>>, vector<1x16xf32>,
        %parallel_loop3A_415 = vector.shape_cast %parallel_loop3A_414 : vector<1x16xf32> to vector<16xf32>
        %parallel_loop3A_416 = arith.index_cast %parallel_loop3A_390 : i32 to index
        %parallel_loop3A_417 = arith.constant 32 : index
        %parallel_loop3A_418 = tpu.vector_load %arg12[%parallel_loop3A_416, %parallel_loop3A_417] {strides = array<i32>} : memref<40x128xf32, #tpu.memory_space<vmem>>, vector<1x16xf32>,
        %parallel_loop3A_419 = vector.shape_cast %parallel_loop3A_418 : vector<1x16xf32> to vector<16xf32>
        %parallel_loop3A_420 = vector.shape_cast %parallel_loop3A_415 : vector<16xf32> to vector<1x16xf32>
        tpu.vector_store %arg12[%parallel_loop3A_416, %parallel_loop3A_417], %parallel_loop3A_420 {add = true, strides = array<i32>} : memref<40x128xf32, #tpu.memory_space<vmem>>, vector<1x16xf32>,
        %parallel_loop3A_421 = arith.addi %mul3A_292, %parallel_loop3A_390 : i32
        %parallel_loop3A_422 = arith.index_cast %parallel_loop3A_421 : i32 to index
        %parallel_loop3A_423 = arith.constant 48 : index
        %parallel_loop3A_424 = tpu.vector_load %arg37[%parallel_loop3A_422, %parallel_loop3A_423] {strides = array<i32>} : memref<200x128xf32, #tpu.memory_space<vmem>>, vector<1x16xf32>,
        %parallel_loop3A_425 = vector.shape_cast %parallel_loop3A_424 : vector<1x16xf32> to vector<16xf32>
        %parallel_loop3A_426 = arith.index_cast %parallel_loop3A_390 : i32 to index
        %parallel_loop3A_427 = arith.constant 48 : index
        %parallel_loop3A_428 = tpu.vector_load %arg12[%parallel_loop3A_426, %parallel_loop3A_427] {strides = array<i32>} : memref<40x128xf32, #tpu.memory_space<vmem>>, vector<1x16xf32>,
        %parallel_loop3A_429 = vector.shape_cast %parallel_loop3A_428 : vector<1x16xf32> to vector<16xf32>
        %parallel_loop3A_430 = vector.shape_cast %parallel_loop3A_425 : vector<16xf32> to vector<1x16xf32>
        tpu.vector_store %arg12[%parallel_loop3A_426, %parallel_loop3A_427], %parallel_loop3A_430 {add = true, strides = array<i32>} : memref<40x128xf32, #tpu.memory_space<vmem>>, vector<1x16xf32>,
        %parallel_loop3A_431 = arith.addi %mul3A_292, %parallel_loop3A_390 : i32
        %parallel_loop3A_432 = arith.index_cast %parallel_loop3A_431 : i32 to index
        %parallel_loop3A_433 = arith.constant 64 : index
        %parallel_loop3A_434 = tpu.vector_load %arg37[%parallel_loop3A_432, %parallel_loop3A_433] {strides = array<i32>} : memref<200x128xf32, #tpu.memory_space<vmem>>, vector<1x16xf32>,
        %parallel_loop3A_435 = vector.shape_cast %parallel_loop3A_434 : vector<1x16xf32> to vector<16xf32>
        %parallel_loop3A_436 = arith.index_cast %parallel_loop3A_390 : i32 to index
        %parallel_loop3A_437 = arith.constant 64 : index
        %parallel_loop3A_438 = tpu.vector_load %arg12[%parallel_loop3A_436, %parallel_loop3A_437] {strides = array<i32>} : memref<40x128xf32, #tpu.memory_space<vmem>>, vector<1x16xf32>,
        %parallel_loop3A_439 = vector.shape_cast %parallel_loop3A_438 : vector<1x16xf32> to vector<16xf32>
        %parallel_loop3A_440 = vector.shape_cast %parallel_loop3A_435 : vector<16xf32> to vector<1x16xf32>
        tpu.vector_store %arg12[%parallel_loop3A_436, %parallel_loop3A_437], %parallel_loop3A_440 {add = true, strides = array<i32>} : memref<40x128xf32, #tpu.memory_space<vmem>>, vector<1x16xf32>,
        %parallel_loop3A_441 = arith.addi %mul3A_292, %parallel_loop3A_390 : i32
        %parallel_loop3A_442 = arith.index_cast %parallel_loop3A_441 : i32 to index
        %parallel_loop3A_443 = arith.constant 80 : index
        %parallel_loop3A_444 = tpu.vector_load %arg37[%parallel_loop3A_442, %parallel_loop3A_443] {strides = array<i32>} : memref<200x128xf32, #tpu.memory_space<vmem>>, vector<1x16xf32>,
        %parallel_loop3A_445 = vector.shape_cast %parallel_loop3A_444 : vector<1x16xf32> to vector<16xf32>
        %parallel_loop3A_446 = arith.index_cast %parallel_loop3A_390 : i32 to index
        %parallel_loop3A_447 = arith.constant 80 : index
        %parallel_loop3A_448 = tpu.vector_load %arg12[%parallel_loop3A_446, %parallel_loop3A_447] {strides = array<i32>} : memref<40x128xf32, #tpu.memory_space<vmem>>, vector<1x16xf32>,
        %parallel_loop3A_449 = vector.shape_cast %parallel_loop3A_448 : vector<1x16xf32> to vector<16xf32>
        %parallel_loop3A_450 = vector.shape_cast %parallel_loop3A_445 : vector<16xf32> to vector<1x16xf32>
        tpu.vector_store %arg12[%parallel_loop3A_446, %parallel_loop3A_447], %parallel_loop3A_450 {add = true, strides = array<i32>} : memref<40x128xf32, #tpu.memory_space<vmem>>, vector<1x16xf32>,
        %parallel_loop3A_451 = arith.addi %mul3A_292, %parallel_loop3A_390 : i32
        %parallel_loop3A_452 = arith.index_cast %parallel_loop3A_451 : i32 to index
        %parallel_loop3A_453 = arith.constant 96 : index
        %parallel_loop3A_454 = tpu.vector_load %arg37[%parallel_loop3A_452, %parallel_loop3A_453] {strides = array<i32>} : memref<200x128xf32, #tpu.memory_space<vmem>>, vector<1x16xf32>,
        %parallel_loop3A_455 = vector.shape_cast %parallel_loop3A_454 : vector<1x16xf32> to vector<16xf32>
        %parallel_loop3A_456 = arith.index_cast %parallel_loop3A_390 : i32 to index
        %parallel_loop3A_457 = arith.constant 96 : index
        %parallel_loop3A_458 = tpu.vector_load %arg12[%parallel_loop3A_456, %parallel_loop3A_457] {strides = array<i32>} : memref<40x128xf32, #tpu.memory_space<vmem>>, vector<1x16xf32>,
        %parallel_loop3A_459 = vector.shape_cast %parallel_loop3A_458 : vector<1x16xf32> to vector<16xf32>
        %parallel_loop3A_460 = vector.shape_cast %parallel_loop3A_455 : vector<16xf32> to vector<1x16xf32>
        tpu.vector_store %arg12[%parallel_loop3A_456, %parallel_loop3A_457], %parallel_loop3A_460 {add = true, strides = array<i32>} : memref<40x128xf32, #tpu.memory_space<vmem>>, vector<1x16xf32>,
        %parallel_loop3A_461 = arith.addi %mul3A_292, %parallel_loop3A_390 : i32
        %parallel_loop3A_462 = arith.index_cast %parallel_loop3A_461 : i32 to index
        %parallel_loop3A_463 = arith.constant 112 : index
        %parallel_loop3A_464 = tpu.vector_load %arg37[%parallel_loop3A_462, %parallel_loop3A_463] {strides = array<i32>} : memref<200x128xf32, #tpu.memory_space<vmem>>, vector<1x16xf32>,
        %parallel_loop3A_465 = vector.shape_cast %parallel_loop3A_464 : vector<1x16xf32> to vector<16xf32>
        %parallel_loop3A_466 = arith.index_cast %parallel_loop3A_390 : i32 to index
        %parallel_loop3A_467 = arith.constant 112 : index
        %parallel_loop3A_468 = tpu.vector_load %arg12[%parallel_loop3A_466, %parallel_loop3A_467] {strides = array<i32>} : memref<40x128xf32, #tpu.memory_space<vmem>>, vector<1x16xf32>,
        %parallel_loop3A_469 = vector.shape_cast %parallel_loop3A_468 : vector<1x16xf32> to vector<16xf32>
        %parallel_loop3A_470 = vector.shape_cast %parallel_loop3A_465 : vector<16xf32> to vector<1x16xf32>
        tpu.vector_store %arg12[%parallel_loop3A_466, %parallel_loop3A_467], %parallel_loop3A_470 {add = true, strides = array<i32>} : memref<40x128xf32, #tpu.memory_space<vmem>>, vector<1x16xf32>,
      } {sc.loop_unroll_factor = 4 : i64, sc.parallel_access}
      %mul3A_296 = arith.constant 40 : i32
      %mul3A_297 = arith.muli %add3A_275, %mul3A_296 : i32
      %add3A_298 = arith.addi %mul3A_2, %mul3A_297 : i32
      %dma_start3A_299 = arith.constant 0 : i32
      %dma_start3A_300 = tpu.memref_slice %arg5[%add3A_298, %dma_start3A_299] : memref<204800x128xf32, #tpu.memory_space<hbm>> -> memref<40x128xf32, #tpu.memory_space<hbm>>
      %dma_start3A_301 = arith.constant 0 : i32
      %dma_start3A_302 = tpu.memref_slice %arg5[%add3A_298, %dma_start3A_301] : memref<204800x128xf32, #tpu.memory_space<hbm>> -> memref<40x128xf32, #tpu.memory_space<hbm>>
      tpu.enqueue_dma source(%arg12 : memref<40x128xf32, #tpu.memory_space<vmem>>) target(%dma_start3A_302 : memref<40x128xf32, #tpu.memory_space<hbm>>) target_semaphore(%arg32 : memref<!tpu.dma_semaphore, #tpu.memory_space<semaphore_mem>>)
      %add3A_303 = arith.constant 7 : i32
      %add3A_304 = arith.addi %add3A_104, %add3A_303 : i32
      %add3A_305 = arith.constant 5 : i32
      %add3A_306 = arith.addi %add3A_304, %add3A_305 : i32
      %lt3A_307 = arith.constant 160 : i32
      %lt3A_308 = arith.cmpi slt, %add3A_306, %lt3A_307 : i32
      %convert_element_type3A_309 = arith.extui %lt3A_308 : i1 to i32
      %cond3A_310 = arith.constant 0 : i32
      %cond3A_311 = arith.cmpi ne, %convert_element_type3A_309, %cond3A_310 : i32
      scf.if %cond3A_311 {
        %ge3A = arith.constant 10 : i32
        %ge3A_390 = arith.cmpi sge, %add3A_306, %ge3A : i32
        %convert_element_type3A_391 = arith.extui %ge3A_390 : i1 to i32
        %cond3A_392 = arith.constant 0 : i32
        %cond3A_393 = arith.cmpi ne, %convert_element_type3A_391, %cond3A_392 : i32
        scf.if %cond3A_393 {
          %sub3A = arith.constant 10 : i32
          %sub3A_400 = arith.subi %add3A_306, %sub3A : i32
          %mul3A_401 = arith.constant 40 : i32
          %mul3A_402 = arith.muli %sub3A_400, %mul3A_401 : i32
          %add3A_403 = arith.addi %mul3A_2, %mul3A_402 : i32
          %dma_wait3A_404 = arith.constant 0 : i32
          %dma_wait3A_405 = tpu.memref_slice %arg5[%add3A_403, %dma_wait3A_404] : memref<204800x128xf32, #tpu.memory_space<hbm>> -> memref<40x128xf32, #tpu.memory_space<hbm>>
          %dma_wait3A_406 = arith.constant 0 : i32
          %dma_wait3A_407 = tpu.memref_slice %arg5[%add3A_403, %dma_wait3A_406] : memref<204800x128xf32, #tpu.memory_space<hbm>> -> memref<40x128xf32, #tpu.memory_space<hbm>>
          tpu.wait_dma2 semaphore(%arg28 : memref<!tpu.dma_semaphore, #tpu.memory_space<semaphore_mem>>) src(%arg8 : memref<40x128xf32, #tpu.memory_space<vmem>>) dst(%dma_wait3A_407 : memref<40x128xf32, #tpu.memory_space<hbm>>)
        } else {
        }
        %dma_start3A_394 = arith.constant 0 : i32
        %dma_start3A_395 = tpu.memref_slice %arg36[%add3A_306, %dma_start3A_394] : memref<160x40xi32, #tpu.memory_space<vmem>> -> memref<1x40xi32, #tpu.memory_space<vmem>>
        %dma_start3A_396 = tpu.memref_squeeze %dma_start3A_395 : memref<1x40xi32, #tpu.memory_space<vmem>> -> memref<40xi32, #tpu.memory_space<vmem>>
        %dma_start3A_397 = arith.constant 0 : i32
        %dma_start3A_398 = arith.constant 0 : i32
        %dma_start3A_399 = tpu.memref_slice %arg4[%dma_start3A_397, %dma_start3A_398] : memref<100000x128xf32, #tpu.memory_space<hbm>> -> memref<100000x128xf32, #tpu.memory_space<hbm>>
        tpu.enqueue_indirect_dma source(%dma_start3A_399 : memref<100000x128xf32, #tpu.memory_space<hbm>>) target(%arg8 : memref<40x128xf32, #tpu.memory_space<vmem>>) offsets(%dma_start3A_396 : memref<40xi32, #tpu.memory_space<vmem>>) semaphore(%arg18 : memref<!tpu.dma_semaphore, #tpu.memory_space<semaphore_mem>>)
      } else {
      }
      %dma_wait3A_312 = arith.constant 0 : i32
      %dma_wait3A_313 = tpu.memref_slice %arg36[%add3A_304, %dma_wait3A_312] : memref<160x40xi32, #tpu.memory_space<vmem>> -> memref<1x40xi32, #tpu.memory_space<vmem>>
      %dma_wait3A_314 = tpu.memref_squeeze %dma_wait3A_313 : memref<1x40xi32, #tpu.memory_space<vmem>> -> memref<40xi32, #tpu.memory_space<vmem>>
      %dma_wait3A_315 = arith.constant 0 : i32
      %dma_wait3A_316 = arith.constant 0 : i32
      %dma_wait3A_317 = tpu.memref_slice %arg4[%dma_wait3A_315, %dma_wait3A_316] : memref<100000x128xf32, #tpu.memory_space<hbm>> -> memref<100000x128xf32, #tpu.memory_space<hbm>>
      tpu.wait_indirect_dma semaphore(%arg23 : memref<!tpu.dma_semaphore, #tpu.memory_space<semaphore_mem>>) src(%dma_wait3A_317 : memref<100000x128xf32, #tpu.memory_space<hbm>>) dst(%arg13 : memref<40x128xf32, #tpu.memory_space<vmem>>)
      %rem3A_318 = arith.constant 5 : i32
      %rem3A_319 = arith.remsi %add3A_304, %rem3A_318 : i32
      %mul3A_320 = arith.constant 40 : i32
      %mul3A_321 = arith.muli %rem3A_319, %mul3A_320 : i32
      %parallel_loop3A_322 = arith.constant 0 : i32
      %parallel_loop3A_323 = arith.constant 40 : i32
      %parallel_loop3A_324 = arith.constant 1 : i32
      scf.for %parallel_loop3A_390 = %parallel_loop3A_322 to %parallel_loop3A_323 step %parallel_loop3A_324  : i32 {
        %parallel_loop3A_391 = arith.addi %mul3A_321, %parallel_loop3A_390 : i32
        %parallel_loop3A_392 = arith.index_cast %parallel_loop3A_391 : i32 to index
        %parallel_loop3A_393 = arith.constant 0 : index
        %parallel_loop3A_394 = tpu.vector_load %arg37[%parallel_loop3A_392, %parallel_loop3A_393] {strides = array<i32>} : memref<200x128xf32, #tpu.memory_space<vmem>>, vector<1x16xf32>,
        %parallel_loop3A_395 = vector.shape_cast %parallel_loop3A_394 : vector<1x16xf32> to vector<16xf32>
        %parallel_loop3A_396 = arith.index_cast %parallel_loop3A_390 : i32 to index
        %parallel_loop3A_397 = arith.constant 0 : index
        %parallel_loop3A_398 = tpu.vector_load %arg13[%parallel_loop3A_396, %parallel_loop3A_397] {strides = array<i32>} : memref<40x128xf32, #tpu.memory_space<vmem>>, vector<1x16xf32>,
        %parallel_loop3A_399 = vector.shape_cast %parallel_loop3A_398 : vector<1x16xf32> to vector<16xf32>
        %parallel_loop3A_400 = vector.shape_cast %parallel_loop3A_395 : vector<16xf32> to vector<1x16xf32>
        tpu.vector_store %arg13[%parallel_loop3A_396, %parallel_loop3A_397], %parallel_loop3A_400 {add = true, strides = array<i32>} : memref<40x128xf32, #tpu.memory_space<vmem>>, vector<1x16xf32>,
        %parallel_loop3A_401 = arith.addi %mul3A_321, %parallel_loop3A_390 : i32
        %parallel_loop3A_402 = arith.index_cast %parallel_loop3A_401 : i32 to index
        %parallel_loop3A_403 = arith.constant 16 : index
        %parallel_loop3A_404 = tpu.vector_load %arg37[%parallel_loop3A_402, %parallel_loop3A_403] {strides = array<i32>} : memref<200x128xf32, #tpu.memory_space<vmem>>, vector<1x16xf32>,
        %parallel_loop3A_405 = vector.shape_cast %parallel_loop3A_404 : vector<1x16xf32> to vector<16xf32>
        %parallel_loop3A_406 = arith.index_cast %parallel_loop3A_390 : i32 to index
        %parallel_loop3A_407 = arith.constant 16 : index
        %parallel_loop3A_408 = tpu.vector_load %arg13[%parallel_loop3A_406, %parallel_loop3A_407] {strides = array<i32>} : memref<40x128xf32, #tpu.memory_space<vmem>>, vector<1x16xf32>,
        %parallel_loop3A_409 = vector.shape_cast %parallel_loop3A_408 : vector<1x16xf32> to vector<16xf32>
        %parallel_loop3A_410 = vector.shape_cast %parallel_loop3A_405 : vector<16xf32> to vector<1x16xf32>
        tpu.vector_store %arg13[%parallel_loop3A_406, %parallel_loop3A_407], %parallel_loop3A_410 {add = true, strides = array<i32>} : memref<40x128xf32, #tpu.memory_space<vmem>>, vector<1x16xf32>,
        %parallel_loop3A_411 = arith.addi %mul3A_321, %parallel_loop3A_390 : i32
        %parallel_loop3A_412 = arith.index_cast %parallel_loop3A_411 : i32 to index
        %parallel_loop3A_413 = arith.constant 32 : index
        %parallel_loop3A_414 = tpu.vector_load %arg37[%parallel_loop3A_412, %parallel_loop3A_413] {strides = array<i32>} : memref<200x128xf32, #tpu.memory_space<vmem>>, vector<1x16xf32>,
        %parallel_loop3A_415 = vector.shape_cast %parallel_loop3A_414 : vector<1x16xf32> to vector<16xf32>
        %parallel_loop3A_416 = arith.index_cast %parallel_loop3A_390 : i32 to index
        %parallel_loop3A_417 = arith.constant 32 : index
        %parallel_loop3A_418 = tpu.vector_load %arg13[%parallel_loop3A_416, %parallel_loop3A_417] {strides = array<i32>} : memref<40x128xf32, #tpu.memory_space<vmem>>, vector<1x16xf32>,
        %parallel_loop3A_419 = vector.shape_cast %parallel_loop3A_418 : vector<1x16xf32> to vector<16xf32>
        %parallel_loop3A_420 = vector.shape_cast %parallel_loop3A_415 : vector<16xf32> to vector<1x16xf32>
        tpu.vector_store %arg13[%parallel_loop3A_416, %parallel_loop3A_417], %parallel_loop3A_420 {add = true, strides = array<i32>} : memref<40x128xf32, #tpu.memory_space<vmem>>, vector<1x16xf32>,
        %parallel_loop3A_421 = arith.addi %mul3A_321, %parallel_loop3A_390 : i32
        %parallel_loop3A_422 = arith.index_cast %parallel_loop3A_421 : i32 to index
        %parallel_loop3A_423 = arith.constant 48 : index
        %parallel_loop3A_424 = tpu.vector_load %arg37[%parallel_loop3A_422, %parallel_loop3A_423] {strides = array<i32>} : memref<200x128xf32, #tpu.memory_space<vmem>>, vector<1x16xf32>,
        %parallel_loop3A_425 = vector.shape_cast %parallel_loop3A_424 : vector<1x16xf32> to vector<16xf32>
        %parallel_loop3A_426 = arith.index_cast %parallel_loop3A_390 : i32 to index
        %parallel_loop3A_427 = arith.constant 48 : index
        %parallel_loop3A_428 = tpu.vector_load %arg13[%parallel_loop3A_426, %parallel_loop3A_427] {strides = array<i32>} : memref<40x128xf32, #tpu.memory_space<vmem>>, vector<1x16xf32>,
        %parallel_loop3A_429 = vector.shape_cast %parallel_loop3A_428 : vector<1x16xf32> to vector<16xf32>
        %parallel_loop3A_430 = vector.shape_cast %parallel_loop3A_425 : vector<16xf32> to vector<1x16xf32>
        tpu.vector_store %arg13[%parallel_loop3A_426, %parallel_loop3A_427], %parallel_loop3A_430 {add = true, strides = array<i32>} : memref<40x128xf32, #tpu.memory_space<vmem>>, vector<1x16xf32>,
        %parallel_loop3A_431 = arith.addi %mul3A_321, %parallel_loop3A_390 : i32
        %parallel_loop3A_432 = arith.index_cast %parallel_loop3A_431 : i32 to index
        %parallel_loop3A_433 = arith.constant 64 : index
        %parallel_loop3A_434 = tpu.vector_load %arg37[%parallel_loop3A_432, %parallel_loop3A_433] {strides = array<i32>} : memref<200x128xf32, #tpu.memory_space<vmem>>, vector<1x16xf32>,
        %parallel_loop3A_435 = vector.shape_cast %parallel_loop3A_434 : vector<1x16xf32> to vector<16xf32>
        %parallel_loop3A_436 = arith.index_cast %parallel_loop3A_390 : i32 to index
        %parallel_loop3A_437 = arith.constant 64 : index
        %parallel_loop3A_438 = tpu.vector_load %arg13[%parallel_loop3A_436, %parallel_loop3A_437] {strides = array<i32>} : memref<40x128xf32, #tpu.memory_space<vmem>>, vector<1x16xf32>,
        %parallel_loop3A_439 = vector.shape_cast %parallel_loop3A_438 : vector<1x16xf32> to vector<16xf32>
        %parallel_loop3A_440 = vector.shape_cast %parallel_loop3A_435 : vector<16xf32> to vector<1x16xf32>
        tpu.vector_store %arg13[%parallel_loop3A_436, %parallel_loop3A_437], %parallel_loop3A_440 {add = true, strides = array<i32>} : memref<40x128xf32, #tpu.memory_space<vmem>>, vector<1x16xf32>,
        %parallel_loop3A_441 = arith.addi %mul3A_321, %parallel_loop3A_390 : i32
        %parallel_loop3A_442 = arith.index_cast %parallel_loop3A_441 : i32 to index
        %parallel_loop3A_443 = arith.constant 80 : index
        %parallel_loop3A_444 = tpu.vector_load %arg37[%parallel_loop3A_442, %parallel_loop3A_443] {strides = array<i32>} : memref<200x128xf32, #tpu.memory_space<vmem>>, vector<1x16xf32>,
        %parallel_loop3A_445 = vector.shape_cast %parallel_loop3A_444 : vector<1x16xf32> to vector<16xf32>
        %parallel_loop3A_446 = arith.index_cast %parallel_loop3A_390 : i32 to index
        %parallel_loop3A_447 = arith.constant 80 : index
        %parallel_loop3A_448 = tpu.vector_load %arg13[%parallel_loop3A_446, %parallel_loop3A_447] {strides = array<i32>} : memref<40x128xf32, #tpu.memory_space<vmem>>, vector<1x16xf32>,
        %parallel_loop3A_449 = vector.shape_cast %parallel_loop3A_448 : vector<1x16xf32> to vector<16xf32>
        %parallel_loop3A_450 = vector.shape_cast %parallel_loop3A_445 : vector<16xf32> to vector<1x16xf32>
        tpu.vector_store %arg13[%parallel_loop3A_446, %parallel_loop3A_447], %parallel_loop3A_450 {add = true, strides = array<i32>} : memref<40x128xf32, #tpu.memory_space<vmem>>, vector<1x16xf32>,
        %parallel_loop3A_451 = arith.addi %mul3A_321, %parallel_loop3A_390 : i32
        %parallel_loop3A_452 = arith.index_cast %parallel_loop3A_451 : i32 to index
        %parallel_loop3A_453 = arith.constant 96 : index
        %parallel_loop3A_454 = tpu.vector_load %arg37[%parallel_loop3A_452, %parallel_loop3A_453] {strides = array<i32>} : memref<200x128xf32, #tpu.memory_space<vmem>>, vector<1x16xf32>,
        %parallel_loop3A_455 = vector.shape_cast %parallel_loop3A_454 : vector<1x16xf32> to vector<16xf32>
        %parallel_loop3A_456 = arith.index_cast %parallel_loop3A_390 : i32 to index
        %parallel_loop3A_457 = arith.constant 96 : index
        %parallel_loop3A_458 = tpu.vector_load %arg13[%parallel_loop3A_456, %parallel_loop3A_457] {strides = array<i32>} : memref<40x128xf32, #tpu.memory_space<vmem>>, vector<1x16xf32>,
        %parallel_loop3A_459 = vector.shape_cast %parallel_loop3A_458 : vector<1x16xf32> to vector<16xf32>
        %parallel_loop3A_460 = vector.shape_cast %parallel_loop3A_455 : vector<16xf32> to vector<1x16xf32>
        tpu.vector_store %arg13[%parallel_loop3A_456, %parallel_loop3A_457], %parallel_loop3A_460 {add = true, strides = array<i32>} : memref<40x128xf32, #tpu.memory_space<vmem>>, vector<1x16xf32>,
        %parallel_loop3A_461 = arith.addi %mul3A_321, %parallel_loop3A_390 : i32
        %parallel_loop3A_462 = arith.index_cast %parallel_loop3A_461 : i32 to index
        %parallel_loop3A_463 = arith.constant 112 : index
        %parallel_loop3A_464 = tpu.vector_load %arg37[%parallel_loop3A_462, %parallel_loop3A_463] {strides = array<i32>} : memref<200x128xf32, #tpu.memory_space<vmem>>, vector<1x16xf32>,
        %parallel_loop3A_465 = vector.shape_cast %parallel_loop3A_464 : vector<1x16xf32> to vector<16xf32>
        %parallel_loop3A_466 = arith.index_cast %parallel_loop3A_390 : i32 to index
        %parallel_loop3A_467 = arith.constant 112 : index
        %parallel_loop3A_468 = tpu.vector_load %arg13[%parallel_loop3A_466, %parallel_loop3A_467] {strides = array<i32>} : memref<40x128xf32, #tpu.memory_space<vmem>>, vector<1x16xf32>,
        %parallel_loop3A_469 = vector.shape_cast %parallel_loop3A_468 : vector<1x16xf32> to vector<16xf32>
        %parallel_loop3A_470 = vector.shape_cast %parallel_loop3A_465 : vector<16xf32> to vector<1x16xf32>
        tpu.vector_store %arg13[%parallel_loop3A_466, %parallel_loop3A_467], %parallel_loop3A_470 {add = true, strides = array<i32>} : memref<40x128xf32, #tpu.memory_space<vmem>>, vector<1x16xf32>,
      } {sc.loop_unroll_factor = 4 : i64, sc.parallel_access}
      %mul3A_325 = arith.constant 40 : i32
      %mul3A_326 = arith.muli %add3A_304, %mul3A_325 : i32
      %add3A_327 = arith.addi %mul3A_2, %mul3A_326 : i32
      %dma_start3A_328 = arith.constant 0 : i32
      %dma_start3A_329 = tpu.memref_slice %arg5[%add3A_327, %dma_start3A_328] : memref<204800x128xf32, #tpu.memory_space<hbm>> -> memref<40x128xf32, #tpu.memory_space<hbm>>
      %dma_start3A_330 = arith.constant 0 : i32
      %dma_start3A_331 = tpu.memref_slice %arg5[%add3A_327, %dma_start3A_330] : memref<204800x128xf32, #tpu.memory_space<hbm>> -> memref<40x128xf32, #tpu.memory_space<hbm>>
      tpu.enqueue_dma source(%arg13 : memref<40x128xf32, #tpu.memory_space<vmem>>) target(%dma_start3A_331 : memref<40x128xf32, #tpu.memory_space<hbm>>) target_semaphore(%arg33 : memref<!tpu.dma_semaphore, #tpu.memory_space<semaphore_mem>>)
      %add3A_332 = arith.constant 8 : i32
      %add3A_333 = arith.addi %add3A_104, %add3A_332 : i32
      %add3A_334 = arith.constant 5 : i32
      %add3A_335 = arith.addi %add3A_333, %add3A_334 : i32
      %lt3A_336 = arith.constant 160 : i32
      %lt3A_337 = arith.cmpi slt, %add3A_335, %lt3A_336 : i32
      %convert_element_type3A_338 = arith.extui %lt3A_337 : i1 to i32
      %cond3A_339 = arith.constant 0 : i32
      %cond3A_340 = arith.cmpi ne, %convert_element_type3A_338, %cond3A_339 : i32
      scf.if %cond3A_340 {
        %ge3A = arith.constant 10 : i32
        %ge3A_390 = arith.cmpi sge, %add3A_335, %ge3A : i32
        %convert_element_type3A_391 = arith.extui %ge3A_390 : i1 to i32
        %cond3A_392 = arith.constant 0 : i32
        %cond3A_393 = arith.cmpi ne, %convert_element_type3A_391, %cond3A_392 : i32
        scf.if %cond3A_393 {
          %sub3A = arith.constant 10 : i32
          %sub3A_400 = arith.subi %add3A_335, %sub3A : i32
          %mul3A_401 = arith.constant 40 : i32
          %mul3A_402 = arith.muli %sub3A_400, %mul3A_401 : i32
          %add3A_403 = arith.addi %mul3A_2, %mul3A_402 : i32
          %dma_wait3A_404 = arith.constant 0 : i32
          %dma_wait3A_405 = tpu.memref_slice %arg5[%add3A_403, %dma_wait3A_404] : memref<204800x128xf32, #tpu.memory_space<hbm>> -> memref<40x128xf32, #tpu.memory_space<hbm>>
          %dma_wait3A_406 = arith.constant 0 : i32
          %dma_wait3A_407 = tpu.memref_slice %arg5[%add3A_403, %dma_wait3A_406] : memref<204800x128xf32, #tpu.memory_space<hbm>> -> memref<40x128xf32, #tpu.memory_space<hbm>>
          tpu.wait_dma2 semaphore(%arg29 : memref<!tpu.dma_semaphore, #tpu.memory_space<semaphore_mem>>) src(%arg9 : memref<40x128xf32, #tpu.memory_space<vmem>>) dst(%dma_wait3A_407 : memref<40x128xf32, #tpu.memory_space<hbm>>)
        } else {
        }
        %dma_start3A_394 = arith.constant 0 : i32
        %dma_start3A_395 = tpu.memref_slice %arg36[%add3A_335, %dma_start3A_394] : memref<160x40xi32, #tpu.memory_space<vmem>> -> memref<1x40xi32, #tpu.memory_space<vmem>>
        %dma_start3A_396 = tpu.memref_squeeze %dma_start3A_395 : memref<1x40xi32, #tpu.memory_space<vmem>> -> memref<40xi32, #tpu.memory_space<vmem>>
        %dma_start3A_397 = arith.constant 0 : i32
        %dma_start3A_398 = arith.constant 0 : i32
        %dma_start3A_399 = tpu.memref_slice %arg4[%dma_start3A_397, %dma_start3A_398] : memref<100000x128xf32, #tpu.memory_space<hbm>> -> memref<100000x128xf32, #tpu.memory_space<hbm>>
        tpu.enqueue_indirect_dma source(%dma_start3A_399 : memref<100000x128xf32, #tpu.memory_space<hbm>>) target(%arg9 : memref<40x128xf32, #tpu.memory_space<vmem>>) offsets(%dma_start3A_396 : memref<40xi32, #tpu.memory_space<vmem>>) semaphore(%arg19 : memref<!tpu.dma_semaphore, #tpu.memory_space<semaphore_mem>>)
      } else {
      }
      %dma_wait3A_341 = arith.constant 0 : i32
      %dma_wait3A_342 = tpu.memref_slice %arg36[%add3A_333, %dma_wait3A_341] : memref<160x40xi32, #tpu.memory_space<vmem>> -> memref<1x40xi32, #tpu.memory_space<vmem>>
      %dma_wait3A_343 = tpu.memref_squeeze %dma_wait3A_342 : memref<1x40xi32, #tpu.memory_space<vmem>> -> memref<40xi32, #tpu.memory_space<vmem>>
      %dma_wait3A_344 = arith.constant 0 : i32
      %dma_wait3A_345 = arith.constant 0 : i32
      %dma_wait3A_346 = tpu.memref_slice %arg4[%dma_wait3A_344, %dma_wait3A_345] : memref<100000x128xf32, #tpu.memory_space<hbm>> -> memref<100000x128xf32, #tpu.memory_space<hbm>>
      tpu.wait_indirect_dma semaphore(%arg24 : memref<!tpu.dma_semaphore, #tpu.memory_space<semaphore_mem>>) src(%dma_wait3A_346 : memref<100000x128xf32, #tpu.memory_space<hbm>>) dst(%arg14 : memref<40x128xf32, #tpu.memory_space<vmem>>)
      %rem3A_347 = arith.constant 5 : i32
      %rem3A_348 = arith.remsi %add3A_333, %rem3A_347 : i32
      %mul3A_349 = arith.constant 40 : i32
      %mul3A_350 = arith.muli %rem3A_348, %mul3A_349 : i32
      %parallel_loop3A_351 = arith.constant 0 : i32
      %parallel_loop3A_352 = arith.constant 40 : i32
      %parallel_loop3A_353 = arith.constant 1 : i32
      scf.for %parallel_loop3A_390 = %parallel_loop3A_351 to %parallel_loop3A_352 step %parallel_loop3A_353  : i32 {
        %parallel_loop3A_391 = arith.addi %mul3A_350, %parallel_loop3A_390 : i32
        %parallel_loop3A_392 = arith.index_cast %parallel_loop3A_391 : i32 to index
        %parallel_loop3A_393 = arith.constant 0 : index
        %parallel_loop3A_394 = tpu.vector_load %arg37[%parallel_loop3A_392, %parallel_loop3A_393] {strides = array<i32>} : memref<200x128xf32, #tpu.memory_space<vmem>>, vector<1x16xf32>,
        %parallel_loop3A_395 = vector.shape_cast %parallel_loop3A_394 : vector<1x16xf32> to vector<16xf32>
        %parallel_loop3A_396 = arith.index_cast %parallel_loop3A_390 : i32 to index
        %parallel_loop3A_397 = arith.constant 0 : index
        %parallel_loop3A_398 = tpu.vector_load %arg14[%parallel_loop3A_396, %parallel_loop3A_397] {strides = array<i32>} : memref<40x128xf32, #tpu.memory_space<vmem>>, vector<1x16xf32>,
        %parallel_loop3A_399 = vector.shape_cast %parallel_loop3A_398 : vector<1x16xf32> to vector<16xf32>
        %parallel_loop3A_400 = vector.shape_cast %parallel_loop3A_395 : vector<16xf32> to vector<1x16xf32>
        tpu.vector_store %arg14[%parallel_loop3A_396, %parallel_loop3A_397], %parallel_loop3A_400 {add = true, strides = array<i32>} : memref<40x128xf32, #tpu.memory_space<vmem>>, vector<1x16xf32>,
        %parallel_loop3A_401 = arith.addi %mul3A_350, %parallel_loop3A_390 : i32
        %parallel_loop3A_402 = arith.index_cast %parallel_loop3A_401 : i32 to index
        %parallel_loop3A_403 = arith.constant 16 : index
        %parallel_loop3A_404 = tpu.vector_load %arg37[%parallel_loop3A_402, %parallel_loop3A_403] {strides = array<i32>} : memref<200x128xf32, #tpu.memory_space<vmem>>, vector<1x16xf32>,
        %parallel_loop3A_405 = vector.shape_cast %parallel_loop3A_404 : vector<1x16xf32> to vector<16xf32>
        %parallel_loop3A_406 = arith.index_cast %parallel_loop3A_390 : i32 to index
        %parallel_loop3A_407 = arith.constant 16 : index
        %parallel_loop3A_408 = tpu.vector_load %arg14[%parallel_loop3A_406, %parallel_loop3A_407] {strides = array<i32>} : memref<40x128xf32, #tpu.memory_space<vmem>>, vector<1x16xf32>,
        %parallel_loop3A_409 = vector.shape_cast %parallel_loop3A_408 : vector<1x16xf32> to vector<16xf32>
        %parallel_loop3A_410 = vector.shape_cast %parallel_loop3A_405 : vector<16xf32> to vector<1x16xf32>
        tpu.vector_store %arg14[%parallel_loop3A_406, %parallel_loop3A_407], %parallel_loop3A_410 {add = true, strides = array<i32>} : memref<40x128xf32, #tpu.memory_space<vmem>>, vector<1x16xf32>,
        %parallel_loop3A_411 = arith.addi %mul3A_350, %parallel_loop3A_390 : i32
        %parallel_loop3A_412 = arith.index_cast %parallel_loop3A_411 : i32 to index
        %parallel_loop3A_413 = arith.constant 32 : index
        %parallel_loop3A_414 = tpu.vector_load %arg37[%parallel_loop3A_412, %parallel_loop3A_413] {strides = array<i32>} : memref<200x128xf32, #tpu.memory_space<vmem>>, vector<1x16xf32>,
        %parallel_loop3A_415 = vector.shape_cast %parallel_loop3A_414 : vector<1x16xf32> to vector<16xf32>
        %parallel_loop3A_416 = arith.index_cast %parallel_loop3A_390 : i32 to index
        %parallel_loop3A_417 = arith.constant 32 : index
        %parallel_loop3A_418 = tpu.vector_load %arg14[%parallel_loop3A_416, %parallel_loop3A_417] {strides = array<i32>} : memref<40x128xf32, #tpu.memory_space<vmem>>, vector<1x16xf32>,
        %parallel_loop3A_419 = vector.shape_cast %parallel_loop3A_418 : vector<1x16xf32> to vector<16xf32>
        %parallel_loop3A_420 = vector.shape_cast %parallel_loop3A_415 : vector<16xf32> to vector<1x16xf32>
        tpu.vector_store %arg14[%parallel_loop3A_416, %parallel_loop3A_417], %parallel_loop3A_420 {add = true, strides = array<i32>} : memref<40x128xf32, #tpu.memory_space<vmem>>, vector<1x16xf32>,
        %parallel_loop3A_421 = arith.addi %mul3A_350, %parallel_loop3A_390 : i32
        %parallel_loop3A_422 = arith.index_cast %parallel_loop3A_421 : i32 to index
        %parallel_loop3A_423 = arith.constant 48 : index
        %parallel_loop3A_424 = tpu.vector_load %arg37[%parallel_loop3A_422, %parallel_loop3A_423] {strides = array<i32>} : memref<200x128xf32, #tpu.memory_space<vmem>>, vector<1x16xf32>,
        %parallel_loop3A_425 = vector.shape_cast %parallel_loop3A_424 : vector<1x16xf32> to vector<16xf32>
        %parallel_loop3A_426 = arith.index_cast %parallel_loop3A_390 : i32 to index
        %parallel_loop3A_427 = arith.constant 48 : index
        %parallel_loop3A_428 = tpu.vector_load %arg14[%parallel_loop3A_426, %parallel_loop3A_427] {strides = array<i32>} : memref<40x128xf32, #tpu.memory_space<vmem>>, vector<1x16xf32>,
        %parallel_loop3A_429 = vector.shape_cast %parallel_loop3A_428 : vector<1x16xf32> to vector<16xf32>
        %parallel_loop3A_430 = vector.shape_cast %parallel_loop3A_425 : vector<16xf32> to vector<1x16xf32>
        tpu.vector_store %arg14[%parallel_loop3A_426, %parallel_loop3A_427], %parallel_loop3A_430 {add = true, strides = array<i32>} : memref<40x128xf32, #tpu.memory_space<vmem>>, vector<1x16xf32>,
        %parallel_loop3A_431 = arith.addi %mul3A_350, %parallel_loop3A_390 : i32
        %parallel_loop3A_432 = arith.index_cast %parallel_loop3A_431 : i32 to index
        %parallel_loop3A_433 = arith.constant 64 : index
        %parallel_loop3A_434 = tpu.vector_load %arg37[%parallel_loop3A_432, %parallel_loop3A_433] {strides = array<i32>} : memref<200x128xf32, #tpu.memory_space<vmem>>, vector<1x16xf32>,
        %parallel_loop3A_435 = vector.shape_cast %parallel_loop3A_434 : vector<1x16xf32> to vector<16xf32>
        %parallel_loop3A_436 = arith.index_cast %parallel_loop3A_390 : i32 to index
        %parallel_loop3A_437 = arith.constant 64 : index
        %parallel_loop3A_438 = tpu.vector_load %arg14[%parallel_loop3A_436, %parallel_loop3A_437] {strides = array<i32>} : memref<40x128xf32, #tpu.memory_space<vmem>>, vector<1x16xf32>,
        %parallel_loop3A_439 = vector.shape_cast %parallel_loop3A_438 : vector<1x16xf32> to vector<16xf32>
        %parallel_loop3A_440 = vector.shape_cast %parallel_loop3A_435 : vector<16xf32> to vector<1x16xf32>
        tpu.vector_store %arg14[%parallel_loop3A_436, %parallel_loop3A_437], %parallel_loop3A_440 {add = true, strides = array<i32>} : memref<40x128xf32, #tpu.memory_space<vmem>>, vector<1x16xf32>,
        %parallel_loop3A_441 = arith.addi %mul3A_350, %parallel_loop3A_390 : i32
        %parallel_loop3A_442 = arith.index_cast %parallel_loop3A_441 : i32 to index
        %parallel_loop3A_443 = arith.constant 80 : index
        %parallel_loop3A_444 = tpu.vector_load %arg37[%parallel_loop3A_442, %parallel_loop3A_443] {strides = array<i32>} : memref<200x128xf32, #tpu.memory_space<vmem>>, vector<1x16xf32>,
        %parallel_loop3A_445 = vector.shape_cast %parallel_loop3A_444 : vector<1x16xf32> to vector<16xf32>
        %parallel_loop3A_446 = arith.index_cast %parallel_loop3A_390 : i32 to index
        %parallel_loop3A_447 = arith.constant 80 : index
        %parallel_loop3A_448 = tpu.vector_load %arg14[%parallel_loop3A_446, %parallel_loop3A_447] {strides = array<i32>} : memref<40x128xf32, #tpu.memory_space<vmem>>, vector<1x16xf32>,
        %parallel_loop3A_449 = vector.shape_cast %parallel_loop3A_448 : vector<1x16xf32> to vector<16xf32>
        %parallel_loop3A_450 = vector.shape_cast %parallel_loop3A_445 : vector<16xf32> to vector<1x16xf32>
        tpu.vector_store %arg14[%parallel_loop3A_446, %parallel_loop3A_447], %parallel_loop3A_450 {add = true, strides = array<i32>} : memref<40x128xf32, #tpu.memory_space<vmem>>, vector<1x16xf32>,
        %parallel_loop3A_451 = arith.addi %mul3A_350, %parallel_loop3A_390 : i32
        %parallel_loop3A_452 = arith.index_cast %parallel_loop3A_451 : i32 to index
        %parallel_loop3A_453 = arith.constant 96 : index
        %parallel_loop3A_454 = tpu.vector_load %arg37[%parallel_loop3A_452, %parallel_loop3A_453] {strides = array<i32>} : memref<200x128xf32, #tpu.memory_space<vmem>>, vector<1x16xf32>,
        %parallel_loop3A_455 = vector.shape_cast %parallel_loop3A_454 : vector<1x16xf32> to vector<16xf32>
        %parallel_loop3A_456 = arith.index_cast %parallel_loop3A_390 : i32 to index
        %parallel_loop3A_457 = arith.constant 96 : index
        %parallel_loop3A_458 = tpu.vector_load %arg14[%parallel_loop3A_456, %parallel_loop3A_457] {strides = array<i32>} : memref<40x128xf32, #tpu.memory_space<vmem>>, vector<1x16xf32>,
        %parallel_loop3A_459 = vector.shape_cast %parallel_loop3A_458 : vector<1x16xf32> to vector<16xf32>
        %parallel_loop3A_460 = vector.shape_cast %parallel_loop3A_455 : vector<16xf32> to vector<1x16xf32>
        tpu.vector_store %arg14[%parallel_loop3A_456, %parallel_loop3A_457], %parallel_loop3A_460 {add = true, strides = array<i32>} : memref<40x128xf32, #tpu.memory_space<vmem>>, vector<1x16xf32>,
        %parallel_loop3A_461 = arith.addi %mul3A_350, %parallel_loop3A_390 : i32
        %parallel_loop3A_462 = arith.index_cast %parallel_loop3A_461 : i32 to index
        %parallel_loop3A_463 = arith.constant 112 : index
        %parallel_loop3A_464 = tpu.vector_load %arg37[%parallel_loop3A_462, %parallel_loop3A_463] {strides = array<i32>} : memref<200x128xf32, #tpu.memory_space<vmem>>, vector<1x16xf32>,
        %parallel_loop3A_465 = vector.shape_cast %parallel_loop3A_464 : vector<1x16xf32> to vector<16xf32>
        %parallel_loop3A_466 = arith.index_cast %parallel_loop3A_390 : i32 to index
        %parallel_loop3A_467 = arith.constant 112 : index
        %parallel_loop3A_468 = tpu.vector_load %arg14[%parallel_loop3A_466, %parallel_loop3A_467] {strides = array<i32>} : memref<40x128xf32, #tpu.memory_space<vmem>>, vector<1x16xf32>,
        %parallel_loop3A_469 = vector.shape_cast %parallel_loop3A_468 : vector<1x16xf32> to vector<16xf32>
        %parallel_loop3A_470 = vector.shape_cast %parallel_loop3A_465 : vector<16xf32> to vector<1x16xf32>
        tpu.vector_store %arg14[%parallel_loop3A_466, %parallel_loop3A_467], %parallel_loop3A_470 {add = true, strides = array<i32>} : memref<40x128xf32, #tpu.memory_space<vmem>>, vector<1x16xf32>,
      } {sc.loop_unroll_factor = 4 : i64, sc.parallel_access}
      %mul3A_354 = arith.constant 40 : i32
      %mul3A_355 = arith.muli %add3A_333, %mul3A_354 : i32
      %add3A_356 = arith.addi %mul3A_2, %mul3A_355 : i32
      %dma_start3A_357 = arith.constant 0 : i32
      %dma_start3A_358 = tpu.memref_slice %arg5[%add3A_356, %dma_start3A_357] : memref<204800x128xf32, #tpu.memory_space<hbm>> -> memref<40x128xf32, #tpu.memory_space<hbm>>
      %dma_start3A_359 = arith.constant 0 : i32
      %dma_start3A_360 = tpu.memref_slice %arg5[%add3A_356, %dma_start3A_359] : memref<204800x128xf32, #tpu.memory_space<hbm>> -> memref<40x128xf32, #tpu.memory_space<hbm>>
      tpu.enqueue_dma source(%arg14 : memref<40x128xf32, #tpu.memory_space<vmem>>) target(%dma_start3A_360 : memref<40x128xf32, #tpu.memory_space<hbm>>) target_semaphore(%arg34 : memref<!tpu.dma_semaphore, #tpu.memory_space<semaphore_mem>>)
      %add3A_361 = arith.constant 9 : i32
      %add3A_362 = arith.addi %add3A_104, %add3A_361 : i32
      %add3A_363 = arith.constant 5 : i32
      %add3A_364 = arith.addi %add3A_362, %add3A_363 : i32
      %lt3A_365 = arith.constant 160 : i32
      %lt3A_366 = arith.cmpi slt, %add3A_364, %lt3A_365 : i32
      %convert_element_type3A_367 = arith.extui %lt3A_366 : i1 to i32
      %cond3A_368 = arith.constant 0 : i32
      %cond3A_369 = arith.cmpi ne, %convert_element_type3A_367, %cond3A_368 : i32
      scf.if %cond3A_369 {
        %ge3A = arith.constant 10 : i32
        %ge3A_390 = arith.cmpi sge, %add3A_364, %ge3A : i32
        %convert_element_type3A_391 = arith.extui %ge3A_390 : i1 to i32
        %cond3A_392 = arith.constant 0 : i32
        %cond3A_393 = arith.cmpi ne, %convert_element_type3A_391, %cond3A_392 : i32
        scf.if %cond3A_393 {
          %sub3A = arith.constant 10 : i32
          %sub3A_400 = arith.subi %add3A_364, %sub3A : i32
          %mul3A_401 = arith.constant 40 : i32
          %mul3A_402 = arith.muli %sub3A_400, %mul3A_401 : i32
          %add3A_403 = arith.addi %mul3A_2, %mul3A_402 : i32
          %dma_wait3A_404 = arith.constant 0 : i32
          %dma_wait3A_405 = tpu.memref_slice %arg5[%add3A_403, %dma_wait3A_404] : memref<204800x128xf32, #tpu.memory_space<hbm>> -> memref<40x128xf32, #tpu.memory_space<hbm>>
          %dma_wait3A_406 = arith.constant 0 : i32
          %dma_wait3A_407 = tpu.memref_slice %arg5[%add3A_403, %dma_wait3A_406] : memref<204800x128xf32, #tpu.memory_space<hbm>> -> memref<40x128xf32, #tpu.memory_space<hbm>>
          tpu.wait_dma2 semaphore(%arg30 : memref<!tpu.dma_semaphore, #tpu.memory_space<semaphore_mem>>) src(%arg10 : memref<40x128xf32, #tpu.memory_space<vmem>>) dst(%dma_wait3A_407 : memref<40x128xf32, #tpu.memory_space<hbm>>)
        } else {
        }
        %dma_start3A_394 = arith.constant 0 : i32
        %dma_start3A_395 = tpu.memref_slice %arg36[%add3A_364, %dma_start3A_394] : memref<160x40xi32, #tpu.memory_space<vmem>> -> memref<1x40xi32, #tpu.memory_space<vmem>>
        %dma_start3A_396 = tpu.memref_squeeze %dma_start3A_395 : memref<1x40xi32, #tpu.memory_space<vmem>> -> memref<40xi32, #tpu.memory_space<vmem>>
        %dma_start3A_397 = arith.constant 0 : i32
        %dma_start3A_398 = arith.constant 0 : i32
        %dma_start3A_399 = tpu.memref_slice %arg4[%dma_start3A_397, %dma_start3A_398] : memref<100000x128xf32, #tpu.memory_space<hbm>> -> memref<100000x128xf32, #tpu.memory_space<hbm>>
        tpu.enqueue_indirect_dma source(%dma_start3A_399 : memref<100000x128xf32, #tpu.memory_space<hbm>>) target(%arg10 : memref<40x128xf32, #tpu.memory_space<vmem>>) offsets(%dma_start3A_396 : memref<40xi32, #tpu.memory_space<vmem>>) semaphore(%arg20 : memref<!tpu.dma_semaphore, #tpu.memory_space<semaphore_mem>>)
      } else {
      }
      %dma_wait3A_370 = arith.constant 0 : i32
      %dma_wait3A_371 = tpu.memref_slice %arg36[%add3A_362, %dma_wait3A_370] : memref<160x40xi32, #tpu.memory_space<vmem>> -> memref<1x40xi32, #tpu.memory_space<vmem>>
      %dma_wait3A_372 = tpu.memref_squeeze %dma_wait3A_371 : memref<1x40xi32, #tpu.memory_space<vmem>> -> memref<40xi32, #tpu.memory_space<vmem>>
      %dma_wait3A_373 = arith.constant 0 : i32
      %dma_wait3A_374 = arith.constant 0 : i32
      %dma_wait3A_375 = tpu.memref_slice %arg4[%dma_wait3A_373, %dma_wait3A_374] : memref<100000x128xf32, #tpu.memory_space<hbm>> -> memref<100000x128xf32, #tpu.memory_space<hbm>>
      tpu.wait_indirect_dma semaphore(%arg25 : memref<!tpu.dma_semaphore, #tpu.memory_space<semaphore_mem>>) src(%dma_wait3A_375 : memref<100000x128xf32, #tpu.memory_space<hbm>>) dst(%arg15 : memref<40x128xf32, #tpu.memory_space<vmem>>)
      %rem3A_376 = arith.constant 5 : i32
      %rem3A_377 = arith.remsi %add3A_362, %rem3A_376 : i32
      %mul3A_378 = arith.constant 40 : i32
      %mul3A_379 = arith.muli %rem3A_377, %mul3A_378 : i32
      %parallel_loop3A_380 = arith.constant 0 : i32
      %parallel_loop3A_381 = arith.constant 40 : i32
      %parallel_loop3A_382 = arith.constant 1 : i32
      scf.for %parallel_loop3A_390 = %parallel_loop3A_380 to %parallel_loop3A_381 step %parallel_loop3A_382  : i32 {
        %parallel_loop3A_391 = arith.addi %mul3A_379, %parallel_loop3A_390 : i32
        %parallel_loop3A_392 = arith.index_cast %parallel_loop3A_391 : i32 to index
        %parallel_loop3A_393 = arith.constant 0 : index
        %parallel_loop3A_394 = tpu.vector_load %arg37[%parallel_loop3A_392, %parallel_loop3A_393] {strides = array<i32>} : memref<200x128xf32, #tpu.memory_space<vmem>>, vector<1x16xf32>,
        %parallel_loop3A_395 = vector.shape_cast %parallel_loop3A_394 : vector<1x16xf32> to vector<16xf32>
        %parallel_loop3A_396 = arith.index_cast %parallel_loop3A_390 : i32 to index
        %parallel_loop3A_397 = arith.constant 0 : index
        %parallel_loop3A_398 = tpu.vector_load %arg15[%parallel_loop3A_396, %parallel_loop3A_397] {strides = array<i32>} : memref<40x128xf32, #tpu.memory_space<vmem>>, vector<1x16xf32>,
        %parallel_loop3A_399 = vector.shape_cast %parallel_loop3A_398 : vector<1x16xf32> to vector<16xf32>
        %parallel_loop3A_400 = vector.shape_cast %parallel_loop3A_395 : vector<16xf32> to vector<1x16xf32>
        tpu.vector_store %arg15[%parallel_loop3A_396, %parallel_loop3A_397], %parallel_loop3A_400 {add = true, strides = array<i32>} : memref<40x128xf32, #tpu.memory_space<vmem>>, vector<1x16xf32>,
        %parallel_loop3A_401 = arith.addi %mul3A_379, %parallel_loop3A_390 : i32
        %parallel_loop3A_402 = arith.index_cast %parallel_loop3A_401 : i32 to index
        %parallel_loop3A_403 = arith.constant 16 : index
        %parallel_loop3A_404 = tpu.vector_load %arg37[%parallel_loop3A_402, %parallel_loop3A_403] {strides = array<i32>} : memref<200x128xf32, #tpu.memory_space<vmem>>, vector<1x16xf32>,
        %parallel_loop3A_405 = vector.shape_cast %parallel_loop3A_404 : vector<1x16xf32> to vector<16xf32>
        %parallel_loop3A_406 = arith.index_cast %parallel_loop3A_390 : i32 to index
        %parallel_loop3A_407 = arith.constant 16 : index
        %parallel_loop3A_408 = tpu.vector_load %arg15[%parallel_loop3A_406, %parallel_loop3A_407] {strides = array<i32>} : memref<40x128xf32, #tpu.memory_space<vmem>>, vector<1x16xf32>,
        %parallel_loop3A_409 = vector.shape_cast %parallel_loop3A_408 : vector<1x16xf32> to vector<16xf32>
        %parallel_loop3A_410 = vector.shape_cast %parallel_loop3A_405 : vector<16xf32> to vector<1x16xf32>
        tpu.vector_store %arg15[%parallel_loop3A_406, %parallel_loop3A_407], %parallel_loop3A_410 {add = true, strides = array<i32>} : memref<40x128xf32, #tpu.memory_space<vmem>>, vector<1x16xf32>,
        %parallel_loop3A_411 = arith.addi %mul3A_379, %parallel_loop3A_390 : i32
        %parallel_loop3A_412 = arith.index_cast %parallel_loop3A_411 : i32 to index
        %parallel_loop3A_413 = arith.constant 32 : index
        %parallel_loop3A_414 = tpu.vector_load %arg37[%parallel_loop3A_412, %parallel_loop3A_413] {strides = array<i32>} : memref<200x128xf32, #tpu.memory_space<vmem>>, vector<1x16xf32>,
        %parallel_loop3A_415 = vector.shape_cast %parallel_loop3A_414 : vector<1x16xf32> to vector<16xf32>
        %parallel_loop3A_416 = arith.index_cast %parallel_loop3A_390 : i32 to index
        %parallel_loop3A_417 = arith.constant 32 : index
        %parallel_loop3A_418 = tpu.vector_load %arg15[%parallel_loop3A_416, %parallel_loop3A_417] {strides = array<i32>} : memref<40x128xf32, #tpu.memory_space<vmem>>, vector<1x16xf32>,
        %parallel_loop3A_419 = vector.shape_cast %parallel_loop3A_418 : vector<1x16xf32> to vector<16xf32>
        %parallel_loop3A_420 = vector.shape_cast %parallel_loop3A_415 : vector<16xf32> to vector<1x16xf32>
        tpu.vector_store %arg15[%parallel_loop3A_416, %parallel_loop3A_417], %parallel_loop3A_420 {add = true, strides = array<i32>} : memref<40x128xf32, #tpu.memory_space<vmem>>, vector<1x16xf32>,
        %parallel_loop3A_421 = arith.addi %mul3A_379, %parallel_loop3A_390 : i32
        %parallel_loop3A_422 = arith.index_cast %parallel_loop3A_421 : i32 to index
        %parallel_loop3A_423 = arith.constant 48 : index
        %parallel_loop3A_424 = tpu.vector_load %arg37[%parallel_loop3A_422, %parallel_loop3A_423] {strides = array<i32>} : memref<200x128xf32, #tpu.memory_space<vmem>>, vector<1x16xf32>,
        %parallel_loop3A_425 = vector.shape_cast %parallel_loop3A_424 : vector<1x16xf32> to vector<16xf32>
        %parallel_loop3A_426 = arith.index_cast %parallel_loop3A_390 : i32 to index
        %parallel_loop3A_427 = arith.constant 48 : index
        %parallel_loop3A_428 = tpu.vector_load %arg15[%parallel_loop3A_426, %parallel_loop3A_427] {strides = array<i32>} : memref<40x128xf32, #tpu.memory_space<vmem>>, vector<1x16xf32>,
        %parallel_loop3A_429 = vector.shape_cast %parallel_loop3A_428 : vector<1x16xf32> to vector<16xf32>
        %parallel_loop3A_430 = vector.shape_cast %parallel_loop3A_425 : vector<16xf32> to vector<1x16xf32>
        tpu.vector_store %arg15[%parallel_loop3A_426, %parallel_loop3A_427], %parallel_loop3A_430 {add = true, strides = array<i32>} : memref<40x128xf32, #tpu.memory_space<vmem>>, vector<1x16xf32>,
        %parallel_loop3A_431 = arith.addi %mul3A_379, %parallel_loop3A_390 : i32
        %parallel_loop3A_432 = arith.index_cast %parallel_loop3A_431 : i32 to index
        %parallel_loop3A_433 = arith.constant 64 : index
        %parallel_loop3A_434 = tpu.vector_load %arg37[%parallel_loop3A_432, %parallel_loop3A_433] {strides = array<i32>} : memref<200x128xf32, #tpu.memory_space<vmem>>, vector<1x16xf32>,
        %parallel_loop3A_435 = vector.shape_cast %parallel_loop3A_434 : vector<1x16xf32> to vector<16xf32>
        %parallel_loop3A_436 = arith.index_cast %parallel_loop3A_390 : i32 to index
        %parallel_loop3A_437 = arith.constant 64 : index
        %parallel_loop3A_438 = tpu.vector_load %arg15[%parallel_loop3A_436, %parallel_loop3A_437] {strides = array<i32>} : memref<40x128xf32, #tpu.memory_space<vmem>>, vector<1x16xf32>,
        %parallel_loop3A_439 = vector.shape_cast %parallel_loop3A_438 : vector<1x16xf32> to vector<16xf32>
        %parallel_loop3A_440 = vector.shape_cast %parallel_loop3A_435 : vector<16xf32> to vector<1x16xf32>
        tpu.vector_store %arg15[%parallel_loop3A_436, %parallel_loop3A_437], %parallel_loop3A_440 {add = true, strides = array<i32>} : memref<40x128xf32, #tpu.memory_space<vmem>>, vector<1x16xf32>,
        %parallel_loop3A_441 = arith.addi %mul3A_379, %parallel_loop3A_390 : i32
        %parallel_loop3A_442 = arith.index_cast %parallel_loop3A_441 : i32 to index
        %parallel_loop3A_443 = arith.constant 80 : index
        %parallel_loop3A_444 = tpu.vector_load %arg37[%parallel_loop3A_442, %parallel_loop3A_443] {strides = array<i32>} : memref<200x128xf32, #tpu.memory_space<vmem>>, vector<1x16xf32>,
        %parallel_loop3A_445 = vector.shape_cast %parallel_loop3A_444 : vector<1x16xf32> to vector<16xf32>
        %parallel_loop3A_446 = arith.index_cast %parallel_loop3A_390 : i32 to index
        %parallel_loop3A_447 = arith.constant 80 : index
        %parallel_loop3A_448 = tpu.vector_load %arg15[%parallel_loop3A_446, %parallel_loop3A_447] {strides = array<i32>} : memref<40x128xf32, #tpu.memory_space<vmem>>, vector<1x16xf32>,
        %parallel_loop3A_449 = vector.shape_cast %parallel_loop3A_448 : vector<1x16xf32> to vector<16xf32>
        %parallel_loop3A_450 = vector.shape_cast %parallel_loop3A_445 : vector<16xf32> to vector<1x16xf32>
        tpu.vector_store %arg15[%parallel_loop3A_446, %parallel_loop3A_447], %parallel_loop3A_450 {add = true, strides = array<i32>} : memref<40x128xf32, #tpu.memory_space<vmem>>, vector<1x16xf32>,
        %parallel_loop3A_451 = arith.addi %mul3A_379, %parallel_loop3A_390 : i32
        %parallel_loop3A_452 = arith.index_cast %parallel_loop3A_451 : i32 to index
        %parallel_loop3A_453 = arith.constant 96 : index
        %parallel_loop3A_454 = tpu.vector_load %arg37[%parallel_loop3A_452, %parallel_loop3A_453] {strides = array<i32>} : memref<200x128xf32, #tpu.memory_space<vmem>>, vector<1x16xf32>,
        %parallel_loop3A_455 = vector.shape_cast %parallel_loop3A_454 : vector<1x16xf32> to vector<16xf32>
        %parallel_loop3A_456 = arith.index_cast %parallel_loop3A_390 : i32 to index
        %parallel_loop3A_457 = arith.constant 96 : index
        %parallel_loop3A_458 = tpu.vector_load %arg15[%parallel_loop3A_456, %parallel_loop3A_457] {strides = array<i32>} : memref<40x128xf32, #tpu.memory_space<vmem>>, vector<1x16xf32>,
        %parallel_loop3A_459 = vector.shape_cast %parallel_loop3A_458 : vector<1x16xf32> to vector<16xf32>
        %parallel_loop3A_460 = vector.shape_cast %parallel_loop3A_455 : vector<16xf32> to vector<1x16xf32>
        tpu.vector_store %arg15[%parallel_loop3A_456, %parallel_loop3A_457], %parallel_loop3A_460 {add = true, strides = array<i32>} : memref<40x128xf32, #tpu.memory_space<vmem>>, vector<1x16xf32>,
        %parallel_loop3A_461 = arith.addi %mul3A_379, %parallel_loop3A_390 : i32
        %parallel_loop3A_462 = arith.index_cast %parallel_loop3A_461 : i32 to index
        %parallel_loop3A_463 = arith.constant 112 : index
        %parallel_loop3A_464 = tpu.vector_load %arg37[%parallel_loop3A_462, %parallel_loop3A_463] {strides = array<i32>} : memref<200x128xf32, #tpu.memory_space<vmem>>, vector<1x16xf32>,
        %parallel_loop3A_465 = vector.shape_cast %parallel_loop3A_464 : vector<1x16xf32> to vector<16xf32>
        %parallel_loop3A_466 = arith.index_cast %parallel_loop3A_390 : i32 to index
        %parallel_loop3A_467 = arith.constant 112 : index
        %parallel_loop3A_468 = tpu.vector_load %arg15[%parallel_loop3A_466, %parallel_loop3A_467] {strides = array<i32>} : memref<40x128xf32, #tpu.memory_space<vmem>>, vector<1x16xf32>,
        %parallel_loop3A_469 = vector.shape_cast %parallel_loop3A_468 : vector<1x16xf32> to vector<16xf32>
        %parallel_loop3A_470 = vector.shape_cast %parallel_loop3A_465 : vector<16xf32> to vector<1x16xf32>
        tpu.vector_store %arg15[%parallel_loop3A_466, %parallel_loop3A_467], %parallel_loop3A_470 {add = true, strides = array<i32>} : memref<40x128xf32, #tpu.memory_space<vmem>>, vector<1x16xf32>,
      } {sc.loop_unroll_factor = 4 : i64, sc.parallel_access}
      %mul3A_383 = arith.constant 40 : i32
      %mul3A_384 = arith.muli %add3A_362, %mul3A_383 : i32
      %add3A_385 = arith.addi %mul3A_2, %mul3A_384 : i32
      %dma_start3A_386 = arith.constant 0 : i32
      %dma_start3A_387 = tpu.memref_slice %arg5[%add3A_385, %dma_start3A_386] : memref<204800x128xf32, #tpu.memory_space<hbm>> -> memref<40x128xf32, #tpu.memory_space<hbm>>
      %dma_start3A_388 = arith.constant 0 : i32
      %dma_start3A_389 = tpu.memref_slice %arg5[%add3A_385, %dma_start3A_388] : memref<204800x128xf32, #tpu.memory_space<hbm>> -> memref<40x128xf32, #tpu.memory_space<hbm>>
      tpu.enqueue_dma source(%arg15 : memref<40x128xf32, #tpu.memory_space<vmem>>) target(%dma_start3A_389 : memref<40x128xf32, #tpu.memory_space<hbm>>) target_semaphore(%arg35 : memref<!tpu.dma_semaphore, #tpu.memory_space<semaphore_mem>>)
    }
    %scan3A_40 = arith.constant 16 : i32
    %add3A_41 = arith.constant 6000 : i32
    %add3A_42 = arith.addi %mul3A_2, %add3A_41 : i32
    %dma_wait3A = arith.constant 0 : i32
    %dma_wait3A_43 = tpu.memref_slice %arg5[%add3A_42, %dma_wait3A] : memref<204800x128xf32, #tpu.memory_space<hbm>> -> memref<40x128xf32, #tpu.memory_space<hbm>>
    %dma_wait3A_44 = arith.constant 0 : i32
    %dma_wait3A_45 = tpu.memref_slice %arg5[%add3A_42, %dma_wait3A_44] : memref<204800x128xf32, #tpu.memory_space<hbm>> -> memref<40x128xf32, #tpu.memory_space<hbm>>
    tpu.wait_dma2 semaphore(%arg26 : memref<!tpu.dma_semaphore, #tpu.memory_space<semaphore_mem>>) src(%arg6 : memref<40x128xf32, #tpu.memory_space<vmem>>) dst(%dma_wait3A_45 : memref<40x128xf32, #tpu.memory_space<hbm>>)
    %add3A_46 = arith.constant 6040 : i32
    %add3A_47 = arith.addi %mul3A_2, %add3A_46 : i32
    %dma_wait3A_48 = arith.constant 0 : i32
    %dma_wait3A_49 = tpu.memref_slice %arg5[%add3A_47, %dma_wait3A_48] : memref<204800x128xf32, #tpu.memory_space<hbm>> -> memref<40x128xf32, #tpu.memory_space<hbm>>
    %dma_wait3A_50 = arith.constant 0 : i32
    %dma_wait3A_51 = tpu.memref_slice %arg5[%add3A_47, %dma_wait3A_50] : memref<204800x128xf32, #tpu.memory_space<hbm>> -> memref<40x128xf32, #tpu.memory_space<hbm>>
    tpu.wait_dma2 semaphore(%arg27 : memref<!tpu.dma_semaphore, #tpu.memory_space<semaphore_mem>>) src(%arg7 : memref<40x128xf32, #tpu.memory_space<vmem>>) dst(%dma_wait3A_51 : memref<40x128xf32, #tpu.memory_space<hbm>>)
    %add3A_52 = arith.constant 6080 : i32
    %add3A_53 = arith.addi %mul3A_2, %add3A_52 : i32
    %dma_wait3A_54 = arith.constant 0 : i32
    %dma_wait3A_55 = tpu.memref_slice %arg5[%add3A_53, %dma_wait3A_54] : memref<204800x128xf32, #tpu.memory_space<hbm>> -> memref<40x128xf32, #tpu.memory_space<hbm>>
    %dma_wait3A_56 = arith.constant 0 : i32
    %dma_wait3A_57 = tpu.memref_slice %arg5[%add3A_53, %dma_wait3A_56] : memref<204800x128xf32, #tpu.memory_space<hbm>> -> memref<40x128xf32, #tpu.memory_space<hbm>>
    tpu.wait_dma2 semaphore(%arg28 : memref<!tpu.dma_semaphore, #tpu.memory_space<semaphore_mem>>) src(%arg8 : memref<40x128xf32, #tpu.memory_space<vmem>>) dst(%dma_wait3A_57 : memref<40x128xf32, #tpu.memory_space<hbm>>)
    %add3A_58 = arith.constant 6120 : i32
    %add3A_59 = arith.addi %mul3A_2, %add3A_58 : i32
    %dma_wait3A_60 = arith.constant 0 : i32
    %dma_wait3A_61 = tpu.memref_slice %arg5[%add3A_59, %dma_wait3A_60] : memref<204800x128xf32, #tpu.memory_space<hbm>> -> memref<40x128xf32, #tpu.memory_space<hbm>>
    %dma_wait3A_62 = arith.constant 0 : i32
    %dma_wait3A_63 = tpu.memref_slice %arg5[%add3A_59, %dma_wait3A_62] : memref<204800x128xf32, #tpu.memory_space<hbm>> -> memref<40x128xf32, #tpu.memory_space<hbm>>
    tpu.wait_dma2 semaphore(%arg29 : memref<!tpu.dma_semaphore, #tpu.memory_space<semaphore_mem>>) src(%arg9 : memref<40x128xf32, #tpu.memory_space<vmem>>) dst(%dma_wait3A_63 : memref<40x128xf32, #tpu.memory_space<hbm>>)
    %add3A_64 = arith.constant 6160 : i32
    %add3A_65 = arith.addi %mul3A_2, %add3A_64 : i32
    %dma_wait3A_66 = arith.constant 0 : i32
    %dma_wait3A_67 = tpu.memref_slice %arg5[%add3A_65, %dma_wait3A_66] : memref<204800x128xf32, #tpu.memory_space<hbm>> -> memref<40x128xf32, #tpu.memory_space<hbm>>
    %dma_wait3A_68 = arith.constant 0 : i32
    %dma_wait3A_69 = tpu.memref_slice %arg5[%add3A_65, %dma_wait3A_68] : memref<204800x128xf32, #tpu.memory_space<hbm>> -> memref<40x128xf32, #tpu.memory_space<hbm>>
    tpu.wait_dma2 semaphore(%arg30 : memref<!tpu.dma_semaphore, #tpu.memory_space<semaphore_mem>>) src(%arg10 : memref<40x128xf32, #tpu.memory_space<vmem>>) dst(%dma_wait3A_69 : memref<40x128xf32, #tpu.memory_space<hbm>>)
    %add3A_70 = arith.constant 6200 : i32
    %add3A_71 = arith.addi %mul3A_2, %add3A_70 : i32
    %dma_wait3A_72 = arith.constant 0 : i32
    %dma_wait3A_73 = tpu.memref_slice %arg5[%add3A_71, %dma_wait3A_72] : memref<204800x128xf32, #tpu.memory_space<hbm>> -> memref<40x128xf32, #tpu.memory_space<hbm>>
    %dma_wait3A_74 = arith.constant 0 : i32
    %dma_wait3A_75 = tpu.memref_slice %arg5[%add3A_71, %dma_wait3A_74] : memref<204800x128xf32, #tpu.memory_space<hbm>> -> memref<40x128xf32, #tpu.memory_space<hbm>>
    tpu.wait_dma2 semaphore(%arg31 : memref<!tpu.dma_semaphore, #tpu.memory_space<semaphore_mem>>) src(%arg11 : memref<40x128xf32, #tpu.memory_space<vmem>>) dst(%dma_wait3A_75 : memref<40x128xf32, #tpu.memory_space<hbm>>)
    %add3A_76 = arith.constant 6240 : i32
    %add3A_77 = arith.addi %mul3A_2, %add3A_76 : i32
    %dma_wait3A_78 = arith.constant 0 : i32
    %dma_wait3A_79 = tpu.memref_slice %arg5[%add3A_77, %dma_wait3A_78] : memref<204800x128xf32, #tpu.memory_space<hbm>> -> memref<40x128xf32, #tpu.memory_space<hbm>>
    %dma_wait3A_80 = arith.constant 0 : i32
    %dma_wait3A_81 = tpu.memref_slice %arg5[%add3A_77, %dma_wait3A_80] : memref<204800x128xf32, #tpu.memory_space<hbm>> -> memref<40x128xf32, #tpu.memory_space<hbm>>
    tpu.wait_dma2 semaphore(%arg32 : memref<!tpu.dma_semaphore, #tpu.memory_space<semaphore_mem>>) src(%arg12 : memref<40x128xf32, #tpu.memory_space<vmem>>) dst(%dma_wait3A_81 : memref<40x128xf32, #tpu.memory_space<hbm>>)
    %add3A_82 = arith.constant 6280 : i32
    %add3A_83 = arith.addi %mul3A_2, %add3A_82 : i32
    %dma_wait3A_84 = arith.constant 0 : i32
    %dma_wait3A_85 = tpu.memref_slice %arg5[%add3A_83, %dma_wait3A_84] : memref<204800x128xf32, #tpu.memory_space<hbm>> -> memref<40x128xf32, #tpu.memory_space<hbm>>
    %dma_wait3A_86 = arith.constant 0 : i32
    %dma_wait3A_87 = tpu.memref_slice %arg5[%add3A_83, %dma_wait3A_86] : memref<204800x128xf32, #tpu.memory_space<hbm>> -> memref<40x128xf32, #tpu.memory_space<hbm>>
    tpu.wait_dma2 semaphore(%arg33 : memref<!tpu.dma_semaphore, #tpu.memory_space<semaphore_mem>>) src(%arg13 : memref<40x128xf32, #tpu.memory_space<vmem>>) dst(%dma_wait3A_87 : memref<40x128xf32, #tpu.memory_space<hbm>>)
    %add3A_88 = arith.constant 6320 : i32
    %add3A_89 = arith.addi %mul3A_2, %add3A_88 : i32
    %dma_wait3A_90 = arith.constant 0 : i32
    %dma_wait3A_91 = tpu.memref_slice %arg5[%add3A_89, %dma_wait3A_90] : memref<204800x128xf32, #tpu.memory_space<hbm>> -> memref<40x128xf32, #tpu.memory_space<hbm>>
    %dma_wait3A_92 = arith.constant 0 : i32
    %dma_wait3A_93 = tpu.memref_slice %arg5[%add3A_89, %dma_wait3A_92] : memref<204800x128xf32, #tpu.memory_space<hbm>> -> memref<40x128xf32, #tpu.memory_space<hbm>>
    tpu.wait_dma2 semaphore(%arg34 : memref<!tpu.dma_semaphore, #tpu.memory_space<semaphore_mem>>) src(%arg14 : memref<40x128xf32, #tpu.memory_space<vmem>>) dst(%dma_wait3A_93 : memref<40x128xf32, #tpu.memory_space<hbm>>)
    %add3A_94 = arith.constant 6360 : i32
    %add3A_95 = arith.addi %mul3A_2, %add3A_94 : i32
    %dma_wait3A_96 = arith.constant 0 : i32
    %dma_wait3A_97 = tpu.memref_slice %arg5[%add3A_95, %dma_wait3A_96] : memref<204800x128xf32, #tpu.memory_space<hbm>> -> memref<40x128xf32, #tpu.memory_space<hbm>>
    %dma_wait3A_98 = arith.constant 0 : i32
    %dma_wait3A_99 = tpu.memref_slice %arg5[%add3A_95, %dma_wait3A_98] : memref<204800x128xf32, #tpu.memory_space<hbm>> -> memref<40x128xf32, #tpu.memory_space<hbm>>
    tpu.wait_dma2 semaphore(%arg35 : memref<!tpu.dma_semaphore, #tpu.memory_space<semaphore_mem>>) src(%arg15 : memref<40x128xf32, #tpu.memory_space<vmem>>) dst(%dma_wait3A_99 : memref<40x128xf32, #tpu.memory_space<hbm>>)
    return
  }
}

</mosaic_0001>

<sc_bundles>
// kernel: _run.3.cloned.1.call-start
scs
__scs_entry_jumppad:
0x0: {  	(pc) =	sbr.rel $0x88, $3  }
0x1: {  	(tag) =	ssettag $0x0;
	lr =	simm.s32 $0x1  }
0x2: {  	[smem:$0x3F9E] =	sst lr;
	_ =	strace $0xD0000000  }
0x3: {  	_ = 	snop  }
0x4: {  	_ = 	snop  }
0x5: {  	_ = 	snop  }
0x6: {  	_ = 	snop  }
0x7: {  	_ = 	snop  }
__scs_overlays_trampoline_lowered:
0x8: {  	[smem:$0x3FAD] =	sst s0  }
0x9: {  	[smem:$0x3FAE] =	sst s1  }
0xa: {  	[smem:$0x3FAF] =	sst s2  }
0xb: {  	[smem:$0x3FB0] =	sst s3  }
0xc: {  	[smem:$0x3FB1] =	sst s4  }
0xd: {  	[smem:$0x3FB2] =	sst s5  }
0xe: {  	[smem:$0x3FB3] =	sst s6  }
0xf: {  	[smem:$0x3FB4] =	sst s7  }
0x10: {  	[smem:$0x3FB5] =	sst s8  }
0x11: {  	[smem:$0x3FB6] =	sst s9;
	s0 =	simm.s32 @!p0 $0x0  }
0x12: {  	s1 =	sld [smem:$0x3F9C];
	s0 =	simm.s32 @p0 $0x1  }
0x13: {  	[smem:$0x3FB7] =	sst s0;
	s0 =	simm.s32 @!p1 $0x0  }
0x14: {  	s2 =	sld [smem:$0x3F9B];
	s0 =	simm.s32 @p1 $0x1  }
0x15: {  	[smem:$0x3FB8] =	sst s0;
	s0 =	simm.s32 @!p2 $0x0  }
0x16: {  	s3 =	sld [smem:$0x3FDB];
	s0 =	simm.s32 @p2 $0x1  }
0x17: {  	s4 =	simm.s32 $0x1BF5;
	[smem:$0x3FBA] =	sst s0  }
0x18: {  	s0 =	sld [smem:$0x3F9D];
	_ =	swait.ge [sflag:s4], $0x0  }
0x19: {  	s7 =	sld [smem:$0x3F9E]  }
0x1a: {  	s8 =	sadd.s32 $0xFFFFE003, lr  }
0x1b: {  	s9 =	sadd.s32 $0xFFFFFEF7, lr;
	s5 =	simm.s32 $0xFFFFFFFF;
	p2 =	slt.u32 s8, $0xFFFFF086  }
0x1c: {  	p1 =	slt.u32 s9, $0xF7A;
	s5 =	simm.s32 @!p2 $0x0  }
0x1d: {  	s5 =	simm.s32 @p1 $0x1;
	p0 =	seq.s32 s7, s2  }
0x1e: {  	s7 =	smul.u32 @!p0 $0xF7A, s2;
	p2 =	seq.s32 @!p0 s5, $0x0  }
0x1f: {  	s9 =	smul.u32 $0xF7A, s1;
	s8 =	simm.s32 @!p0 $0x1BF5;
	p2 =	por !p2, p0  }
0x20: {  	[sflag:s8] =	ssyncset.s32 @!p0 $0xFFFFF086;
	s6 =	sadd.s32 @!p0 s3, s7;
	s7 =	simm.s32 @!p0 $0x108  }
0x21: {  	s3 =	sadd.s32 s3, s9;
	s6 =	sadd.s32 @!p0 $0x88, s6;
	s7 =	simm.s32 @p2 $0x1082  }
0x22: {  	[simem:s7], [sflag:s8] =	dma.local @!p0 [hbm:s6], $0xF7A  }
0x23: {  	s9 =	sor.u32 $0xD0000000, s2;
	s6 =	simm.s32 $0x108;
	_ =	swait.ge @!p0 [sflag:s8], $0x0  }
0x24: {  	s3 =	sadd.s32 $0x88, s3;
	s6 =	simm.s32 @!p1 $0x1082;
	[sflag:s4] =	ssyncset.s32 $0xFFFFF086  }
0x25: {  	[simem:s6], [sflag:s4] =	dma.local [hbm:s3], $0xF7A  }
0x26: {  	[smem:$0x3F9E] =	sst s1;
	(tag) =	ssettag s2;
	_ =	strace s9  }
0x27: {  	s1 =	sld [smem:$0x3FAE]  }
0x28: {  	s2 =	sld [smem:$0x3FAF]  }
0x29: {  	s4 =	sld [smem:$0x3FB1]  }
0x2a: {  	p0 =	seq.s32 s5, $0x0;
	s5 =	sld [smem:$0x3FB2]  }
0x2b: {  	s6 =	sld [smem:$0x3FB3]  }
0x2c: {  	s7 =	sld [smem:$0x3FB4]  }
0x2d: {  	s3 =	simm.s32 $0x108;
	s8 =	sld [smem:$0x3FB5]  }
0x2e: {  	s3 =	simm.s32 @!p0 $0x1082;
	s9 =	sld [smem:$0x3FB6]  }
0x2f: {  	lr =	sadd.s32 s0, s3;
	s0 =	sld [smem:$0x3FAD]  }
0x30: {  	s3 =	sld [smem:$0x3FB0]  }
0x31: {  	[smem:$0x3FB9] =	sst s10  }
0x32: {  	s10 =	sld [smem:$0x3FB7];
	_ =	sdelay $0x3  }
0x33: {  	p0 =	seq.s32 s10, $0x1;
	s10 =	sld [smem:$0x3FB9];
	_ =	sdelay $0x3  }
0x34: {  	[smem:$0x3FB9] =	sst s10  }
0x35: {  	s10 =	sld [smem:$0x3FB8];
	_ =	sdelay $0x3  }
0x36: {  	p1 =	seq.s32 s10, $0x1;
	s10 =	sld [smem:$0x3FB9];
	_ =	sdelay $0x3  }
0x37: {  	[smem:$0x3FB9] =	sst s10  }
0x38: {  	s10 =	sld [smem:$0x3FBA]  }
0x39: {  	_ = 	snop;
	(pc) =	sbr.ind lr, $3  }
0x3a: {  	_ = 	snop  }
0x3b: {  	_ = 	snop  }
0x3c: {  	p2 =	seq.s32 s10, $0x1;
	s10 =	sld [smem:$0x3FB9]  }
0x3d: {  	_ =	shalt  }
0x3e: {  	_ =	shalt  }
0x3f: {  	_ =	shalt  }
0x40: {  	_ =	shalt  }
0x41: {  	_ =	shalt  }
0x42: {  	_ =	shalt  }
0x43: {  	_ =	shalt  }
0x44: {  	_ =	shalt  }
0x45: {  	_ =	shalt  }
0x46: {  	_ =	shalt  }
0x47: {  	_ =	shalt  }
0x48: {  	_ =	shalt  }
0x49: {  	_ =	shalt  }
0x4a: {  	_ =	shalt  }
0x4b: {  	_ =	shalt  }
0x4c: {  	_ =	shalt  }
0x4d: {  	_ =	shalt  }
0x4e: {  	_ =	shalt  }
0x4f: {  	_ =	shalt  }
0x50: {  	_ =	shalt  }
0x51: {  	_ =	shalt  }
0x52: {  	_ =	shalt  }
0x53: {  	_ =	shalt  }
0x54: {  	_ =	shalt  }
0x55: {  	_ =	shalt  }
0x56: {  	_ =	shalt  }
0x57: {  	_ =	shalt  }
0x58: {  	_ =	shalt  }
0x59: {  	_ =	shalt  }
0x5a: {  	_ =	shalt  }
0x5b: {  	_ =	shalt  }
0x5c: {  	_ =	shalt  }
0x5d: {  	_ =	shalt  }
0x5e: {  	_ =	shalt  }
0x5f: {  	_ =	shalt  }
0x60: {  	_ =	shalt  }
0x61: {  	_ =	shalt  }
0x62: {  	_ =	shalt  }
0x63: {  	_ =	shalt  }
0x64: {  	_ =	shalt  }
0x65: {  	_ =	shalt  }
0x66: {  	_ =	shalt  }
0x67: {  	_ =	shalt  }
0x68: {  	_ =	shalt  }
0x69: {  	_ =	shalt  }
0x6a: {  	_ =	shalt  }
0x6b: {  	_ =	shalt  }
0x6c: {  	_ =	shalt  }
0x6d: {  	_ =	shalt  }
0x6e: {  	_ =	shalt  }
0x6f: {  	_ =	shalt  }
0x70: {  	_ =	shalt  }
0x71: {  	_ =	shalt  }
0x72: {  	_ =	shalt  }
0x73: {  	_ =	shalt  }
0x74: {  	_ =	shalt  }
0x75: {  	_ =	shalt  }
0x76: {  	_ =	shalt  }
0x77: {  	_ =	shalt  }
0x78: {  	_ =	shalt  }
0x79: {  	_ =	shalt  }
0x7a: {  	_ =	shalt  }
0x7b: {  	_ =	shalt  }
0x7c: {  	_ =	shalt  }
0x7d: {  	_ =	shalt  }
0x7e: {  	_ =	shalt  }
0x7f: {  	_ =	shalt  }
0x80: {  	_ =	shalt  }
0x81: {  	_ =	shalt  }
0x82: {  	_ =	shalt  }
0x83: {  	_ =	shalt  }
0x84: {  	_ =	shalt  }
0x85: {  	_ =	shalt  }
0x86: {  	_ =	shalt  }
0x87: {  	_ =	shalt  }
.Lfunc_end0:
.L_simem_size_0:
called_computation_lowered:
.L_overlay_start_0:
0x88: {  	s2 =	sld [smem:$0x3FD9]  }
0x89: {  	s3 =	sld [smem:$0x3FFE];
	_ =	sdelay $0x1  }
0x8a: {  	s1 =	srdreg.scid  }
0x8b: {  	s0 =	sand.u32 $0x1, s1  }
0x8c: {  	s17 =	sshll.u32 s0, $0xA;
	s2 =	sadd.s32 s3, s2  }
0x8d: {  	s2 =	sadd.s32 s2, s17  }
0x8e: {  	[smem:$0x3FC5] =	sst s2  }
0x8f: {  	_ = 	snop  }
0x90: {  	s2 =	sld [smem:$0x3FC8]  }
0x91: {  	s18 =	sld [smem:$0x3FC7]  }
0x92: {  	s4 =	sld [smem:$0x3FD0];
	(tm) =	ssettm $0x1  }
0x93: {  	s5 =	sld [smem:$0x3FFB];
	_ =	sdelay $0x3  }
0x94: {  	_ =	strace s5  }
0x95: {  	s5 =	sld [smem:$0x3FFC];
	_ =	sdelay $0x3  }
0x96: {  	_ =	strace s5  }
0x97: {  	s5 =	sld [smem:$0x3FFD];
	_ =	sdelay $0x3  }
0x98: {  	_ =	strace s5  }
0x99: {  	_ =	strace $0x8FFFFFFF  }
0x9a: {  	s19 =	sld [smem:$0x3FDB];
	_ =	sdelay $0x1  }
0x9b: {  	s6 =	simm.s32 $_scs_section_size  }
0x9c: {  	s7 =	simm.s32 $_size__tile_overlayer_lowered;
	s8 =	simm.s32 $_tile_overlayer_lowered  }
0x9d: {  	s22 =	simm.s32 $0x1BFF;
	s21 =	sshll.u32 s8, $0x1;
	s5 =	sadd.s32 s6, s19  }
0x9e: {  	s9 =	simm.s32 $0x0;
	s20 =	sshll.u32 s7, $0x1;
	s7 =	sadd.s32 s21, s5  }
0x9f: {  	[timem:s9], [sflag:s22] =	dma.local [hbm:s7], s20  }
0xa0: {  	_ =	swait.ge [sflag:s22], s20  }
0xa1: {  	s6 =	ssub.s32 $0x0, s20;
	[sflag:s22] =	ssyncset.done $0x0  }
0xa2: {  	[sflag:s22] =	ssyncadd.s32 s6;
	_ =	sdelay $0x1  }
0xa3: {  	s23 =	simm.s32 $0x1B8B  }
0xa4: {  	_ =	swait.ge [sflag:s23], $0x1  }
0xa5: {  	[sflag:s23] =	ssyncset.done $0x0  }
0xa6: {  	s25 =	simm.s32 $0x1B8E;
	s24 =	sld [smem:$0x3FFE];
	[sflag:s23] =	ssyncadd.s32 $0xFFFFFFFF  }
0xa7: {  	s26 =	simm.s32 $execute0_lowered;
	[smem:$0x3FD2] =	sst s25  }
0xa8: {  	s7 =	sshll.u32 s26, $0x1;
	_ =	strace $0x80000046;
	[dreg:$0x1] =	wrdreg $0xFFFFFFFF  }
0xa9: {  	s28 =	simm.s32 $_size_execute0_lowered;
	s5 =	sadd.s32 s5, s7;
	[dreg:$0x0] =	wrdreg $0x0  }
0xaa: {  	s7 =	sshll.u32 s28, $0x1;
	[dreg:$0x2] =	wrdreg s5  }
0xab: {  	[dreg:$0x3] =	wrdreg s7  }
0xac: {  	[dreg:$0x4] =	wrdreg $0xC0  }
0xad: {  	_ =	task [dreg:s9], $0x5FFFF  }
0xae: {  	[dreg:$0x1] =	wrdreg $0xFFFFFFFF  }
0xaf: {  	[dreg:$0x0] =	wrdreg $0x60  }
0xb0: {  	[dreg:$0x2] =	wrdreg s24  }
0xb1: {  	[dreg:$0x3] =	wrdreg s18  }
0xb2: {  	[dreg:$0x4] =	wrdreg s2  }
0xb3: {  	[dreg:$0x5] =	wrdreg s4  }
0xb4: {  	[dreg:$0x6] =	wrdreg $0x9  }
0xb5: {  	_ =	task.clear_ibuf [dreg:s9], $0x7FFFF;
	_ =	strace $0x90000046  }
0xb6: {  	s29 =	simm.s32 $0x9;
	_ =	strace $0x80000048  }
0xb7: {  	_ =	swait.ge [sflag:s29], $0x1  }
0xb8: {  	[sflag:s29] =	ssyncadd.s32 $0xFFFFFFFF  }
0xb9: {  	_ =	strace $0x90000048  }
0xba: {  	_ =	sfence  }
0xbb: {  	s30 =	sld [smem:$0x0];
	_ =	sdelay $0x2  }
0xbc: {  	s31 =	sshll.u32 s1, $0xD;
	s1 =	sshrl.u32 s1, $0x2  }
0xbd: {  	s3 =	sand.u32 $0x4000, s31;
	s1 =	sadd.s32 s1, s30  }
0xbe: {  	s0 =	sor.u32 s3, s0;
	s1 =	sshll.u32 s1, $0x11  }
0xbf: {  	s0 =	sor.u32 s1, s0  }
0xc0: {  	s0 =	sadd.s32 $0x8F2B, s0  }
0xc1: {  	[sflag:s0] =	ssyncadd.remote.s32 $0x1  }
0xc2: {  	_ =	sfence.sel $0xFFFF  }
0xc3: {  	[dreg:$0x0] =	wrdreg $0xFFFFFFFF;
	(pc) =	sbr.abs _section_cstart, $3  }
0xc4: {  	[dreg:$0x1] =	wrdreg $0xFFFFFFFF  }
0xc5: {  	_ =	task.clear_ibuf [dreg:s9], $0x2FFFF;
	_ =	strace $0x9FFFFFFF  }
0xc6: {  	(tm) =	ssettm $0x7FFFFFFF  }
0xc7: {  	_ =	shalt  }
tec
execute0_lowered:
.L_overlay_start_1:
0x0: {  	(tag) =	ssettag $0x1  }
0x1: {  	s0 =	rddreg [dreg:$0x0]  }
0x2: {  	s3 =	rddreg [dreg:$0x2];
	s1 =	srdreg.scid  }
0x3: {  	s2 =	stileid.u32;
	s4 =	rddreg [dreg:$0x3];
	s5 =	simm.s32 $0x0  }
0x4: {  	s16 =	simm.s32 $0x28;
	s28 =	simm.s32 $0x7800;
	s29 =	simm.s32 $0x2  }
0x5: {  	s30 =	simm.s32 $0x8C00;
	s31 =	simm.s32 $0x3;
	s15 =	simm.s32 $0x5  }
0x6: {  	s17 =	simm.s32 $0x6;
	s1 =	sand.u32 $0x1, s1;
	s2 =	sshll.u32 s2, $0x1  }
0x7: {  	s19 =	simm.s32 $0x7;
	s21 =	simm.s32 $0x8;
	s2 =	sor.u32 s1, s2  }
0x8: {  	s13 =	simm.s32 $0xA;
	s1 =	ssub.s32 $0x2, s1;
	s6 =	smul.u32 $0xA00, s2  }
0x9: {  	s9 =	simm.s32 $0x0;
	[smem:$0x7FF] =	sst s5;
	s7 =	sshrl.u32 s1, $0x1  }
0xa: {  	_ =	strace $0x80000047;
	s1 =	ssub.s32 s1, s7;
	s0 =	sadd.s32 s6, s0  }
0xb: {  	s6 =	smul.u32 $0x1900, s2;
	s23 =	smax.u32 s1, $0x1;
	s2 =	simm.s32 $0xA000  }
0xc: {  	s1 =	simm.s32 $0xB400;
	s0 =	sadd.s32 $0x400, s0;
	[dreg:$0x6] =	wrdreg s23  }
0xd: {  	s23 =	simm.s32 $0x9;
	[dreg:$0x5] =	wrdreg s0;
	s24 =	sor.u32 $0x28, s6  }
0xe: {  	s25 =	sor.u32 $0x50, s6;
	s26 =	sor.u32 $0x78, s6;
	[dreg:$0x7] =	wrdreg s24  }
0xf: {  	s12 =	sor.u32 $0xA0, s6;
	s0 =	simm.s32 $0x4;
	[dreg:$0x8] =	wrdreg s25  }
0x10: {  	[dreg:$0x9] =	wrdreg s26;
	s25 =	simm.s32 $0x6400;
	s26 =	simm.s32 $0x1  }
.LBB2_1:
0x11: {  	[dreg:$0xa] =	wrdreg s9  }
0x12: {  	s7 =	rddreg [dreg:$0x5];
	s8 =	simm.s32 $0xC800;
	s22 =	simm.s32 $0x15  }
0x13: {  	[tilespmem:s8], [sflag:$0x15] =	stream.linear.gather [hbm4b:s7+s5], $0x5000, $0x38;
	[tilespmem:$0x17C00] =	vst v63  }
0x14: {  	_ =	swait.ge [sflag:s22], $0x5000  }
0x15: {  	[sflag:s22] =	ssyncset.done $0x0  }
0x16: {  	[sflag:s22] =	ssyncadd.s32 $0xFFFFB000  }
0x17: {  	s10 =	simm.s32 $0x11800;
	s24 =	rddreg [dreg:$0x1]  }
0x18: {  	[tilespmem:s10], [sflag:$0x15] =	stream.linear.gather [hbm4b:s24+s5], $0x6400, $0x38;
	[tilespmem:$0x17C00] =	vst v63  }
0x19: {  	_ =	swait.ge [sflag:s22], $0x6400  }
0x1a: {  	[sflag:s22] =	ssyncset.done $0x0  }
0x1b: {  	[sflag:s22] =	ssyncadd.s32 $0xFFFF9C00  }
0x1c: {  	[tilespmem:s5], [sflag:$0x1] =	stream.indirect.gather [hbm4b:s3+s16], $0x80, s8, s16, $0xb8;
	[tilespmem:$0x17C00] =	vst v63  }
0x1d: {  	s9 =	simm.s32 $0xC880;
	s10 =	simm.s32 $0x1400  }
0x1e: {  	[tilespmem:s10], [sflag:$0x2] =	stream.indirect.gather [hbm4b:s3+s16], $0x80, s9, s16, $0xb8;
	[tilespmem:$0x17C00] =	vst v63  }
0x1f: {  	s11 =	simm.s32 $0xC900;
	s14 =	simm.s32 $0x2800  }
0x20: {  	[tilespmem:s14], [sflag:$0x3] =	stream.indirect.gather [hbm4b:s3+s16], $0x80, s11, s16, $0xb8;
	[tilespmem:$0x17C00] =	vst v63  }
0x21: {  	s18 =	simm.s32 $0xC980;
	s20 =	simm.s32 $0x3C00  }
0x22: {  	[tilespmem:s20], [sflag:$0x4] =	stream.indirect.gather [hbm4b:s3+s16], $0x80, s18, s16, $0xb8;
	[tilespmem:$0x17C00] =	vst v63  }
0x23: {  	s24 =	simm.s32 $0x5000;
	s22 =	simm.s32 $0xCA00;
	s8 =	simm.s32 $0x0  }
0x24: {  	[tilespmem:s24], [sflag:$0x5] =	stream.indirect.gather [hbm4b:s3+s16], $0x80, s22, s16, $0xb8;
	[tilespmem:$0x17C00] =	vst v63  }
.LBB2_2:
0x25: {  	s22 =	smul.u32 $0xA, s8  }
0x26: {  	p0 =	seq.s32 s8, $0x0  }
0x27: {  	s7 =	simm.s32 @!p0 $0x10;
	s14 =	sadd.s32 $0x5, s22  }
0x28: {  	_ =	swait.ge @!p0 [sflag:s7], $0x1400;
	s9 =	sshll.u32 s14, $0x7  }
0x29: {  	[sflag:s7] =	ssyncset.done @!p0 $0x0;
	s9 =	sand.u32 $0x3FFFFF80, s9  }
0x2a: {  	[sflag:s7] =	ssyncadd.s32 @!p0 $0xFFFFEC00;
	s24 =	sadd.s32 $0xC800, s9  }
0x2b: {  	[tilespmem:s25], [sflag:$0x6] =	stream.indirect.gather [hbm4b:s3+s16], $0x80, s24, s16, $0xb8;
	[tilespmem:$0x17C00] =	vst v63  }
0x2c: {  	_ =	swait.ge [sflag:s26], $0x1400  }
0x2d: {  	[sflag:s26] =	ssyncset.done $0x0  }
0x2e: {  	s7 =	simm.s32 $0x0;
	[sflag:s26] =	ssyncadd.s32 $0xFFFFEC00  }
0x2f: {  	v0 =	vld [tilespmem:s7+$0x119F0]  }
0x30: {  	v1 =	vld [tilespmem:s7+$0x11800]  }
0x31: {  	v2 =	vld [tilespmem:s7+$0x11810]  }
0x32: {  	v3 =	vld [tilespmem:s7+$0x11820]  }
0x33: {  	v4 =	vld [tilespmem:s7+$0x11830]  }
0x34: {  	v5 =	vld [tilespmem:s7+$0x11840]  }
0x35: {  	v6 =	vld [tilespmem:s7+$0x11850]  }
0x36: {  	v7 =	vld [tilespmem:s7+$0x11860]  }
0x37: {  	v8 =	vld [tilespmem:s7+$0x11870]  }
0x38: {  	v9 =	vld [tilespmem:s7+$0x11880]  }
0x39: {  	v10 =	vld [tilespmem:s7+$0x11890]  }
0x3a: {  	v11 =	vld [tilespmem:s7+$0x118A0]  }
0x3b: {  	v12 =	vld [tilespmem:s7+$0x118B0]  }
0x3c: {  	v13 =	vld [tilespmem:s7+$0x118C0]  }
0x3d: {  	v14 =	vld [tilespmem:s7+$0x118D0]  }
0x3e: {  	v15 =	vld [tilespmem:s7+$0x118E0]  }
0x3f: {  	v16 =	vld [tilespmem:s7+$0x118F0]  }
0x40: {  	v17 =	vld [tilespmem:s7+$0x11900]  }
0x41: {  	v18 =	vld [tilespmem:s7+$0x11910]  }
0x42: {  	v19 =	vld [tilespmem:s7+$0x11920]  }
0x43: {  	v20 =	vld [tilespmem:s7+$0x11930]  }
0x44: {  	v21 =	vld [tilespmem:s7+$0x11940]  }
0x45: {  	v22 =	vld [tilespmem:s7+$0x11950]  }
0x46: {  	v23 =	vld [tilespmem:s7+$0x11960]  }
0x47: {  	v24 =	vld [tilespmem:s7+$0x11970]  }
0x48: {  	v25 =	vld [tilespmem:s7+$0x11980]  }
0x49: {  	v26 =	vld [tilespmem:s7+$0x11990]  }
0x4a: {  	v27 =	vld [tilespmem:s7+$0x119A0]  }
0x4b: {  	v28 =	vld [tilespmem:s7+$0x119B0]  }
0x4c: {  	v29 =	vld [tilespmem:s7+$0x119C0]  }
0x4d: {  	v30 =	vld [tilespmem:s7+$0x119D0]  }
0x4e: {  	[tilespmem:s7+$0x1F0] =	vst.add.f32.msk $0xffff, v0  }
0x4f: {  	v0 =	vld [tilespmem:s7+$0x119E0]  }
0x50: {  	[tilespmem:s7+$0x0] =	vst.add.f32.msk $0xffff, v1  }
0x51: {  	[tilespmem:s7+$0x10] =	vst.add.f32.msk $0xffff, v2  }
0x52: {  	[tilespmem:s7+$0x20] =	vst.add.f32.msk $0xffff, v3  }
0x53: {  	[tilespmem:s7+$0x30] =	vst.add.f32.msk $0xffff, v4  }
0x54: {  	[tilespmem:s7+$0x40] =	vst.add.f32.msk $0xffff, v5  }
0x55: {  	[tilespmem:s7+$0x50] =	vst.add.f32.msk $0xffff, v6  }
0x56: {  	[tilespmem:s7+$0x60] =	vst.add.f32.msk $0xffff, v7  }
0x57: {  	[tilespmem:s7+$0x70] =	vst.add.f32.msk $0xffff, v8  }
0x58: {  	[tilespmem:s7+$0x80] =	vst.add.f32.msk $0xffff, v9  }
0x59: {  	[tilespmem:s7+$0x90] =	vst.add.f32.msk $0xffff, v10  }
0x5a: {  	[tilespmem:s7+$0xA0] =	vst.add.f32.msk $0xffff, v11  }
0x5b: {  	[tilespmem:s7+$0xB0] =	vst.add.f32.msk $0xffff, v12  }
0x5c: {  	[tilespmem:s7+$0xC0] =	vst.add.f32.msk $0xffff, v13  }
0x5d: {  	[tilespmem:s7+$0xD0] =	vst.add.f32.msk $0xffff, v14  }
0x5e: {  	[tilespmem:s7+$0xE0] =	vst.add.f32.msk $0xffff, v15  }
0x5f: {  	[tilespmem:s7+$0xF0] =	vst.add.f32.msk $0xffff, v16  }
0x60: {  	[tilespmem:s7+$0x100] =	vst.add.f32.msk $0xffff, v17  }
0x61: {  	[tilespmem:s7+$0x110] =	vst.add.f32.msk $0xffff, v18  }
0x62: {  	[tilespmem:s7+$0x120] =	vst.add.f32.msk $0xffff, v19  }
0x63: {  	[tilespmem:s7+$0x130] =	vst.add.f32.msk $0xffff, v20  }
0x64: {  	[tilespmem:s7+$0x140] =	vst.add.f32.msk $0xffff, v21  }
0x65: {  	[tilespmem:s7+$0x150] =	vst.add.f32.msk $0xffff, v22  }
0x66: {  	[tilespmem:s7+$0x160] =	vst.add.f32.msk $0xffff, v23  }
0x67: {  	[tilespmem:s7+$0x170] =	vst.add.f32.msk $0xffff, v24  }
0x68: {  	[tilespmem:s7+$0x180] =	vst.add.f32.msk $0xffff, v25  }
0x69: {  	[tilespmem:s7+$0x190] =	vst.add.f32.msk $0xffff, v26  }
0x6a: {  	[tilespmem:s7+$0x1A0] =	vst.add.f32.msk $0xffff, v27  }
0x6b: {  	[tilespmem:s7+$0x1B0] =	vst.add.f32.msk $0xffff, v28  }
0x6c: {  	[tilespmem:s7+$0x1C0] =	vst.add.f32.msk $0xffff, v29  }
0x6d: {  	s10 =	simm.s32 $0x800;
	s9 =	simm.s32 $0x0;
	[tilespmem:s7+$0x1D0] =	vst.add.f32.msk $0xffff, v30  }
.LBB2_3:
0x6e: {  	s9 =	sadd.s32 $0x4, s9;
	[tilespmem:s7+$0x1E0] =	vst.add.f32.msk $0xffff, v0;
	s7 =	sshra.s32 s10, $0x2  }
0x6f: {  	v0 =	vld [tilespmem:s7+$0x119F0];
	p1 =	slt.u32 s9, $0x24  }
0x70: {  	v1 =	vld [tilespmem:s7+$0x11800]  }
0x71: {  	v2 =	vld [tilespmem:s7+$0x11810]  }
0x72: {  	v3 =	vld [tilespmem:s7+$0x11820]  }
0x73: {  	v4 =	vld [tilespmem:s7+$0x11830]  }
0x74: {  	[tilespmem:s7+$0x1F0] =	vst.add.f32.msk $0xffff, v0  }
0x75: {  	v5 =	vld [tilespmem:s7+$0x11840]  }
0x76: {  	v6 =	vld [tilespmem:s7+$0x11850]  }
0x77: {  	v7 =	vld [tilespmem:s7+$0x11860]  }
0x78: {  	v8 =	vld [tilespmem:s7+$0x11870]  }
0x79: {  	v9 =	vld [tilespmem:s7+$0x11880]  }
0x7a: {  	v10 =	vld [tilespmem:s7+$0x11890]  }
0x7b: {  	v11 =	vld [tilespmem:s7+$0x118A0]  }
0x7c: {  	v12 =	vld [tilespmem:s7+$0x118B0]  }
0x7d: {  	v13 =	vld [tilespmem:s7+$0x118C0]  }
0x7e: {  	v14 =	vld [tilespmem:s7+$0x118D0]  }
0x7f: {  	v15 =	vld [tilespmem:s7+$0x118E0]  }
0x80: {  	v16 =	vld [tilespmem:s7+$0x118F0]  }
0x81: {  	v17 =	vld [tilespmem:s7+$0x11900]  }
0x82: {  	v18 =	vld [tilespmem:s7+$0x11910]  }
0x83: {  	v19 =	vld [tilespmem:s7+$0x11920]  }
0x84: {  	v20 =	vld [tilespmem:s7+$0x11930]  }
0x85: {  	v21 =	vld [tilespmem:s7+$0x11940]  }
0x86: {  	v22 =	vld [tilespmem:s7+$0x11950]  }
0x87: {  	v23 =	vld [tilespmem:s7+$0x11960]  }
0x88: {  	v24 =	vld [tilespmem:s7+$0x11970]  }
0x89: {  	v25 =	vld [tilespmem:s7+$0x11980]  }
0x8a: {  	v26 =	vld [tilespmem:s7+$0x11990]  }
0x8b: {  	v27 =	vld [tilespmem:s7+$0x119A0]  }
0x8c: {  	v28 =	vld [tilespmem:s7+$0x119B0]  }
0x8d: {  	v29 =	vld [tilespmem:s7+$0x119C0]  }
0x8e: {  	v30 =	vld [tilespmem:s7+$0x119D0]  }
0x8f: {  	v0 =	vld [tilespmem:s7+$0x119E0]  }
0x90: {  	[tilespmem:s7+$0x0] =	vst.add.f32.msk $0xffff, v1  }
0x91: {  	[tilespmem:s7+$0x10] =	vst.add.f32.msk $0xffff, v2  }
0x92: {  	[tilespmem:s7+$0x20] =	vst.add.f32.msk $0xffff, v3  }
0x93: {  	[tilespmem:s7+$0x30] =	vst.add.f32.msk $0xffff, v4  }
0x94: {  	[tilespmem:s7+$0x40] =	vst.add.f32.msk $0xffff, v5  }
0x95: {  	[tilespmem:s7+$0x50] =	vst.add.f32.msk $0xffff, v6  }
0x96: {  	[tilespmem:s7+$0x60] =	vst.add.f32.msk $0xffff, v7  }
0x97: {  	[tilespmem:s7+$0x70] =	vst.add.f32.msk $0xffff, v8  }
0x98: {  	[tilespmem:s7+$0x80] =	vst.add.f32.msk $0xffff, v9  }
0x99: {  	[tilespmem:s7+$0x90] =	vst.add.f32.msk $0xffff, v10  }
0x9a: {  	[tilespmem:s7+$0xA0] =	vst.add.f32.msk $0xffff, v11  }
0x9b: {  	[tilespmem:s7+$0xB0] =	vst.add.f32.msk $0xffff, v12  }
0x9c: {  	[tilespmem:s7+$0xC0] =	vst.add.f32.msk $0xffff, v13  }
0x9d: {  	[tilespmem:s7+$0xD0] =	vst.add.f32.msk $0xffff, v14  }
0x9e: {  	[tilespmem:s7+$0xE0] =	vst.add.f32.msk $0xffff, v15  }
0x9f: {  	[tilespmem:s7+$0xF0] =	vst.add.f32.msk $0xffff, v16  }
0xa0: {  	[tilespmem:s7+$0x100] =	vst.add.f32.msk $0xffff, v17  }
0xa1: {  	[tilespmem:s7+$0x110] =	vst.add.f32.msk $0xffff, v18  }
0xa2: {  	[tilespmem:s7+$0x120] =	vst.add.f32.msk $0xffff, v19  }
0xa3: {  	[tilespmem:s7+$0x130] =	vst.add.f32.msk $0xffff, v20  }
0xa4: {  	[tilespmem:s7+$0x140] =	vst.add.f32.msk $0xffff, v21  }
0xa5: {  	[tilespmem:s7+$0x150] =	vst.add.f32.msk $0xffff, v22  }
0xa6: {  	[tilespmem:s7+$0x160] =	vst.add.f32.msk $0xffff, v23  }
0xa7: {  	[tilespmem:s7+$0x170] =	vst.add.f32.msk $0xffff, v24  }
0xa8: {  	[tilespmem:s7+$0x180] =	vst.add.f32.msk $0xffff, v25  }
.Ltmp0:
0xa9: {  	[tilespmem:s7+$0x190] =	vst.add.f32.msk $0xffff, v26;
	(pc) =	sbr.rel @p1 .LBB2_3-.Ltmp0, $4  }
0xaa: {  	[tilespmem:s7+$0x1A0] =	vst.add.f32.msk $0xffff, v27  }
0xab: {  	[tilespmem:s7+$0x1B0] =	vst.add.f32.msk $0xffff, v28  }
0xac: {  	[tilespmem:s7+$0x1C0] =	vst.add.f32.msk $0xffff, v29  }
0xad: {  	s10 =	sadd.s32 $0x800, s10;
	[tilespmem:s7+$0x1D0] =	vst.add.f32.msk $0xffff, v30  }
0xae: {  	s24 =	smul.u32 $0x190, s8;
	_ =	sdelay $0x1  }
0xaf: {  	s9 =	sadd.s32 s6, s24  }
0xb0: {  	s9 =	sshll.u32 s9, $0x4  }
0xb1: {  	[tilespmem:s7+$0x1E0] =	vst.add.f32.msk $0xffff, v0;
	s7 =	sadd.s32 $0x6, s22;
	s18 =	sadd.s32 s4, s9;
	s9 =	simm.s32 @!p0 $0x11  }
0xb2: {  	[hbm4b:s18+s5] =	stream.linear.scatter [tilespmem:s5], [sflag:$0xB], $0x1400, $0x38;
	[tilespmem:$0x17C00] =	vst v63  }
0xb3: {  	s10 =	sshll.u32 s7, $0x7;
	_ =	swait.ge @!p0 [sflag:s9], $0x1400  }
0xb4: {  	s10 =	sand.u32 $0x3FFFFF80, s10;
	[sflag:s9] =	ssyncset.done @!p0 $0x0  }
0xb5: {  	s20 =	sadd.s32 $0xC800, s10;
	[sflag:s9] =	ssyncadd.s32 @!p0 $0xFFFFEC00  }
0xb6: {  	[tilespmem:s28], [sflag:$0x7] =	stream.indirect.gather [hbm4b:s3+s16], $0x80, s20, s16, $0xb8;
	[tilespmem:$0x17C00] =	vst v63  }
0xb7: {  	_ =	swait.ge [sflag:s29], $0x1400  }
0xb8: {  	[sflag:s29] =	ssyncset.done $0x0  }
0xb9: {  	s9 =	simm.s32 $0x0;
	[sflag:s29] =	ssyncadd.s32 $0xFFFFEC00  }
0xba: {  	v0 =	vld [tilespmem:s9+$0x12DF0]  }
0xbb: {  	v1 =	vld [tilespmem:s9+$0x12C00]  }
0xbc: {  	v2 =	vld [tilespmem:s9+$0x12C10]  }
0xbd: {  	v3 =	vld [tilespmem:s9+$0x12C20]  }
0xbe: {  	v4 =	vld [tilespmem:s9+$0x12C30]  }
0xbf: {  	v5 =	vld [tilespmem:s9+$0x12C40]  }
0xc0: {  	v6 =	vld [tilespmem:s9+$0x12C50]  }
0xc1: {  	v7 =	vld [tilespmem:s9+$0x12C60]  }
0xc2: {  	v8 =	vld [tilespmem:s9+$0x12C70]  }
0xc3: {  	v9 =	vld [tilespmem:s9+$0x12C80]  }
0xc4: {  	v10 =	vld [tilespmem:s9+$0x12C90]  }
0xc5: {  	v11 =	vld [tilespmem:s9+$0x12CA0]  }
0xc6: {  	v12 =	vld [tilespmem:s9+$0x12CB0]  }
0xc7: {  	v13 =	vld [tilespmem:s9+$0x12CC0]  }
0xc8: {  	v14 =	vld [tilespmem:s9+$0x12CD0]  }
0xc9: {  	v15 =	vld [tilespmem:s9+$0x12CE0]  }
0xca: {  	v16 =	vld [tilespmem:s9+$0x12CF0]  }
0xcb: {  	v17 =	vld [tilespmem:s9+$0x12D00]  }
0xcc: {  	v18 =	vld [tilespmem:s9+$0x12D10]  }
0xcd: {  	v19 =	vld [tilespmem:s9+$0x12D20]  }
0xce: {  	v20 =	vld [tilespmem:s9+$0x12D30]  }
0xcf: {  	v21 =	vld [tilespmem:s9+$0x12D40]  }
0xd0: {  	v22 =	vld [tilespmem:s9+$0x12D50]  }
0xd1: {  	v23 =	vld [tilespmem:s9+$0x12D60]  }
0xd2: {  	v24 =	vld [tilespmem:s9+$0x12D70]  }
0xd3: {  	v25 =	vld [tilespmem:s9+$0x12D80]  }
0xd4: {  	v26 =	vld [tilespmem:s9+$0x12D90]  }
0xd5: {  	v27 =	vld [tilespmem:s9+$0x12DA0]  }
0xd6: {  	v28 =	vld [tilespmem:s9+$0x12DB0]  }
0xd7: {  	v29 =	vld [tilespmem:s9+$0x12DC0]  }
0xd8: {  	v30 =	vld [tilespmem:s9+$0x12DD0]  }
0xd9: {  	[tilespmem:s9+$0x15F0] =	vst.add.f32.msk $0xffff, v0  }
0xda: {  	v0 =	vld [tilespmem:s9+$0x12DE0]  }
0xdb: {  	[tilespmem:s9+$0x1400] =	vst.add.f32.msk $0xffff, v1  }
0xdc: {  	[tilespmem:s9+$0x1410] =	vst.add.f32.msk $0xffff, v2  }
0xdd: {  	[tilespmem:s9+$0x1420] =	vst.add.f32.msk $0xffff, v3  }
0xde: {  	[tilespmem:s9+$0x1430] =	vst.add.f32.msk $0xffff, v4  }
0xdf: {  	[tilespmem:s9+$0x1440] =	vst.add.f32.msk $0xffff, v5  }
0xe0: {  	[tilespmem:s9+$0x1450] =	vst.add.f32.msk $0xffff, v6  }
0xe1: {  	[tilespmem:s9+$0x1460] =	vst.add.f32.msk $0xffff, v7  }
0xe2: {  	[tilespmem:s9+$0x1470] =	vst.add.f32.msk $0xffff, v8  }
0xe3: {  	[tilespmem:s9+$0x1480] =	vst.add.f32.msk $0xffff, v9  }
0xe4: {  	[tilespmem:s9+$0x1490] =	vst.add.f32.msk $0xffff, v10  }
0xe5: {  	[tilespmem:s9+$0x14A0] =	vst.add.f32.msk $0xffff, v11  }
0xe6: {  	[tilespmem:s9+$0x14B0] =	vst.add.f32.msk $0xffff, v12  }
0xe7: {  	[tilespmem:s9+$0x14C0] =	vst.add.f32.msk $0xffff, v13  }
0xe8: {  	[tilespmem:s9+$0x14D0] =	vst.add.f32.msk $0xffff, v14  }
0xe9: {  	[tilespmem:s9+$0x14E0] =	vst.add.f32.msk $0xffff, v15  }
0xea: {  	[tilespmem:s9+$0x14F0] =	vst.add.f32.msk $0xffff, v16  }
0xeb: {  	[tilespmem:s9+$0x1500] =	vst.add.f32.msk $0xffff, v17  }
0xec: {  	[tilespmem:s9+$0x1510] =	vst.add.f32.msk $0xffff, v18  }
0xed: {  	[tilespmem:s9+$0x1520] =	vst.add.f32.msk $0xffff, v19  }
0xee: {  	[tilespmem:s9+$0x1530] =	vst.add.f32.msk $0xffff, v20  }
0xef: {  	[tilespmem:s9+$0x1540] =	vst.add.f32.msk $0xffff, v21  }
0xf0: {  	[tilespmem:s9+$0x1550] =	vst.add.f32.msk $0xffff, v22  }
0xf1: {  	[tilespmem:s9+$0x1560] =	vst.add.f32.msk $0xffff, v23  }
0xf2: {  	[tilespmem:s9+$0x1570] =	vst.add.f32.msk $0xffff, v24  }
0xf3: {  	[tilespmem:s9+$0x1580] =	vst.add.f32.msk $0xffff, v25  }
0xf4: {  	[tilespmem:s9+$0x1590] =	vst.add.f32.msk $0xffff, v26  }
0xf5: {  	[tilespmem:s9+$0x15A0] =	vst.add.f32.msk $0xffff, v27  }
0xf6: {  	[tilespmem:s9+$0x15B0] =	vst.add.f32.msk $0xffff, v28  }
0xf7: {  	[tilespmem:s9+$0x15C0] =	vst.add.f32.msk $0xffff, v29  }
0xf8: {  	s10 =	simm.s32 $0x800;
	s18 =	simm.s32 $0x0;
	[tilespmem:s9+$0x15D0] =	vst.add.f32.msk $0xffff, v30  }
.LBB2_5:
0xf9: {  	s18 =	sadd.s32 $0x4, s18;
	[tilespmem:s9+$0x15E0] =	vst.add.f32.msk $0xffff, v0;
	s9 =	sshra.s32 s10, $0x2  }
0xfa: {  	v0 =	vld [tilespmem:s9+$0x12DF0];
	p1 =	slt.u32 s18, $0x24  }
0xfb: {  	v1 =	vld [tilespmem:s9+$0x12C00]  }
0xfc: {  	v2 =	vld [tilespmem:s9+$0x12C10]  }
0xfd: {  	v3 =	vld [tilespmem:s9+$0x12C20]  }
0xfe: {  	v4 =	vld [tilespmem:s9+$0x12C30]  }
0xff: {  	[tilespmem:s9+$0x15F0] =	vst.add.f32.msk $0xffff, v0  }
0x100: {  	v5 =	vld [tilespmem:s9+$0x12C40]  }
0x101: {  	v6 =	vld [tilespmem:s9+$0x12C50]  }
0x102: {  	v7 =	vld [tilespmem:s9+$0x12C60]  }
0x103: {  	v8 =	vld [tilespmem:s9+$0x12C70]  }
0x104: {  	v9 =	vld [tilespmem:s9+$0x12C80]  }
0x105: {  	v10 =	vld [tilespmem:s9+$0x12C90]  }
0x106: {  	v11 =	vld [tilespmem:s9+$0x12CA0]  }
0x107: {  	v12 =	vld [tilespmem:s9+$0x12CB0]  }
0x108: {  	v13 =	vld [tilespmem:s9+$0x12CC0]  }
0x109: {  	v14 =	vld [tilespmem:s9+$0x12CD0]  }
0x10a: {  	v15 =	vld [tilespmem:s9+$0x12CE0]  }
0x10b: {  	v16 =	vld [tilespmem:s9+$0x12CF0]  }
0x10c: {  	v17 =	vld [tilespmem:s9+$0x12D00]  }
0x10d: {  	v18 =	vld [tilespmem:s9+$0x12D10]  }
0x10e: {  	v19 =	vld [tilespmem:s9+$0x12D20]  }
0x10f: {  	v20 =	vld [tilespmem:s9+$0x12D30]  }
0x110: {  	v21 =	vld [tilespmem:s9+$0x12D40]  }
0x111: {  	v22 =	vld [tilespmem:s9+$0x12D50]  }
0x112: {  	v23 =	vld [tilespmem:s9+$0x12D60]  }
0x113: {  	v24 =	vld [tilespmem:s9+$0x12D70]  }
0x114: {  	v25 =	vld [tilespmem:s9+$0x12D80]  }
0x115: {  	v26 =	vld [tilespmem:s9+$0x12D90]  }
0x116: {  	v27 =	vld [tilespmem:s9+$0x12DA0]  }
0x117: {  	v28 =	vld [tilespmem:s9+$0x12DB0]  }
0x118: {  	v29 =	vld [tilespmem:s9+$0x12DC0]  }
0x119: {  	v30 =	vld [tilespmem:s9+$0x12DD0]  }
0x11a: {  	v0 =	vld [tilespmem:s9+$0x12DE0]  }
0x11b: {  	[tilespmem:s9+$0x1400] =	vst.add.f32.msk $0xffff, v1  }
0x11c: {  	[tilespmem:s9+$0x1410] =	vst.add.f32.msk $0xffff, v2  }
0x11d: {  	[tilespmem:s9+$0x1420] =	vst.add.f32.msk $0xffff, v3  }
0x11e: {  	[tilespmem:s9+$0x1430] =	vst.add.f32.msk $0xffff, v4  }
0x11f: {  	[tilespmem:s9+$0x1440] =	vst.add.f32.msk $0xffff, v5  }
0x120: {  	[tilespmem:s9+$0x1450] =	vst.add.f32.msk $0xffff, v6  }
0x121: {  	[tilespmem:s9+$0x1460] =	vst.add.f32.msk $0xffff, v7  }
0x122: {  	[tilespmem:s9+$0x1470] =	vst.add.f32.msk $0xffff, v8  }
0x123: {  	[tilespmem:s9+$0x1480] =	vst.add.f32.msk $0xffff, v9  }
0x124: {  	[tilespmem:s9+$0x1490] =	vst.add.f32.msk $0xffff, v10  }
0x125: {  	[tilespmem:s9+$0x14A0] =	vst.add.f32.msk $0xffff, v11  }
0x126: {  	[tilespmem:s9+$0x14B0] =	vst.add.f32.msk $0xffff, v12  }
0x127: {  	[tilespmem:s9+$0x14C0] =	vst.add.f32.msk $0xffff, v13  }
0x128: {  	[tilespmem:s9+$0x14D0] =	vst.add.f32.msk $0xffff, v14  }
0x129: {  	[tilespmem:s9+$0x14E0] =	vst.add.f32.msk $0xffff, v15  }
0x12a: {  	[tilespmem:s9+$0x14F0] =	vst.add.f32.msk $0xffff, v16  }
0x12b: {  	[tilespmem:s9+$0x1500] =	vst.add.f32.msk $0xffff, v17  }
0x12c: {  	[tilespmem:s9+$0x1510] =	vst.add.f32.msk $0xffff, v18  }
0x12d: {  	[tilespmem:s9+$0x1520] =	vst.add.f32.msk $0xffff, v19  }
0x12e: {  	[tilespmem:s9+$0x1530] =	vst.add.f32.msk $0xffff, v20  }
0x12f: {  	[tilespmem:s9+$0x1540] =	vst.add.f32.msk $0xffff, v21  }
0x130: {  	[tilespmem:s9+$0x1550] =	vst.add.f32.msk $0xffff, v22  }
0x131: {  	[tilespmem:s9+$0x1560] =	vst.add.f32.msk $0xffff, v23  }
0x132: {  	[tilespmem:s9+$0x1570] =	vst.add.f32.msk $0xffff, v24  }
0x133: {  	[tilespmem:s9+$0x1580] =	vst.add.f32.msk $0xffff, v25  }
.Ltmp1:
0x134: {  	[tilespmem:s9+$0x1590] =	vst.add.f32.msk $0xffff, v26;
	(pc) =	sbr.rel @p1 .LBB2_5-.Ltmp1, $4  }
0x135: {  	[tilespmem:s9+$0x15A0] =	vst.add.f32.msk $0xffff, v27  }
0x136: {  	[tilespmem:s9+$0x15B0] =	vst.add.f32.msk $0xffff, v28  }
0x137: {  	[tilespmem:s9+$0x15C0] =	vst.add.f32.msk $0xffff, v29  }
0x138: {  	s10 =	sadd.s32 $0x800, s10;
	[tilespmem:s9+$0x15D0] =	vst.add.f32.msk $0xffff, v30  }
0x139: {  	s10 =	rddreg [dreg:$0x7]  }
0x13a: {  	s10 =	sadd.s32 s10, s24  }
0x13b: {  	s10 =	sshll.u32 s10, $0x4  }
0x13c: {  	[tilespmem:s9+$0x15E0] =	vst.add.f32.msk $0xffff, v0;
	s20 =	simm.s32 $0x1400;
	s18 =	sadd.s32 s4, s10  }
0x13d: {  	[hbm4b:s18+s5] =	stream.linear.scatter [tilespmem:s20], [sflag:$0xC], $0x1400, $0x38;
	[tilespmem:$0x17C00] =	vst v63  }
0x13e: {  	s9 =	simm.s32 @!p0 $0x12;
	s18 =	sadd.s32 $0x7, s22  }
0x13f: {  	_ =	swait.ge @!p0 [sflag:s9], $0x1400;
	s11 =	sshll.u32 s18, $0x7  }
0x140: {  	[sflag:s9] =	ssyncset.done @!p0 $0x0;
	s10 =	sand.u32 $0x3FFFFF80, s11  }
0x141: {  	[sflag:s9] =	ssyncadd.s32 @!p0 $0xFFFFEC00;
	s20 =	sadd.s32 $0xC800, s10  }
0x142: {  	[tilespmem:s30], [sflag:$0x8] =	stream.indirect.gather [hbm4b:s3+s16], $0x80, s20, s16, $0xb8;
	[tilespmem:$0x17C00] =	vst v63  }
0x143: {  	_ =	swait.ge [sflag:s31], $0x1400  }
0x144: {  	[sflag:s31] =	ssyncset.done $0x0  }
0x145: {  	s9 =	simm.s32 $0x0;
	[sflag:s31] =	ssyncadd.s32 $0xFFFFEC00  }
0x146: {  	v0 =	vld [tilespmem:s9+$0x141F0]  }
0x147: {  	v1 =	vld [tilespmem:s9+$0x14000]  }
0x148: {  	v2 =	vld [tilespmem:s9+$0x14010]  }
0x149: {  	v3 =	vld [tilespmem:s9+$0x14020]  }
0x14a: {  	v4 =	vld [tilespmem:s9+$0x14030]  }
0x14b: {  	v5 =	vld [tilespmem:s9+$0x14040]  }
0x14c: {  	v6 =	vld [tilespmem:s9+$0x14050]  }
0x14d: {  	v7 =	vld [tilespmem:s9+$0x14060]  }
0x14e: {  	v8 =	vld [tilespmem:s9+$0x14070]  }
0x14f: {  	v9 =	vld [tilespmem:s9+$0x14080]  }
0x150: {  	v10 =	vld [tilespmem:s9+$0x14090]  }
0x151: {  	v11 =	vld [tilespmem:s9+$0x140A0]  }
0x152: {  	v12 =	vld [tilespmem:s9+$0x140B0]  }
0x153: {  	v13 =	vld [tilespmem:s9+$0x140C0]  }
0x154: {  	v14 =	vld [tilespmem:s9+$0x140D0]  }
0x155: {  	v15 =	vld [tilespmem:s9+$0x140E0]  }
0x156: {  	v16 =	vld [tilespmem:s9+$0x140F0]  }
0x157: {  	v17 =	vld [tilespmem:s9+$0x14100]  }
0x158: {  	v18 =	vld [tilespmem:s9+$0x14110]  }
0x159: {  	v19 =	vld [tilespmem:s9+$0x14120]  }
0x15a: {  	v20 =	vld [tilespmem:s9+$0x14130]  }
0x15b: {  	v21 =	vld [tilespmem:s9+$0x14140]  }
0x15c: {  	v22 =	vld [tilespmem:s9+$0x14150]  }
0x15d: {  	v23 =	vld [tilespmem:s9+$0x14160]  }
0x15e: {  	v24 =	vld [tilespmem:s9+$0x14170]  }
0x15f: {  	v25 =	vld [tilespmem:s9+$0x14180]  }
0x160: {  	v26 =	vld [tilespmem:s9+$0x14190]  }
0x161: {  	v27 =	vld [tilespmem:s9+$0x141A0]  }
0x162: {  	v28 =	vld [tilespmem:s9+$0x141B0]  }
0x163: {  	v29 =	vld [tilespmem:s9+$0x141C0]  }
0x164: {  	v30 =	vld [tilespmem:s9+$0x141D0]  }
0x165: {  	[tilespmem:s9+$0x29F0] =	vst.add.f32.msk $0xffff, v0  }
0x166: {  	v0 =	vld [tilespmem:s9+$0x141E0]  }
0x167: {  	[tilespmem:s9+$0x2800] =	vst.add.f32.msk $0xffff, v1  }
0x168: {  	[tilespmem:s9+$0x2810] =	vst.add.f32.msk $0xffff, v2  }
0x169: {  	[tilespmem:s9+$0x2820] =	vst.add.f32.msk $0xffff, v3  }
0x16a: {  	[tilespmem:s9+$0x2830] =	vst.add.f32.msk $0xffff, v4  }
0x16b: {  	[tilespmem:s9+$0x2840] =	vst.add.f32.msk $0xffff, v5  }
0x16c: {  	[tilespmem:s9+$0x2850] =	vst.add.f32.msk $0xffff, v6  }
0x16d: {  	[tilespmem:s9+$0x2860] =	vst.add.f32.msk $0xffff, v7  }
0x16e: {  	[tilespmem:s9+$0x2870] =	vst.add.f32.msk $0xffff, v8  }
0x16f: {  	[tilespmem:s9+$0x2880] =	vst.add.f32.msk $0xffff, v9  }
0x170: {  	[tilespmem:s9+$0x2890] =	vst.add.f32.msk $0xffff, v10  }
0x171: {  	[tilespmem:s9+$0x28A0] =	vst.add.f32.msk $0xffff, v11  }
0x172: {  	[tilespmem:s9+$0x28B0] =	vst.add.f32.msk $0xffff, v12  }
0x173: {  	[tilespmem:s9+$0x28C0] =	vst.add.f32.msk $0xffff, v13  }
0x174: {  	[tilespmem:s9+$0x28D0] =	vst.add.f32.msk $0xffff, v14  }
0x175: {  	[tilespmem:s9+$0x28E0] =	vst.add.f32.msk $0xffff, v15  }
0x176: {  	[tilespmem:s9+$0x28F0] =	vst.add.f32.msk $0xffff, v16  }
0x177: {  	[tilespmem:s9+$0x2900] =	vst.add.f32.msk $0xffff, v17  }
0x178: {  	[tilespmem:s9+$0x2910] =	vst.add.f32.msk $0xffff, v18  }
0x179: {  	[tilespmem:s9+$0x2920] =	vst.add.f32.msk $0xffff, v19  }
0x17a: {  	[tilespmem:s9+$0x2930] =	vst.add.f32.msk $0xffff, v20  }
0x17b: {  	[tilespmem:s9+$0x2940] =	vst.add.f32.msk $0xffff, v21  }
0x17c: {  	[tilespmem:s9+$0x2950] =	vst.add.f32.msk $0xffff, v22  }
0x17d: {  	[tilespmem:s9+$0x2960] =	vst.add.f32.msk $0xffff, v23  }
0x17e: {  	[tilespmem:s9+$0x2970] =	vst.add.f32.msk $0xffff, v24  }
0x17f: {  	[tilespmem:s9+$0x2980] =	vst.add.f32.msk $0xffff, v25  }
0x180: {  	[tilespmem:s9+$0x2990] =	vst.add.f32.msk $0xffff, v26  }
0x181: {  	[tilespmem:s9+$0x29A0] =	vst.add.f32.msk $0xffff, v27  }
0x182: {  	[tilespmem:s9+$0x29B0] =	vst.add.f32.msk $0xffff, v28  }
0x183: {  	[tilespmem:s9+$0x29C0] =	vst.add.f32.msk $0xffff, v29  }
0x184: {  	s10 =	simm.s32 $0x800;
	s20 =	simm.s32 $0x0;
	[tilespmem:s9+$0x29D0] =	vst.add.f32.msk $0xffff, v30  }
.LBB2_7:
0x185: {  	s20 =	sadd.s32 $0x4, s20;
	[tilespmem:s9+$0x29E0] =	vst.add.f32.msk $0xffff, v0;
	s9 =	sshra.s32 s10, $0x2  }
0x186: {  	v0 =	vld [tilespmem:s9+$0x141F0];
	p1 =	slt.u32 s20, $0x24  }
0x187: {  	v1 =	vld [tilespmem:s9+$0x14000]  }
0x188: {  	v2 =	vld [tilespmem:s9+$0x14010]  }
0x189: {  	v3 =	vld [tilespmem:s9+$0x14020]  }
0x18a: {  	v4 =	vld [tilespmem:s9+$0x14030]  }
0x18b: {  	[tilespmem:s9+$0x29F0] =	vst.add.f32.msk $0xffff, v0  }
0x18c: {  	v5 =	vld [tilespmem:s9+$0x14040]  }
0x18d: {  	v6 =	vld [tilespmem:s9+$0x14050]  }
0x18e: {  	v7 =	vld [tilespmem:s9+$0x14060]  }
0x18f: {  	v8 =	vld [tilespmem:s9+$0x14070]  }
0x190: {  	v9 =	vld [tilespmem:s9+$0x14080]  }
0x191: {  	v10 =	vld [tilespmem:s9+$0x14090]  }
0x192: {  	v11 =	vld [tilespmem:s9+$0x140A0]  }
0x193: {  	v12 =	vld [tilespmem:s9+$0x140B0]  }
0x194: {  	v13 =	vld [tilespmem:s9+$0x140C0]  }
0x195: {  	v14 =	vld [tilespmem:s9+$0x140D0]  }
0x196: {  	v15 =	vld [tilespmem:s9+$0x140E0]  }
0x197: {  	v16 =	vld [tilespmem:s9+$0x140F0]  }
0x198: {  	v17 =	vld [tilespmem:s9+$0x14100]  }
0x199: {  	v18 =	vld [tilespmem:s9+$0x14110]  }
0x19a: {  	v19 =	vld [tilespmem:s9+$0x14120]  }
0x19b: {  	v20 =	vld [tilespmem:s9+$0x14130]  }
0x19c: {  	v21 =	vld [tilespmem:s9+$0x14140]  }
0x19d: {  	v22 =	vld [tilespmem:s9+$0x14150]  }
0x19e: {  	v23 =	vld [tilespmem:s9+$0x14160]  }
0x19f: {  	v24 =	vld [tilespmem:s9+$0x14170]  }
0x1a0: {  	v25 =	vld [tilespmem:s9+$0x14180]  }
0x1a1: {  	v26 =	vld [tilespmem:s9+$0x14190]  }
0x1a2: {  	v27 =	vld [tilespmem:s9+$0x141A0]  }
0x1a3: {  	v28 =	vld [tilespmem:s9+$0x141B0]  }
0x1a4: {  	v29 =	vld [tilespmem:s9+$0x141C0]  }
0x1a5: {  	v30 =	vld [tilespmem:s9+$0x141D0]  }
0x1a6: {  	v0 =	vld [tilespmem:s9+$0x141E0]  }
0x1a7: {  	[tilespmem:s9+$0x2800] =	vst.add.f32.msk $0xffff, v1  }
0x1a8: {  	[tilespmem:s9+$0x2810] =	vst.add.f32.msk $0xffff, v2  }
0x1a9: {  	[tilespmem:s9+$0x2820] =	vst.add.f32.msk $0xffff, v3  }
0x1aa: {  	[tilespmem:s9+$0x2830] =	vst.add.f32.msk $0xffff, v4  }
0x1ab: {  	[tilespmem:s9+$0x2840] =	vst.add.f32.msk $0xffff, v5  }
0x1ac: {  	[tilespmem:s9+$0x2850] =	vst.add.f32.msk $0xffff, v6  }
0x1ad: {  	[tilespmem:s9+$0x2860] =	vst.add.f32.msk $0xffff, v7  }
0x1ae: {  	[tilespmem:s9+$0x2870] =	vst.add.f32.msk $0xffff, v8  }
0x1af: {  	[tilespmem:s9+$0x2880] =	vst.add.f32.msk $0xffff, v9  }
0x1b0: {  	[tilespmem:s9+$0x2890] =	vst.add.f32.msk $0xffff, v10  }
0x1b1: {  	[tilespmem:s9+$0x28A0] =	vst.add.f32.msk $0xffff, v11  }
0x1b2: {  	[tilespmem:s9+$0x28B0] =	vst.add.f32.msk $0xffff, v12  }
0x1b3: {  	[tilespmem:s9+$0x28C0] =	vst.add.f32.msk $0xffff, v13  }
0x1b4: {  	[tilespmem:s9+$0x28D0] =	vst.add.f32.msk $0xffff, v14  }
0x1b5: {  	[tilespmem:s9+$0x28E0] =	vst.add.f32.msk $0xffff, v15  }
0x1b6: {  	[tilespmem:s9+$0x28F0] =	vst.add.f32.msk $0xffff, v16  }
0x1b7: {  	[tilespmem:s9+$0x2900] =	vst.add.f32.msk $0xffff, v17  }
0x1b8: {  	[tilespmem:s9+$0x2910] =	vst.add.f32.msk $0xffff, v18  }
0x1b9: {  	[tilespmem:s9+$0x2920] =	vst.add.f32.msk $0xffff, v19  }
0x1ba: {  	[tilespmem:s9+$0x2930] =	vst.add.f32.msk $0xffff, v20  }
0x1bb: {  	[tilespmem:s9+$0x2940] =	vst.add.f32.msk $0xffff, v21  }
0x1bc: {  	[tilespmem:s9+$0x2950] =	vst.add.f32.msk $0xffff, v22  }
0x1bd: {  	[tilespmem:s9+$0x2960] =	vst.add.f32.msk $0xffff, v23  }
0x1be: {  	[tilespmem:s9+$0x2970] =	vst.add.f32.msk $0xffff, v24  }
0x1bf: {  	[tilespmem:s9+$0x2980] =	vst.add.f32.msk $0xffff, v25  }
.Ltmp2:
0x1c0: {  	[tilespmem:s9+$0x2990] =	vst.add.f32.msk $0xffff, v26;
	(pc) =	sbr.rel @p1 .LBB2_7-.Ltmp2, $4  }
0x1c1: {  	[tilespmem:s9+$0x29A0] =	vst.add.f32.msk $0xffff, v27  }
0x1c2: {  	[tilespmem:s9+$0x29B0] =	vst.add.f32.msk $0xffff, v28  }
0x1c3: {  	[tilespmem:s9+$0x29C0] =	vst.add.f32.msk $0xffff, v29  }
0x1c4: {  	s10 =	sadd.s32 $0x800, s10;
	[tilespmem:s9+$0x29D0] =	vst.add.f32.msk $0xffff, v30  }
0x1c5: {  	s10 =	rddreg [dreg:$0x8]  }
0x1c6: {  	s10 =	sadd.s32 s10, s24  }
0x1c7: {  	s10 =	sshll.u32 s10, $0x4  }
0x1c8: {  	[tilespmem:s9+$0x29E0] =	vst.add.f32.msk $0xffff, v0;
	s20 =	simm.s32 $0x2800;
	s11 =	sadd.s32 s4, s10  }
0x1c9: {  	[hbm4b:s11+s5] =	stream.linear.scatter [tilespmem:s20], [sflag:$0xD], $0x1400, $0x38;
	[tilespmem:$0x17C00] =	vst v63  }
0x1ca: {  	s9 =	simm.s32 @!p0 $0x13;
	s20 =	sadd.s32 $0x8, s22  }
0x1cb: {  	_ =	swait.ge @!p0 [sflag:s9], $0x1400;
	s11 =	sshll.u32 s20, $0x7  }
0x1cc: {  	[sflag:s9] =	ssyncset.done @!p0 $0x0;
	s10 =	sand.u32 $0x3FFFFF80, s11  }
0x1cd: {  	[sflag:s9] =	ssyncadd.s32 @!p0 $0xFFFFEC00;
	s11 =	sadd.s32 $0xC800, s10  }
0x1ce: {  	[tilespmem:s2], [sflag:$0x9] =	stream.indirect.gather [hbm4b:s3+s16], $0x80, s11, s16, $0xb8;
	[tilespmem:$0x17C00] =	vst v63  }
0x1cf: {  	_ =	swait.ge [sflag:s0], $0x1400  }
0x1d0: {  	[sflag:s0] =	ssyncset.done $0x0  }
0x1d1: {  	s9 =	simm.s32 $0x0;
	[sflag:s0] =	ssyncadd.s32 $0xFFFFEC00  }
0x1d2: {  	v0 =	vld [tilespmem:s9+$0x155F0]  }
0x1d3: {  	v1 =	vld [tilespmem:s9+$0x15400]  }
0x1d4: {  	v2 =	vld [tilespmem:s9+$0x15410]  }
0x1d5: {  	v3 =	vld [tilespmem:s9+$0x15420]  }
0x1d6: {  	v4 =	vld [tilespmem:s9+$0x15430]  }
0x1d7: {  	v5 =	vld [tilespmem:s9+$0x15440]  }
0x1d8: {  	v6 =	vld [tilespmem:s9+$0x15450]  }
0x1d9: {  	v7 =	vld [tilespmem:s9+$0x15460]  }
0x1da: {  	v8 =	vld [tilespmem:s9+$0x15470]  }
0x1db: {  	v9 =	vld [tilespmem:s9+$0x15480]  }
0x1dc: {  	v10 =	vld [tilespmem:s9+$0x15490]  }
0x1dd: {  	v11 =	vld [tilespmem:s9+$0x154A0]  }
0x1de: {  	v12 =	vld [tilespmem:s9+$0x154B0]  }
0x1df: {  	v13 =	vld [tilespmem:s9+$0x154C0]  }
0x1e0: {  	v14 =	vld [tilespmem:s9+$0x154D0]  }
0x1e1: {  	v15 =	vld [tilespmem:s9+$0x154E0]  }
0x1e2: {  	v16 =	vld [tilespmem:s9+$0x154F0]  }
0x1e3: {  	v17 =	vld [tilespmem:s9+$0x15500]  }
0x1e4: {  	v18 =	vld [tilespmem:s9+$0x15510]  }
0x1e5: {  	v19 =	vld [tilespmem:s9+$0x15520]  }
0x1e6: {  	v20 =	vld [tilespmem:s9+$0x15530]  }
0x1e7: {  	v21 =	vld [tilespmem:s9+$0x15540]  }
0x1e8: {  	v22 =	vld [tilespmem:s9+$0x15550]  }
0x1e9: {  	v23 =	vld [tilespmem:s9+$0x15560]  }
0x1ea: {  	v24 =	vld [tilespmem:s9+$0x15570]  }
0x1eb: {  	v25 =	vld [tilespmem:s9+$0x15580]  }
0x1ec: {  	v26 =	vld [tilespmem:s9+$0x15590]  }
0x1ed: {  	v27 =	vld [tilespmem:s9+$0x155A0]  }
0x1ee: {  	v28 =	vld [tilespmem:s9+$0x155B0]  }
0x1ef: {  	v29 =	vld [tilespmem:s9+$0x155C0]  }
0x1f0: {  	v30 =	vld [tilespmem:s9+$0x155D0]  }
0x1f1: {  	[tilespmem:s9+$0x3DF0] =	vst.add.f32.msk $0xffff, v0  }
0x1f2: {  	v0 =	vld [tilespmem:s9+$0x155E0]  }
0x1f3: {  	[tilespmem:s9+$0x3C00] =	vst.add.f32.msk $0xffff, v1  }
0x1f4: {  	[tilespmem:s9+$0x3C10] =	vst.add.f32.msk $0xffff, v2  }
0x1f5: {  	[tilespmem:s9+$0x3C20] =	vst.add.f32.msk $0xffff, v3  }
0x1f6: {  	[tilespmem:s9+$0x3C30] =	vst.add.f32.msk $0xffff, v4  }
0x1f7: {  	[tilespmem:s9+$0x3C40] =	vst.add.f32.msk $0xffff, v5  }
0x1f8: {  	[tilespmem:s9+$0x3C50] =	vst.add.f32.msk $0xffff, v6  }
0x1f9: {  	[tilespmem:s9+$0x3C60] =	vst.add.f32.msk $0xffff, v7  }
0x1fa: {  	[tilespmem:s9+$0x3C70] =	vst.add.f32.msk $0xffff, v8  }
0x1fb: {  	[tilespmem:s9+$0x3C80] =	vst.add.f32.msk $0xffff, v9  }
0x1fc: {  	[tilespmem:s9+$0x3C90] =	vst.add.f32.msk $0xffff, v10  }
0x1fd: {  	[tilespmem:s9+$0x3CA0] =	vst.add.f32.msk $0xffff, v11  }
0x1fe: {  	[tilespmem:s9+$0x3CB0] =	vst.add.f32.msk $0xffff, v12  }
0x1ff: {  	[tilespmem:s9+$0x3CC0] =	vst.add.f32.msk $0xffff, v13  }
0x200: {  	[tilespmem:s9+$0x3CD0] =	vst.add.f32.msk $0xffff, v14  }
0x201: {  	[tilespmem:s9+$0x3CE0] =	vst.add.f32.msk $0xffff, v15  }
0x202: {  	[tilespmem:s9+$0x3CF0] =	vst.add.f32.msk $0xffff, v16  }
0x203: {  	[tilespmem:s9+$0x3D00] =	vst.add.f32.msk $0xffff, v17  }
0x204: {  	[tilespmem:s9+$0x3D10] =	vst.add.f32.msk $0xffff, v18  }
0x205: {  	[tilespmem:s9+$0x3D20] =	vst.add.f32.msk $0xffff, v19  }
0x206: {  	[tilespmem:s9+$0x3D30] =	vst.add.f32.msk $0xffff, v20  }
0x207: {  	[tilespmem:s9+$0x3D40] =	vst.add.f32.msk $0xffff, v21  }
0x208: {  	[tilespmem:s9+$0x3D50] =	vst.add.f32.msk $0xffff, v22  }
0x209: {  	[tilespmem:s9+$0x3D60] =	vst.add.f32.msk $0xffff, v23  }
0x20a: {  	[tilespmem:s9+$0x3D70] =	vst.add.f32.msk $0xffff, v24  }
0x20b: {  	[tilespmem:s9+$0x3D80] =	vst.add.f32.msk $0xffff, v25  }
0x20c: {  	[tilespmem:s9+$0x3D90] =	vst.add.f32.msk $0xffff, v26  }
0x20d: {  	[tilespmem:s9+$0x3DA0] =	vst.add.f32.msk $0xffff, v27  }
0x20e: {  	[tilespmem:s9+$0x3DB0] =	vst.add.f32.msk $0xffff, v28  }
0x20f: {  	[tilespmem:s9+$0x3DC0] =	vst.add.f32.msk $0xffff, v29  }
0x210: {  	s10 =	simm.s32 $0x0;
	s11 =	simm.s32 $0x800;
	[tilespmem:s9+$0x3DD0] =	vst.add.f32.msk $0xffff, v30  }
.LBB2_9:
0x211: {  	s10 =	sadd.s32 $0x4, s10;
	[tilespmem:s9+$0x3DE0] =	vst.add.f32.msk $0xffff, v0;
	s9 =	sshra.s32 s11, $0x2  }
0x212: {  	v0 =	vld [tilespmem:s9+$0x155F0];
	p1 =	slt.u32 s10, $0x24  }
0x213: {  	v1 =	vld [tilespmem:s9+$0x15400]  }
0x214: {  	v2 =	vld [tilespmem:s9+$0x15410]  }
0x215: {  	v3 =	vld [tilespmem:s9+$0x15420]  }
0x216: {  	v4 =	vld [tilespmem:s9+$0x15430]  }
0x217: {  	[tilespmem:s9+$0x3DF0] =	vst.add.f32.msk $0xffff, v0  }
0x218: {  	v5 =	vld [tilespmem:s9+$0x15440]  }
0x219: {  	v6 =	vld [tilespmem:s9+$0x15450]  }
0x21a: {  	v7 =	vld [tilespmem:s9+$0x15460]  }
0x21b: {  	v8 =	vld [tilespmem:s9+$0x15470]  }
0x21c: {  	v9 =	vld [tilespmem:s9+$0x15480]  }
0x21d: {  	v10 =	vld [tilespmem:s9+$0x15490]  }
0x21e: {  	v11 =	vld [tilespmem:s9+$0x154A0]  }
0x21f: {  	v12 =	vld [tilespmem:s9+$0x154B0]  }
0x220: {  	v13 =	vld [tilespmem:s9+$0x154C0]  }
0x221: {  	v14 =	vld [tilespmem:s9+$0x154D0]  }
0x222: {  	v15 =	vld [tilespmem:s9+$0x154E0]  }
0x223: {  	v16 =	vld [tilespmem:s9+$0x154F0]  }
0x224: {  	v17 =	vld [tilespmem:s9+$0x15500]  }
0x225: {  	v18 =	vld [tilespmem:s9+$0x15510]  }
0x226: {  	v19 =	vld [tilespmem:s9+$0x15520]  }
0x227: {  	v20 =	vld [tilespmem:s9+$0x15530]  }
0x228: {  	v21 =	vld [tilespmem:s9+$0x15540]  }
0x229: {  	v22 =	vld [tilespmem:s9+$0x15550]  }
0x22a: {  	v23 =	vld [tilespmem:s9+$0x15560]  }
0x22b: {  	v24 =	vld [tilespmem:s9+$0x15570]  }
0x22c: {  	v25 =	vld [tilespmem:s9+$0x15580]  }
0x22d: {  	v26 =	vld [tilespmem:s9+$0x15590]  }
0x22e: {  	v27 =	vld [tilespmem:s9+$0x155A0]  }
0x22f: {  	v28 =	vld [tilespmem:s9+$0x155B0]  }
0x230: {  	v29 =	vld [tilespmem:s9+$0x155C0]  }
0x231: {  	v30 =	vld [tilespmem:s9+$0x155D0]  }
0x232: {  	v0 =	vld [tilespmem:s9+$0x155E0]  }
0x233: {  	[tilespmem:s9+$0x3C00] =	vst.add.f32.msk $0xffff, v1  }
0x234: {  	[tilespmem:s9+$0x3C10] =	vst.add.f32.msk $0xffff, v2  }
0x235: {  	[tilespmem:s9+$0x3C20] =	vst.add.f32.msk $0xffff, v3  }
0x236: {  	[tilespmem:s9+$0x3C30] =	vst.add.f32.msk $0xffff, v4  }
0x237: {  	[tilespmem:s9+$0x3C40] =	vst.add.f32.msk $0xffff, v5  }
0x238: {  	[tilespmem:s9+$0x3C50] =	vst.add.f32.msk $0xffff, v6  }
0x239: {  	[tilespmem:s9+$0x3C60] =	vst.add.f32.msk $0xffff, v7  }
0x23a: {  	[tilespmem:s9+$0x3C70] =	vst.add.f32.msk $0xffff, v8  }
0x23b: {  	[tilespmem:s9+$0x3C80] =	vst.add.f32.msk $0xffff, v9  }
0x23c: {  	[tilespmem:s9+$0x3C90] =	vst.add.f32.msk $0xffff, v10  }
0x23d: {  	[tilespmem:s9+$0x3CA0] =	vst.add.f32.msk $0xffff, v11  }
0x23e: {  	[tilespmem:s9+$0x3CB0] =	vst.add.f32.msk $0xffff, v12  }
0x23f: {  	[tilespmem:s9+$0x3CC0] =	vst.add.f32.msk $0xffff, v13  }
0x240: {  	[tilespmem:s9+$0x3CD0] =	vst.add.f32.msk $0xffff, v14  }
0x241: {  	[tilespmem:s9+$0x3CE0] =	vst.add.f32.msk $0xffff, v15  }
0x242: {  	[tilespmem:s9+$0x3CF0] =	vst.add.f32.msk $0xffff, v16  }
0x243: {  	[tilespmem:s9+$0x3D00] =	vst.add.f32.msk $0xffff, v17  }
0x244: {  	[tilespmem:s9+$0x3D10] =	vst.add.f32.msk $0xffff, v18  }
0x245: {  	[tilespmem:s9+$0x3D20] =	vst.add.f32.msk $0xffff, v19  }
0x246: {  	[tilespmem:s9+$0x3D30] =	vst.add.f32.msk $0xffff, v20  }
0x247: {  	[tilespmem:s9+$0x3D40] =	vst.add.f32.msk $0xffff, v21  }
0x248: {  	[tilespmem:s9+$0x3D50] =	vst.add.f32.msk $0xffff, v22  }
0x249: {  	[tilespmem:s9+$0x3D60] =	vst.add.f32.msk $0xffff, v23  }
0x24a: {  	[tilespmem:s9+$0x3D70] =	vst.add.f32.msk $0xffff, v24  }
0x24b: {  	[tilespmem:s9+$0x3D80] =	vst.add.f32.msk $0xffff, v25  }
.Ltmp3:
0x24c: {  	[tilespmem:s9+$0x3D90] =	vst.add.f32.msk $0xffff, v26;
	(pc) =	sbr.rel @p1 .LBB2_9-.Ltmp3, $4  }
0x24d: {  	[tilespmem:s9+$0x3DA0] =	vst.add.f32.msk $0xffff, v27  }
0x24e: {  	[tilespmem:s9+$0x3DB0] =	vst.add.f32.msk $0xffff, v28  }
0x24f: {  	[tilespmem:s9+$0x3DC0] =	vst.add.f32.msk $0xffff, v29  }
0x250: {  	s11 =	sadd.s32 $0x800, s11;
	[tilespmem:s9+$0x3DD0] =	vst.add.f32.msk $0xffff, v30  }
0x251: {  	s10 =	rddreg [dreg:$0x9]  }
0x252: {  	s10 =	sadd.s32 s10, s24  }
0x253: {  	s11 =	simm.s32 $0x3C00;
	s10 =	sshll.u32 s10, $0x4  }
0x254: {  	[tilespmem:s9+$0x3DE0] =	vst.add.f32.msk $0xffff, v0;
	s22 =	sadd.s32 $0x9, s22;
	s9 =	simm.s32 @!p0 $0x14;
	s10 =	sadd.s32 s4, s10  }
0x255: {  	[hbm4b:s10+s5] =	stream.linear.scatter [tilespmem:s11], [sflag:$0xE], $0x1400, $0x38;
	[tilespmem:$0x17C00] =	vst v63  }
0x256: {  	s11 =	sshll.u32 s22, $0x7;
	_ =	swait.ge @!p0 [sflag:s9], $0x1400  }
0x257: {  	s10 =	sand.u32 $0x3FFFFF80, s11;
	[sflag:s9] =	ssyncset.done @!p0 $0x0  }
0x258: {  	s11 =	sadd.s32 $0xC800, s10;
	[sflag:s9] =	ssyncadd.s32 @!p0 $0xFFFFEC00  }
0x259: {  	[tilespmem:s1], [sflag:$0xA] =	stream.indirect.gather [hbm4b:s3+s16], $0x80, s11, s16, $0xb8;
	[tilespmem:$0x17C00] =	vst v63  }
0x25a: {  	_ =	swait.ge [sflag:s15], $0x1400  }
0x25b: {  	[sflag:s15] =	ssyncset.done $0x0  }
0x25c: {  	s9 =	simm.s32 $0x0;
	[sflag:s15] =	ssyncadd.s32 $0xFFFFEC00  }
0x25d: {  	v0 =	vld [tilespmem:s9+$0x169F0]  }
0x25e: {  	v1 =	vld [tilespmem:s9+$0x16800]  }
0x25f: {  	v2 =	vld [tilespmem:s9+$0x16810]  }
0x260: {  	v3 =	vld [tilespmem:s9+$0x16820]  }
0x261: {  	v4 =	vld [tilespmem:s9+$0x16830]  }
0x262: {  	v5 =	vld [tilespmem:s9+$0x16840]  }
0x263: {  	v6 =	vld [tilespmem:s9+$0x16850]  }
0x264: {  	v7 =	vld [tilespmem:s9+$0x16860]  }
0x265: {  	v8 =	vld [tilespmem:s9+$0x16870]  }
0x266: {  	v9 =	vld [tilespmem:s9+$0x16880]  }
0x267: {  	v10 =	vld [tilespmem:s9+$0x16890]  }
0x268: {  	v11 =	vld [tilespmem:s9+$0x168A0]  }
0x269: {  	v12 =	vld [tilespmem:s9+$0x168B0]  }
0x26a: {  	v13 =	vld [tilespmem:s9+$0x168C0]  }
0x26b: {  	v14 =	vld [tilespmem:s9+$0x168D0]  }
0x26c: {  	v15 =	vld [tilespmem:s9+$0x168E0]  }
0x26d: {  	v16 =	vld [tilespmem:s9+$0x168F0]  }
0x26e: {  	v17 =	vld [tilespmem:s9+$0x16900]  }
0x26f: {  	v18 =	vld [tilespmem:s9+$0x16910]  }
0x270: {  	v19 =	vld [tilespmem:s9+$0x16920]  }
0x271: {  	v20 =	vld [tilespmem:s9+$0x16930]  }
0x272: {  	v21 =	vld [tilespmem:s9+$0x16940]  }
0x273: {  	v22 =	vld [tilespmem:s9+$0x16950]  }
0x274: {  	v23 =	vld [tilespmem:s9+$0x16960]  }
0x275: {  	v24 =	vld [tilespmem:s9+$0x16970]  }
0x276: {  	v25 =	vld [tilespmem:s9+$0x16980]  }
0x277: {  	v26 =	vld [tilespmem:s9+$0x16990]  }
0x278: {  	v27 =	vld [tilespmem:s9+$0x169A0]  }
0x279: {  	v28 =	vld [tilespmem:s9+$0x169B0]  }
0x27a: {  	v29 =	vld [tilespmem:s9+$0x169C0]  }
0x27b: {  	v30 =	vld [tilespmem:s9+$0x169D0]  }
0x27c: {  	[tilespmem:s9+$0x51F0] =	vst.add.f32.msk $0xffff, v0  }
0x27d: {  	v0 =	vld [tilespmem:s9+$0x169E0]  }
0x27e: {  	[tilespmem:s9+$0x5000] =	vst.add.f32.msk $0xffff, v1  }
0x27f: {  	[tilespmem:s9+$0x5010] =	vst.add.f32.msk $0xffff, v2  }
0x280: {  	[tilespmem:s9+$0x5020] =	vst.add.f32.msk $0xffff, v3  }
0x281: {  	[tilespmem:s9+$0x5030] =	vst.add.f32.msk $0xffff, v4  }
0x282: {  	[tilespmem:s9+$0x5040] =	vst.add.f32.msk $0xffff, v5  }
0x283: {  	[tilespmem:s9+$0x5050] =	vst.add.f32.msk $0xffff, v6  }
0x284: {  	[tilespmem:s9+$0x5060] =	vst.add.f32.msk $0xffff, v7  }
0x285: {  	[tilespmem:s9+$0x5070] =	vst.add.f32.msk $0xffff, v8  }
0x286: {  	[tilespmem:s9+$0x5080] =	vst.add.f32.msk $0xffff, v9  }
0x287: {  	[tilespmem:s9+$0x5090] =	vst.add.f32.msk $0xffff, v10  }
0x288: {  	[tilespmem:s9+$0x50A0] =	vst.add.f32.msk $0xffff, v11  }
0x289: {  	[tilespmem:s9+$0x50B0] =	vst.add.f32.msk $0xffff, v12  }
0x28a: {  	[tilespmem:s9+$0x50C0] =	vst.add.f32.msk $0xffff, v13  }
0x28b: {  	[tilespmem:s9+$0x50D0] =	vst.add.f32.msk $0xffff, v14  }
0x28c: {  	[tilespmem:s9+$0x50E0] =	vst.add.f32.msk $0xffff, v15  }
0x28d: {  	[tilespmem:s9+$0x50F0] =	vst.add.f32.msk $0xffff, v16  }
0x28e: {  	[tilespmem:s9+$0x5100] =	vst.add.f32.msk $0xffff, v17  }
0x28f: {  	[tilespmem:s9+$0x5110] =	vst.add.f32.msk $0xffff, v18  }
0x290: {  	[tilespmem:s9+$0x5120] =	vst.add.f32.msk $0xffff, v19  }
0x291: {  	[tilespmem:s9+$0x5130] =	vst.add.f32.msk $0xffff, v20  }
0x292: {  	[tilespmem:s9+$0x5140] =	vst.add.f32.msk $0xffff, v21  }
0x293: {  	[tilespmem:s9+$0x5150] =	vst.add.f32.msk $0xffff, v22  }
0x294: {  	[tilespmem:s9+$0x5160] =	vst.add.f32.msk $0xffff, v23  }
0x295: {  	[tilespmem:s9+$0x5170] =	vst.add.f32.msk $0xffff, v24  }
0x296: {  	[tilespmem:s9+$0x5180] =	vst.add.f32.msk $0xffff, v25  }
0x297: {  	[tilespmem:s9+$0x5190] =	vst.add.f32.msk $0xffff, v26  }
0x298: {  	[tilespmem:s9+$0x51A0] =	vst.add.f32.msk $0xffff, v27  }
0x299: {  	[tilespmem:s9+$0x51B0] =	vst.add.f32.msk $0xffff, v28  }
0x29a: {  	[tilespmem:s9+$0x51C0] =	vst.add.f32.msk $0xffff, v29  }
0x29b: {  	s10 =	simm.s32 $0x0;
	s11 =	simm.s32 $0x800;
	[tilespmem:s9+$0x51D0] =	vst.add.f32.msk $0xffff, v30  }
.LBB2_11:
0x29c: {  	s10 =	sadd.s32 $0x4, s10;
	[tilespmem:s9+$0x51E0] =	vst.add.f32.msk $0xffff, v0;
	s9 =	sshra.s32 s11, $0x2  }
0x29d: {  	v0 =	vld [tilespmem:s9+$0x169F0];
	p0 =	slt.u32 s10, $0x24  }
0x29e: {  	v1 =	vld [tilespmem:s9+$0x16800]  }
0x29f: {  	v2 =	vld [tilespmem:s9+$0x16810]  }
0x2a0: {  	v3 =	vld [tilespmem:s9+$0x16820]  }
0x2a1: {  	v4 =	vld [tilespmem:s9+$0x16830]  }
0x2a2: {  	[tilespmem:s9+$0x51F0] =	vst.add.f32.msk $0xffff, v0  }
0x2a3: {  	v5 =	vld [tilespmem:s9+$0x16840]  }
0x2a4: {  	v6 =	vld [tilespmem:s9+$0x16850]  }
0x2a5: {  	v7 =	vld [tilespmem:s9+$0x16860]  }
0x2a6: {  	v8 =	vld [tilespmem:s9+$0x16870]  }
0x2a7: {  	v9 =	vld [tilespmem:s9+$0x16880]  }
0x2a8: {  	v10 =	vld [tilespmem:s9+$0x16890]  }
0x2a9: {  	v11 =	vld [tilespmem:s9+$0x168A0]  }
0x2aa: {  	v12 =	vld [tilespmem:s9+$0x168B0]  }
0x2ab: {  	v13 =	vld [tilespmem:s9+$0x168C0]  }
0x2ac: {  	v14 =	vld [tilespmem:s9+$0x168D0]  }
0x2ad: {  	v15 =	vld [tilespmem:s9+$0x168E0]  }
0x2ae: {  	v16 =	vld [tilespmem:s9+$0x168F0]  }
0x2af: {  	v17 =	vld [tilespmem:s9+$0x16900]  }
0x2b0: {  	v18 =	vld [tilespmem:s9+$0x16910]  }
0x2b1: {  	v19 =	vld [tilespmem:s9+$0x16920]  }
0x2b2: {  	v20 =	vld [tilespmem:s9+$0x16930]  }
0x2b3: {  	v21 =	vld [tilespmem:s9+$0x16940]  }
0x2b4: {  	v22 =	vld [tilespmem:s9+$0x16950]  }
0x2b5: {  	v23 =	vld [tilespmem:s9+$0x16960]  }
0x2b6: {  	v24 =	vld [tilespmem:s9+$0x16970]  }
0x2b7: {  	v25 =	vld [tilespmem:s9+$0x16980]  }
0x2b8: {  	v26 =	vld [tilespmem:s9+$0x16990]  }
0x2b9: {  	v27 =	vld [tilespmem:s9+$0x169A0]  }
0x2ba: {  	v28 =	vld [tilespmem:s9+$0x169B0]  }
0x2bb: {  	v29 =	vld [tilespmem:s9+$0x169C0]  }
0x2bc: {  	v30 =	vld [tilespmem:s9+$0x169D0]  }
0x2bd: {  	v0 =	vld [tilespmem:s9+$0x169E0]  }
0x2be: {  	[tilespmem:s9+$0x5000] =	vst.add.f32.msk $0xffff, v1  }
0x2bf: {  	[tilespmem:s9+$0x5010] =	vst.add.f32.msk $0xffff, v2  }
0x2c0: {  	[tilespmem:s9+$0x5020] =	vst.add.f32.msk $0xffff, v3  }
0x2c1: {  	[tilespmem:s9+$0x5030] =	vst.add.f32.msk $0xffff, v4  }
0x2c2: {  	[tilespmem:s9+$0x5040] =	vst.add.f32.msk $0xffff, v5  }
0x2c3: {  	[tilespmem:s9+$0x5050] =	vst.add.f32.msk $0xffff, v6  }
0x2c4: {  	[tilespmem:s9+$0x5060] =	vst.add.f32.msk $0xffff, v7  }
0x2c5: {  	[tilespmem:s9+$0x5070] =	vst.add.f32.msk $0xffff, v8  }
0x2c6: {  	[tilespmem:s9+$0x5080] =	vst.add.f32.msk $0xffff, v9  }
0x2c7: {  	[tilespmem:s9+$0x5090] =	vst.add.f32.msk $0xffff, v10  }
0x2c8: {  	[tilespmem:s9+$0x50A0] =	vst.add.f32.msk $0xffff, v11  }
0x2c9: {  	[tilespmem:s9+$0x50B0] =	vst.add.f32.msk $0xffff, v12  }
0x2ca: {  	[tilespmem:s9+$0x50C0] =	vst.add.f32.msk $0xffff, v13  }
0x2cb: {  	[tilespmem:s9+$0x50D0] =	vst.add.f32.msk $0xffff, v14  }
0x2cc: {  	[tilespmem:s9+$0x50E0] =	vst.add.f32.msk $0xffff, v15  }
0x2cd: {  	[tilespmem:s9+$0x50F0] =	vst.add.f32.msk $0xffff, v16  }
0x2ce: {  	[tilespmem:s9+$0x5100] =	vst.add.f32.msk $0xffff, v17  }
0x2cf: {  	[tilespmem:s9+$0x5110] =	vst.add.f32.msk $0xffff, v18  }
0x2d0: {  	[tilespmem:s9+$0x5120] =	vst.add.f32.msk $0xffff, v19  }
0x2d1: {  	[tilespmem:s9+$0x5130] =	vst.add.f32.msk $0xffff, v20  }
0x2d2: {  	[tilespmem:s9+$0x5140] =	vst.add.f32.msk $0xffff, v21  }
0x2d3: {  	[tilespmem:s9+$0x5150] =	vst.add.f32.msk $0xffff, v22  }
0x2d4: {  	[tilespmem:s9+$0x5160] =	vst.add.f32.msk $0xffff, v23  }
0x2d5: {  	[tilespmem:s9+$0x5170] =	vst.add.f32.msk $0xffff, v24  }
0x2d6: {  	[tilespmem:s9+$0x5180] =	vst.add.f32.msk $0xffff, v25  }
.Ltmp4:
0x2d7: {  	[tilespmem:s9+$0x5190] =	vst.add.f32.msk $0xffff, v26;
	(pc) =	sbr.rel @p0 .LBB2_11-.Ltmp4, $4  }
0x2d8: {  	[tilespmem:s9+$0x51A0] =	vst.add.f32.msk $0xffff, v27  }
0x2d9: {  	[tilespmem:s9+$0x51B0] =	vst.add.f32.msk $0xffff, v28  }
0x2da: {  	[tilespmem:s9+$0x51C0] =	vst.add.f32.msk $0xffff, v29  }
0x2db: {  	s11 =	sadd.s32 $0x800, s11;
	[tilespmem:s9+$0x51D0] =	vst.add.f32.msk $0xffff, v30  }
0x2dc: {  	s10 =	sadd.s32 s12, s24  }
0x2dd: {  	s24 =	simm.s32 $0x5000;
	p0 =	seq.s32 s8, $0xF;
	s10 =	sshll.u32 s10, $0x4  }
0x2de: {  	[tilespmem:s9+$0x51E0] =	vst.add.f32.msk $0xffff, v0;
	s9 =	simm.s32 @!p0 $0xB;
	s11 =	sadd.s32 s4, s10;
	s10 =	smul.u32 @!p0 $0x1400, s8  }
0x2df: {  	[hbm4b:s11+s5] =	stream.linear.scatter [tilespmem:s24], [sflag:$0xF], $0x1400, $0x38;
	[tilespmem:$0x17C00] =	vst v63  }
0x2e0: {  	_ =	swait.ge @!p0 [sflag:s9], $0x1400  }
0x2e1: {  	s11 =	simm.s32 @!p0 $0x0;
	s24 =	sshra.s32 @!p0 s10, $0x2;
	[sflag:s9] =	ssyncset.done @!p0 $0x0  }
0x2e2: {  	s10 =	simm.s32 @!p0 $0x28;
	[sflag:s9] =	ssyncadd.s32 @!p0 $0xFFFFEC00;
	s9 =	sadd.s32 @!p0 $0xCD00, s24  }
0x2e3: {  	[tilespmem:s11], [sflag:$0x1] =	stream.indirect.gather @!p0 [hbm4b:s3+s10], $0x80, s9, s10, $0xb8;
	[tilespmem:$0x17C00] =	vst v63  }
0x2e4: {  	_ =	swait.ge [sflag:s17], $0x1400  }
0x2e5: {  	[sflag:s17] =	ssyncset.done $0x0  }
0x2e6: {  	s9 =	simm.s32 $0x0;
	[sflag:s17] =	ssyncadd.s32 $0xFFFFEC00  }
0x2e7: {  	v0 =	vld [tilespmem:s9+$0x119F0]  }
0x2e8: {  	v1 =	vld [tilespmem:s9+$0x11800]  }
0x2e9: {  	v2 =	vld [tilespmem:s9+$0x11810]  }
0x2ea: {  	v3 =	vld [tilespmem:s9+$0x11820]  }
0x2eb: {  	v4 =	vld [tilespmem:s9+$0x11830]  }
0x2ec: {  	v5 =	vld [tilespmem:s9+$0x11840]  }
0x2ed: {  	v6 =	vld [tilespmem:s9+$0x11850]  }
0x2ee: {  	v7 =	vld [tilespmem:s9+$0x11860]  }
0x2ef: {  	v8 =	vld [tilespmem:s9+$0x11870]  }
0x2f0: {  	v9 =	vld [tilespmem:s9+$0x11880]  }
0x2f1: {  	v10 =	vld [tilespmem:s9+$0x11890]  }
0x2f2: {  	v11 =	vld [tilespmem:s9+$0x118A0]  }
0x2f3: {  	v12 =	vld [tilespmem:s9+$0x118B0]  }
0x2f4: {  	v13 =	vld [tilespmem:s9+$0x118C0]  }
0x2f5: {  	v14 =	vld [tilespmem:s9+$0x118D0]  }
0x2f6: {  	v15 =	vld [tilespmem:s9+$0x118E0]  }
0x2f7: {  	v16 =	vld [tilespmem:s9+$0x118F0]  }
0x2f8: {  	v17 =	vld [tilespmem:s9+$0x11900]  }
0x2f9: {  	v18 =	vld [tilespmem:s9+$0x11910]  }
0x2fa: {  	v19 =	vld [tilespmem:s9+$0x11920]  }
0x2fb: {  	v20 =	vld [tilespmem:s9+$0x11930]  }
0x2fc: {  	v21 =	vld [tilespmem:s9+$0x11940]  }
0x2fd: {  	v22 =	vld [tilespmem:s9+$0x11950]  }
0x2fe: {  	v23 =	vld [tilespmem:s9+$0x11960]  }
0x2ff: {  	v24 =	vld [tilespmem:s9+$0x11970]  }
0x300: {  	v25 =	vld [tilespmem:s9+$0x11980]  }
0x301: {  	v26 =	vld [tilespmem:s9+$0x11990]  }
0x302: {  	v27 =	vld [tilespmem:s9+$0x119A0]  }
0x303: {  	v28 =	vld [tilespmem:s9+$0x119B0]  }
0x304: {  	v29 =	vld [tilespmem:s9+$0x119C0]  }
0x305: {  	v30 =	vld [tilespmem:s9+$0x119D0]  }
0x306: {  	[tilespmem:s9+$0x65F0] =	vst.add.f32.msk $0xffff, v0  }
0x307: {  	v0 =	vld [tilespmem:s9+$0x119E0]  }
0x308: {  	[tilespmem:s9+$0x6400] =	vst.add.f32.msk $0xffff, v1  }
0x309: {  	[tilespmem:s9+$0x6410] =	vst.add.f32.msk $0xffff, v2  }
0x30a: {  	[tilespmem:s9+$0x6420] =	vst.add.f32.msk $0xffff, v3  }
0x30b: {  	[tilespmem:s9+$0x6430] =	vst.add.f32.msk $0xffff, v4  }
0x30c: {  	[tilespmem:s9+$0x6440] =	vst.add.f32.msk $0xffff, v5  }
0x30d: {  	[tilespmem:s9+$0x6450] =	vst.add.f32.msk $0xffff, v6  }
0x30e: {  	[tilespmem:s9+$0x6460] =	vst.add.f32.msk $0xffff, v7  }
0x30f: {  	[tilespmem:s9+$0x6470] =	vst.add.f32.msk $0xffff, v8  }
0x310: {  	[tilespmem:s9+$0x6480] =	vst.add.f32.msk $0xffff, v9  }
0x311: {  	[tilespmem:s9+$0x6490] =	vst.add.f32.msk $0xffff, v10  }
0x312: {  	[tilespmem:s9+$0x64A0] =	vst.add.f32.msk $0xffff, v11  }
0x313: {  	[tilespmem:s9+$0x64B0] =	vst.add.f32.msk $0xffff, v12  }
0x314: {  	[tilespmem:s9+$0x64C0] =	vst.add.f32.msk $0xffff, v13  }
0x315: {  	[tilespmem:s9+$0x64D0] =	vst.add.f32.msk $0xffff, v14  }
0x316: {  	[tilespmem:s9+$0x64E0] =	vst.add.f32.msk $0xffff, v15  }
0x317: {  	[tilespmem:s9+$0x64F0] =	vst.add.f32.msk $0xffff, v16  }
0x318: {  	[tilespmem:s9+$0x6500] =	vst.add.f32.msk $0xffff, v17  }
0x319: {  	[tilespmem:s9+$0x6510] =	vst.add.f32.msk $0xffff, v18  }
0x31a: {  	[tilespmem:s9+$0x6520] =	vst.add.f32.msk $0xffff, v19  }
0x31b: {  	[tilespmem:s9+$0x6530] =	vst.add.f32.msk $0xffff, v20  }
0x31c: {  	[tilespmem:s9+$0x6540] =	vst.add.f32.msk $0xffff, v21  }
0x31d: {  	[tilespmem:s9+$0x6550] =	vst.add.f32.msk $0xffff, v22  }
0x31e: {  	[tilespmem:s9+$0x6560] =	vst.add.f32.msk $0xffff, v23  }
0x31f: {  	[tilespmem:s9+$0x6570] =	vst.add.f32.msk $0xffff, v24  }
0x320: {  	[tilespmem:s9+$0x6580] =	vst.add.f32.msk $0xffff, v25  }
0x321: {  	[tilespmem:s9+$0x6590] =	vst.add.f32.msk $0xffff, v26  }
0x322: {  	[tilespmem:s9+$0x65A0] =	vst.add.f32.msk $0xffff, v27  }
0x323: {  	[tilespmem:s9+$0x65B0] =	vst.add.f32.msk $0xffff, v28  }
0x324: {  	[tilespmem:s9+$0x65C0] =	vst.add.f32.msk $0xffff, v29  }
0x325: {  	s10 =	simm.s32 $0x0;
	s11 =	simm.s32 $0x800;
	[tilespmem:s9+$0x65D0] =	vst.add.f32.msk $0xffff, v30  }
.LBB2_13:
0x326: {  	s10 =	sadd.s32 $0x4, s10;
	[tilespmem:s9+$0x65E0] =	vst.add.f32.msk $0xffff, v0;
	s9 =	sshra.s32 s11, $0x2  }
0x327: {  	v0 =	vld [tilespmem:s9+$0x119F0];
	p1 =	slt.u32 s10, $0x24  }
0x328: {  	v1 =	vld [tilespmem:s9+$0x11800]  }
0x329: {  	v2 =	vld [tilespmem:s9+$0x11810]  }
0x32a: {  	v3 =	vld [tilespmem:s9+$0x11820]  }
0x32b: {  	v4 =	vld [tilespmem:s9+$0x11830]  }
0x32c: {  	[tilespmem:s9+$0x65F0] =	vst.add.f32.msk $0xffff, v0  }
0x32d: {  	v5 =	vld [tilespmem:s9+$0x11840]  }
0x32e: {  	v6 =	vld [tilespmem:s9+$0x11850]  }
0x32f: {  	v7 =	vld [tilespmem:s9+$0x11860]  }
0x330: {  	v8 =	vld [tilespmem:s9+$0x11870]  }
0x331: {  	v9 =	vld [tilespmem:s9+$0x11880]  }
0x332: {  	v10 =	vld [tilespmem:s9+$0x11890]  }
0x333: {  	v11 =	vld [tilespmem:s9+$0x118A0]  }
0x334: {  	v12 =	vld [tilespmem:s9+$0x118B0]  }
0x335: {  	v13 =	vld [tilespmem:s9+$0x118C0]  }
0x336: {  	v14 =	vld [tilespmem:s9+$0x118D0]  }
0x337: {  	v15 =	vld [tilespmem:s9+$0x118E0]  }
0x338: {  	v16 =	vld [tilespmem:s9+$0x118F0]  }
0x339: {  	v17 =	vld [tilespmem:s9+$0x11900]  }
0x33a: {  	v18 =	vld [tilespmem:s9+$0x11910]  }
0x33b: {  	v19 =	vld [tilespmem:s9+$0x11920]  }
0x33c: {  	v20 =	vld [tilespmem:s9+$0x11930]  }
0x33d: {  	v21 =	vld [tilespmem:s9+$0x11940]  }
0x33e: {  	v22 =	vld [tilespmem:s9+$0x11950]  }
0x33f: {  	v23 =	vld [tilespmem:s9+$0x11960]  }
0x340: {  	v24 =	vld [tilespmem:s9+$0x11970]  }
0x341: {  	v25 =	vld [tilespmem:s9+$0x11980]  }
0x342: {  	v26 =	vld [tilespmem:s9+$0x11990]  }
0x343: {  	v27 =	vld [tilespmem:s9+$0x119A0]  }
0x344: {  	v28 =	vld [tilespmem:s9+$0x119B0]  }
0x345: {  	v29 =	vld [tilespmem:s9+$0x119C0]  }
0x346: {  	v30 =	vld [tilespmem:s9+$0x119D0]  }
0x347: {  	v0 =	vld [tilespmem:s9+$0x119E0]  }
0x348: {  	[tilespmem:s9+$0x6400] =	vst.add.f32.msk $0xffff, v1  }
0x349: {  	[tilespmem:s9+$0x6410] =	vst.add.f32.msk $0xffff, v2  }
0x34a: {  	[tilespmem:s9+$0x6420] =	vst.add.f32.msk $0xffff, v3  }
0x34b: {  	[tilespmem:s9+$0x6430] =	vst.add.f32.msk $0xffff, v4  }
0x34c: {  	[tilespmem:s9+$0x6440] =	vst.add.f32.msk $0xffff, v5  }
0x34d: {  	[tilespmem:s9+$0x6450] =	vst.add.f32.msk $0xffff, v6  }
0x34e: {  	[tilespmem:s9+$0x6460] =	vst.add.f32.msk $0xffff, v7  }
0x34f: {  	[tilespmem:s9+$0x6470] =	vst.add.f32.msk $0xffff, v8  }
0x350: {  	[tilespmem:s9+$0x6480] =	vst.add.f32.msk $0xffff, v9  }
0x351: {  	[tilespmem:s9+$0x6490] =	vst.add.f32.msk $0xffff, v10  }
0x352: {  	[tilespmem:s9+$0x64A0] =	vst.add.f32.msk $0xffff, v11  }
0x353: {  	[tilespmem:s9+$0x64B0] =	vst.add.f32.msk $0xffff, v12  }
0x354: {  	[tilespmem:s9+$0x64C0] =	vst.add.f32.msk $0xffff, v13  }
0x355: {  	[tilespmem:s9+$0x64D0] =	vst.add.f32.msk $0xffff, v14  }
0x356: {  	[tilespmem:s9+$0x64E0] =	vst.add.f32.msk $0xffff, v15  }
0x357: {  	[tilespmem:s9+$0x64F0] =	vst.add.f32.msk $0xffff, v16  }
0x358: {  	[tilespmem:s9+$0x6500] =	vst.add.f32.msk $0xffff, v17  }
0x359: {  	[tilespmem:s9+$0x6510] =	vst.add.f32.msk $0xffff, v18  }
0x35a: {  	[tilespmem:s9+$0x6520] =	vst.add.f32.msk $0xffff, v19  }
0x35b: {  	[tilespmem:s9+$0x6530] =	vst.add.f32.msk $0xffff, v20  }
0x35c: {  	[tilespmem:s9+$0x6540] =	vst.add.f32.msk $0xffff, v21  }
0x35d: {  	[tilespmem:s9+$0x6550] =	vst.add.f32.msk $0xffff, v22  }
0x35e: {  	[tilespmem:s9+$0x6560] =	vst.add.f32.msk $0xffff, v23  }
0x35f: {  	[tilespmem:s9+$0x6570] =	vst.add.f32.msk $0xffff, v24  }
0x360: {  	[tilespmem:s9+$0x6580] =	vst.add.f32.msk $0xffff, v25  }
.Ltmp5:
0x361: {  	[tilespmem:s9+$0x6590] =	vst.add.f32.msk $0xffff, v26;
	(pc) =	sbr.rel @p1 .LBB2_13-.Ltmp5, $4  }
0x362: {  	[tilespmem:s9+$0x65A0] =	vst.add.f32.msk $0xffff, v27  }
0x363: {  	[tilespmem:s9+$0x65B0] =	vst.add.f32.msk $0xffff, v28  }
0x364: {  	[tilespmem:s9+$0x65C0] =	vst.add.f32.msk $0xffff, v29  }
0x365: {  	s11 =	sadd.s32 $0x800, s11;
	[tilespmem:s9+$0x65D0] =	vst.add.f32.msk $0xffff, v30  }
0x366: {  	s10 =	smul.u32 $0x28, s14;
	_ =	sdelay $0x1  }
0x367: {  	s10 =	sadd.s32 s6, s10  }
0x368: {  	s10 =	sshll.u32 s10, $0x4  }
0x369: {  	[tilespmem:s9+$0x65E0] =	vst.add.f32.msk $0xffff, v0;
	s9 =	simm.s32 @!p0 $0xC;
	s14 =	sadd.s32 s4, s10  }
0x36a: {  	[hbm4b:s14+s5] =	stream.linear.scatter [tilespmem:s25], [sflag:$0x10], $0x1400, $0x38;
	[tilespmem:$0x17C00] =	vst v63  }
0x36b: {  	_ =	swait.ge @!p0 [sflag:s9], $0x1400  }
0x36c: {  	s11 =	simm.s32 @!p0 $0x1400;
	[sflag:s9] =	ssyncset.done @!p0 $0x0  }
0x36d: {  	s10 =	simm.s32 @!p0 $0x28;
	[sflag:s9] =	ssyncadd.s32 @!p0 $0xFFFFEC00;
	s9 =	sadd.s32 @!p0 $0xCD80, s24  }
0x36e: {  	[tilespmem:s11], [sflag:$0x2] =	stream.indirect.gather @!p0 [hbm4b:s3+s10], $0x80, s9, s10, $0xb8;
	[tilespmem:$0x17C00] =	vst v63  }
0x36f: {  	_ =	swait.ge [sflag:s19], $0x1400  }
0x370: {  	[sflag:s19] =	ssyncset.done $0x0  }
0x371: {  	s9 =	simm.s32 $0x0;
	[sflag:s19] =	ssyncadd.s32 $0xFFFFEC00  }
0x372: {  	v0 =	vld [tilespmem:s9+$0x12DF0]  }
0x373: {  	v1 =	vld [tilespmem:s9+$0x12C00]  }
0x374: {  	v2 =	vld [tilespmem:s9+$0x12C10]  }
0x375: {  	v3 =	vld [tilespmem:s9+$0x12C20]  }
0x376: {  	v4 =	vld [tilespmem:s9+$0x12C30]  }
0x377: {  	v5 =	vld [tilespmem:s9+$0x12C40]  }
0x378: {  	v6 =	vld [tilespmem:s9+$0x12C50]  }
0x379: {  	v7 =	vld [tilespmem:s9+$0x12C60]  }
0x37a: {  	v8 =	vld [tilespmem:s9+$0x12C70]  }
0x37b: {  	v9 =	vld [tilespmem:s9+$0x12C80]  }
0x37c: {  	v10 =	vld [tilespmem:s9+$0x12C90]  }
0x37d: {  	v11 =	vld [tilespmem:s9+$0x12CA0]  }
0x37e: {  	v12 =	vld [tilespmem:s9+$0x12CB0]  }
0x37f: {  	v13 =	vld [tilespmem:s9+$0x12CC0]  }
0x380: {  	v14 =	vld [tilespmem:s9+$0x12CD0]  }
0x381: {  	v15 =	vld [tilespmem:s9+$0x12CE0]  }
0x382: {  	v16 =	vld [tilespmem:s9+$0x12CF0]  }
0x383: {  	v17 =	vld [tilespmem:s9+$0x12D00]  }
0x384: {  	v18 =	vld [tilespmem:s9+$0x12D10]  }
0x385: {  	v19 =	vld [tilespmem:s9+$0x12D20]  }
0x386: {  	v20 =	vld [tilespmem:s9+$0x12D30]  }
0x387: {  	v21 =	vld [tilespmem:s9+$0x12D40]  }
0x388: {  	v22 =	vld [tilespmem:s9+$0x12D50]  }
0x389: {  	v23 =	vld [tilespmem:s9+$0x12D60]  }
0x38a: {  	v24 =	vld [tilespmem:s9+$0x12D70]  }
0x38b: {  	v25 =	vld [tilespmem:s9+$0x12D80]  }
0x38c: {  	v26 =	vld [tilespmem:s9+$0x12D90]  }
0x38d: {  	v27 =	vld [tilespmem:s9+$0x12DA0]  }
0x38e: {  	v28 =	vld [tilespmem:s9+$0x12DB0]  }
0x38f: {  	v29 =	vld [tilespmem:s9+$0x12DC0]  }
0x390: {  	v30 =	vld [tilespmem:s9+$0x12DD0]  }
0x391: {  	[tilespmem:s9+$0x79F0] =	vst.add.f32.msk $0xffff, v0  }
0x392: {  	v0 =	vld [tilespmem:s9+$0x12DE0]  }
0x393: {  	[tilespmem:s9+$0x7800] =	vst.add.f32.msk $0xffff, v1  }
0x394: {  	[tilespmem:s9+$0x7810] =	vst.add.f32.msk $0xffff, v2  }
0x395: {  	[tilespmem:s9+$0x7820] =	vst.add.f32.msk $0xffff, v3  }
0x396: {  	[tilespmem:s9+$0x7830] =	vst.add.f32.msk $0xffff, v4  }
0x397: {  	[tilespmem:s9+$0x7840] =	vst.add.f32.msk $0xffff, v5  }
0x398: {  	[tilespmem:s9+$0x7850] =	vst.add.f32.msk $0xffff, v6  }
0x399: {  	[tilespmem:s9+$0x7860] =	vst.add.f32.msk $0xffff, v7  }
0x39a: {  	[tilespmem:s9+$0x7870] =	vst.add.f32.msk $0xffff, v8  }
0x39b: {  	[tilespmem:s9+$0x7880] =	vst.add.f32.msk $0xffff, v9  }
0x39c: {  	[tilespmem:s9+$0x7890] =	vst.add.f32.msk $0xffff, v10  }
0x39d: {  	[tilespmem:s9+$0x78A0] =	vst.add.f32.msk $0xffff, v11  }
0x39e: {  	[tilespmem:s9+$0x78B0] =	vst.add.f32.msk $0xffff, v12  }
0x39f: {  	[tilespmem:s9+$0x78C0] =	vst.add.f32.msk $0xffff, v13  }
0x3a0: {  	[tilespmem:s9+$0x78D0] =	vst.add.f32.msk $0xffff, v14  }
0x3a1: {  	[tilespmem:s9+$0x78E0] =	vst.add.f32.msk $0xffff, v15  }
0x3a2: {  	[tilespmem:s9+$0x78F0] =	vst.add.f32.msk $0xffff, v16  }
0x3a3: {  	[tilespmem:s9+$0x7900] =	vst.add.f32.msk $0xffff, v17  }
0x3a4: {  	[tilespmem:s9+$0x7910] =	vst.add.f32.msk $0xffff, v18  }
0x3a5: {  	[tilespmem:s9+$0x7920] =	vst.add.f32.msk $0xffff, v19  }
0x3a6: {  	[tilespmem:s9+$0x7930] =	vst.add.f32.msk $0xffff, v20  }
0x3a7: {  	[tilespmem:s9+$0x7940] =	vst.add.f32.msk $0xffff, v21  }
0x3a8: {  	[tilespmem:s9+$0x7950] =	vst.add.f32.msk $0xffff, v22  }
0x3a9: {  	[tilespmem:s9+$0x7960] =	vst.add.f32.msk $0xffff, v23  }
0x3aa: {  	[tilespmem:s9+$0x7970] =	vst.add.f32.msk $0xffff, v24  }
0x3ab: {  	[tilespmem:s9+$0x7980] =	vst.add.f32.msk $0xffff, v25  }
0x3ac: {  	[tilespmem:s9+$0x7990] =	vst.add.f32.msk $0xffff, v26  }
0x3ad: {  	[tilespmem:s9+$0x79A0] =	vst.add.f32.msk $0xffff, v27  }
0x3ae: {  	[tilespmem:s9+$0x79B0] =	vst.add.f32.msk $0xffff, v28  }
0x3af: {  	[tilespmem:s9+$0x79C0] =	vst.add.f32.msk $0xffff, v29  }
0x3b0: {  	s10 =	simm.s32 $0x0;
	s11 =	simm.s32 $0x800;
	[tilespmem:s9+$0x79D0] =	vst.add.f32.msk $0xffff, v30  }
.LBB2_15:
0x3b1: {  	s10 =	sadd.s32 $0x4, s10;
	[tilespmem:s9+$0x79E0] =	vst.add.f32.msk $0xffff, v0;
	s9 =	sshra.s32 s11, $0x2  }
0x3b2: {  	v0 =	vld [tilespmem:s9+$0x12DF0];
	p1 =	slt.u32 s10, $0x24  }
0x3b3: {  	v1 =	vld [tilespmem:s9+$0x12C00]  }
0x3b4: {  	v2 =	vld [tilespmem:s9+$0x12C10]  }
0x3b5: {  	v3 =	vld [tilespmem:s9+$0x12C20]  }
0x3b6: {  	v4 =	vld [tilespmem:s9+$0x12C30]  }
0x3b7: {  	[tilespmem:s9+$0x79F0] =	vst.add.f32.msk $0xffff, v0  }
0x3b8: {  	v5 =	vld [tilespmem:s9+$0x12C40]  }
0x3b9: {  	v6 =	vld [tilespmem:s9+$0x12C50]  }
0x3ba: {  	v7 =	vld [tilespmem:s9+$0x12C60]  }
0x3bb: {  	v8 =	vld [tilespmem:s9+$0x12C70]  }
0x3bc: {  	v9 =	vld [tilespmem:s9+$0x12C80]  }
0x3bd: {  	v10 =	vld [tilespmem:s9+$0x12C90]  }
0x3be: {  	v11 =	vld [tilespmem:s9+$0x12CA0]  }
0x3bf: {  	v12 =	vld [tilespmem:s9+$0x12CB0]  }
0x3c0: {  	v13 =	vld [tilespmem:s9+$0x12CC0]  }
0x3c1: {  	v14 =	vld [tilespmem:s9+$0x12CD0]  }
0x3c2: {  	v15 =	vld [tilespmem:s9+$0x12CE0]  }
0x3c3: {  	v16 =	vld [tilespmem:s9+$0x12CF0]  }
0x3c4: {  	v17 =	vld [tilespmem:s9+$0x12D00]  }
0x3c5: {  	v18 =	vld [tilespmem:s9+$0x12D10]  }
0x3c6: {  	v19 =	vld [tilespmem:s9+$0x12D20]  }
0x3c7: {  	v20 =	vld [tilespmem:s9+$0x12D30]  }
0x3c8: {  	v21 =	vld [tilespmem:s9+$0x12D40]  }
0x3c9: {  	v22 =	vld [tilespmem:s9+$0x12D50]  }
0x3ca: {  	v23 =	vld [tilespmem:s9+$0x12D60]  }
0x3cb: {  	v24 =	vld [tilespmem:s9+$0x12D70]  }
0x3cc: {  	v25 =	vld [tilespmem:s9+$0x12D80]  }
0x3cd: {  	v26 =	vld [tilespmem:s9+$0x12D90]  }
0x3ce: {  	v27 =	vld [tilespmem:s9+$0x12DA0]  }
0x3cf: {  	v28 =	vld [tilespmem:s9+$0x12DB0]  }
0x3d0: {  	v29 =	vld [tilespmem:s9+$0x12DC0]  }
0x3d1: {  	v30 =	vld [tilespmem:s9+$0x12DD0]  }
0x3d2: {  	v0 =	vld [tilespmem:s9+$0x12DE0]  }
0x3d3: {  	[tilespmem:s9+$0x7800] =	vst.add.f32.msk $0xffff, v1  }
0x3d4: {  	[tilespmem:s9+$0x7810] =	vst.add.f32.msk $0xffff, v2  }
0x3d5: {  	[tilespmem:s9+$0x7820] =	vst.add.f32.msk $0xffff, v3  }
0x3d6: {  	[tilespmem:s9+$0x7830] =	vst.add.f32.msk $0xffff, v4  }
0x3d7: {  	[tilespmem:s9+$0x7840] =	vst.add.f32.msk $0xffff, v5  }
0x3d8: {  	[tilespmem:s9+$0x7850] =	vst.add.f32.msk $0xffff, v6  }
0x3d9: {  	[tilespmem:s9+$0x7860] =	vst.add.f32.msk $0xffff, v7  }
0x3da: {  	[tilespmem:s9+$0x7870] =	vst.add.f32.msk $0xffff, v8  }
0x3db: {  	[tilespmem:s9+$0x7880] =	vst.add.f32.msk $0xffff, v9  }
0x3dc: {  	[tilespmem:s9+$0x7890] =	vst.add.f32.msk $0xffff, v10  }
0x3dd: {  	[tilespmem:s9+$0x78A0] =	vst.add.f32.msk $0xffff, v11  }
0x3de: {  	[tilespmem:s9+$0x78B0] =	vst.add.f32.msk $0xffff, v12  }
0x3df: {  	[tilespmem:s9+$0x78C0] =	vst.add.f32.msk $0xffff, v13  }
0x3e0: {  	[tilespmem:s9+$0x78D0] =	vst.add.f32.msk $0xffff, v14  }
0x3e1: {  	[tilespmem:s9+$0x78E0] =	vst.add.f32.msk $0xffff, v15  }
0x3e2: {  	[tilespmem:s9+$0x78F0] =	vst.add.f32.msk $0xffff, v16  }
0x3e3: {  	[tilespmem:s9+$0x7900] =	vst.add.f32.msk $0xffff, v17  }
0x3e4: {  	[tilespmem:s9+$0x7910] =	vst.add.f32.msk $0xffff, v18  }
0x3e5: {  	[tilespmem:s9+$0x7920] =	vst.add.f32.msk $0xffff, v19  }
0x3e6: {  	[tilespmem:s9+$0x7930] =	vst.add.f32.msk $0xffff, v20  }
0x3e7: {  	[tilespmem:s9+$0x7940] =	vst.add.f32.msk $0xffff, v21  }
0x3e8: {  	[tilespmem:s9+$0x7950] =	vst.add.f32.msk $0xffff, v22  }
0x3e9: {  	[tilespmem:s9+$0x7960] =	vst.add.f32.msk $0xffff, v23  }
0x3ea: {  	[tilespmem:s9+$0x7970] =	vst.add.f32.msk $0xffff, v24  }
0x3eb: {  	[tilespmem:s9+$0x7980] =	vst.add.f32.msk $0xffff, v25  }
.Ltmp6:
0x3ec: {  	[tilespmem:s9+$0x7990] =	vst.add.f32.msk $0xffff, v26;
	(pc) =	sbr.rel @p1 .LBB2_15-.Ltmp6, $4  }
0x3ed: {  	[tilespmem:s9+$0x79A0] =	vst.add.f32.msk $0xffff, v27  }
0x3ee: {  	[tilespmem:s9+$0x79B0] =	vst.add.f32.msk $0xffff, v28  }
0x3ef: {  	[tilespmem:s9+$0x79C0] =	vst.add.f32.msk $0xffff, v29  }
0x3f0: {  	s11 =	sadd.s32 $0x800, s11;
	[tilespmem:s9+$0x79D0] =	vst.add.f32.msk $0xffff, v30  }
0x3f1: {  	s7 =	smul.u32 $0x28, s7;
	_ =	sdelay $0x1  }
0x3f2: {  	s7 =	sadd.s32 s6, s7  }
0x3f3: {  	s7 =	sshll.u32 s7, $0x4  }
0x3f4: {  	[tilespmem:s9+$0x79E0] =	vst.add.f32.msk $0xffff, v0;
	s7 =	sadd.s32 s4, s7  }
0x3f5: {  	[hbm4b:s7+s5] =	stream.linear.scatter [tilespmem:s28], [sflag:$0x11], $0x1400, $0x38;
	[tilespmem:$0x17C00] =	vst v63  }
0x3f6: {  	s7 =	simm.s32 @!p0 $0xD  }
0x3f7: {  	_ =	swait.ge @!p0 [sflag:s7], $0x1400  }
0x3f8: {  	s9 =	simm.s32 @!p0 $0x28;
	[sflag:s7] =	ssyncset.done @!p0 $0x0  }
0x3f9: {  	s10 =	simm.s32 @!p0 $0x2800;
	[sflag:s7] =	ssyncadd.s32 @!p0 $0xFFFFEC00;
	s7 =	sadd.s32 @!p0 $0xCE00, s24  }
0x3fa: {  	[tilespmem:s10], [sflag:$0x3] =	stream.indirect.gather @!p0 [hbm4b:s3+s9], $0x80, s7, s9, $0xb8;
	[tilespmem:$0x17C00] =	vst v63  }
0x3fb: {  	_ =	swait.ge [sflag:s21], $0x1400  }
0x3fc: {  	[sflag:s21] =	ssyncset.done $0x0  }
0x3fd: {  	s7 =	simm.s32 $0x0;
	[sflag:s21] =	ssyncadd.s32 $0xFFFFEC00  }
0x3fe: {  	v0 =	vld [tilespmem:s7+$0x141F0]  }
0x3ff: {  	v1 =	vld [tilespmem:s7+$0x14000]  }
0x400: {  	v2 =	vld [tilespmem:s7+$0x14010]  }
0x401: {  	v3 =	vld [tilespmem:s7+$0x14020]  }
0x402: {  	v4 =	vld [tilespmem:s7+$0x14030]  }
0x403: {  	v5 =	vld [tilespmem:s7+$0x14040]  }
0x404: {  	v6 =	vld [tilespmem:s7+$0x14050]  }
0x405: {  	v7 =	vld [tilespmem:s7+$0x14060]  }
0x406: {  	v8 =	vld [tilespmem:s7+$0x14070]  }
0x407: {  	v9 =	vld [tilespmem:s7+$0x14080]  }
0x408: {  	v10 =	vld [tilespmem:s7+$0x14090]  }
0x409: {  	v11 =	vld [tilespmem:s7+$0x140A0]  }
0x40a: {  	v12 =	vld [tilespmem:s7+$0x140B0]  }
0x40b: {  	v13 =	vld [tilespmem:s7+$0x140C0]  }
0x40c: {  	v14 =	vld [tilespmem:s7+$0x140D0]  }
0x40d: {  	v15 =	vld [tilespmem:s7+$0x140E0]  }
0x40e: {  	v16 =	vld [tilespmem:s7+$0x140F0]  }
0x40f: {  	v17 =	vld [tilespmem:s7+$0x14100]  }
0x410: {  	v18 =	vld [tilespmem:s7+$0x14110]  }
0x411: {  	v19 =	vld [tilespmem:s7+$0x14120]  }
0x412: {  	v20 =	vld [tilespmem:s7+$0x14130]  }
0x413: {  	v21 =	vld [tilespmem:s7+$0x14140]  }
0x414: {  	v22 =	vld [tilespmem:s7+$0x14150]  }
0x415: {  	v23 =	vld [tilespmem:s7+$0x14160]  }
0x416: {  	v24 =	vld [tilespmem:s7+$0x14170]  }
0x417: {  	v25 =	vld [tilespmem:s7+$0x14180]  }
0x418: {  	v26 =	vld [tilespmem:s7+$0x14190]  }
0x419: {  	v27 =	vld [tilespmem:s7+$0x141A0]  }
0x41a: {  	v28 =	vld [tilespmem:s7+$0x141B0]  }
0x41b: {  	v29 =	vld [tilespmem:s7+$0x141C0]  }
0x41c: {  	v30 =	vld [tilespmem:s7+$0x141D0]  }
0x41d: {  	[tilespmem:s7+$0x8DF0] =	vst.add.f32.msk $0xffff, v0  }
0x41e: {  	v0 =	vld [tilespmem:s7+$0x141E0]  }
0x41f: {  	[tilespmem:s7+$0x8C00] =	vst.add.f32.msk $0xffff, v1  }
0x420: {  	[tilespmem:s7+$0x8C10] =	vst.add.f32.msk $0xffff, v2  }
0x421: {  	[tilespmem:s7+$0x8C20] =	vst.add.f32.msk $0xffff, v3  }
0x422: {  	[tilespmem:s7+$0x8C30] =	vst.add.f32.msk $0xffff, v4  }
0x423: {  	[tilespmem:s7+$0x8C40] =	vst.add.f32.msk $0xffff, v5  }
0x424: {  	[tilespmem:s7+$0x8C50] =	vst.add.f32.msk $0xffff, v6  }
0x425: {  	[tilespmem:s7+$0x8C60] =	vst.add.f32.msk $0xffff, v7  }
0x426: {  	[tilespmem:s7+$0x8C70] =	vst.add.f32.msk $0xffff, v8  }
0x427: {  	[tilespmem:s7+$0x8C80] =	vst.add.f32.msk $0xffff, v9  }
0x428: {  	[tilespmem:s7+$0x8C90] =	vst.add.f32.msk $0xffff, v10  }
0x429: {  	[tilespmem:s7+$0x8CA0] =	vst.add.f32.msk $0xffff, v11  }
0x42a: {  	[tilespmem:s7+$0x8CB0] =	vst.add.f32.msk $0xffff, v12  }
0x42b: {  	[tilespmem:s7+$0x8CC0] =	vst.add.f32.msk $0xffff, v13  }
0x42c: {  	[tilespmem:s7+$0x8CD0] =	vst.add.f32.msk $0xffff, v14  }
0x42d: {  	[tilespmem:s7+$0x8CE0] =	vst.add.f32.msk $0xffff, v15  }
0x42e: {  	[tilespmem:s7+$0x8CF0] =	vst.add.f32.msk $0xffff, v16  }
0x42f: {  	[tilespmem:s7+$0x8D00] =	vst.add.f32.msk $0xffff, v17  }
0x430: {  	[tilespmem:s7+$0x8D10] =	vst.add.f32.msk $0xffff, v18  }
0x431: {  	[tilespmem:s7+$0x8D20] =	vst.add.f32.msk $0xffff, v19  }
0x432: {  	[tilespmem:s7+$0x8D30] =	vst.add.f32.msk $0xffff, v20  }
0x433: {  	[tilespmem:s7+$0x8D40] =	vst.add.f32.msk $0xffff, v21  }
0x434: {  	[tilespmem:s7+$0x8D50] =	vst.add.f32.msk $0xffff, v22  }
0x435: {  	[tilespmem:s7+$0x8D60] =	vst.add.f32.msk $0xffff, v23  }
0x436: {  	[tilespmem:s7+$0x8D70] =	vst.add.f32.msk $0xffff, v24  }
0x437: {  	[tilespmem:s7+$0x8D80] =	vst.add.f32.msk $0xffff, v25  }
0x438: {  	[tilespmem:s7+$0x8D90] =	vst.add.f32.msk $0xffff, v26  }
0x439: {  	[tilespmem:s7+$0x8DA0] =	vst.add.f32.msk $0xffff, v27  }
0x43a: {  	[tilespmem:s7+$0x8DB0] =	vst.add.f32.msk $0xffff, v28  }
0x43b: {  	[tilespmem:s7+$0x8DC0] =	vst.add.f32.msk $0xffff, v29  }
0x43c: {  	s9 =	simm.s32 $0x0;
	s10 =	simm.s32 $0x800;
	[tilespmem:s7+$0x8DD0] =	vst.add.f32.msk $0xffff, v30  }
.LBB2_17:
0x43d: {  	s9 =	sadd.s32 $0x4, s9;
	[tilespmem:s7+$0x8DE0] =	vst.add.f32.msk $0xffff, v0;
	s7 =	sshra.s32 s10, $0x2  }
0x43e: {  	v0 =	vld [tilespmem:s7+$0x141F0];
	p1 =	slt.u32 s9, $0x24  }
0x43f: {  	v1 =	vld [tilespmem:s7+$0x14000]  }
0x440: {  	v2 =	vld [tilespmem:s7+$0x14010]  }
0x441: {  	v3 =	vld [tilespmem:s7+$0x14020]  }
0x442: {  	v4 =	vld [tilespmem:s7+$0x14030]  }
0x443: {  	[tilespmem:s7+$0x8DF0] =	vst.add.f32.msk $0xffff, v0  }
0x444: {  	v5 =	vld [tilespmem:s7+$0x14040]  }
0x445: {  	v6 =	vld [tilespmem:s7+$0x14050]  }
0x446: {  	v7 =	vld [tilespmem:s7+$0x14060]  }
0x447: {  	v8 =	vld [tilespmem:s7+$0x14070]  }
0x448: {  	v9 =	vld [tilespmem:s7+$0x14080]  }
0x449: {  	v10 =	vld [tilespmem:s7+$0x14090]  }
0x44a: {  	v11 =	vld [tilespmem:s7+$0x140A0]  }
0x44b: {  	v12 =	vld [tilespmem:s7+$0x140B0]  }
0x44c: {  	v13 =	vld [tilespmem:s7+$0x140C0]  }
0x44d: {  	v14 =	vld [tilespmem:s7+$0x140D0]  }
0x44e: {  	v15 =	vld [tilespmem:s7+$0x140E0]  }
0x44f: {  	v16 =	vld [tilespmem:s7+$0x140F0]  }
0x450: {  	v17 =	vld [tilespmem:s7+$0x14100]  }
0x451: {  	v18 =	vld [tilespmem:s7+$0x14110]  }
0x452: {  	v19 =	vld [tilespmem:s7+$0x14120]  }
0x453: {  	v20 =	vld [tilespmem:s7+$0x14130]  }
0x454: {  	v21 =	vld [tilespmem:s7+$0x14140]  }
0x455: {  	v22 =	vld [tilespmem:s7+$0x14150]  }
0x456: {  	v23 =	vld [tilespmem:s7+$0x14160]  }
0x457: {  	v24 =	vld [tilespmem:s7+$0x14170]  }
0x458: {  	v25 =	vld [tilespmem:s7+$0x14180]  }
0x459: {  	v26 =	vld [tilespmem:s7+$0x14190]  }
0x45a: {  	v27 =	vld [tilespmem:s7+$0x141A0]  }
0x45b: {  	v28 =	vld [tilespmem:s7+$0x141B0]  }
0x45c: {  	v29 =	vld [tilespmem:s7+$0x141C0]  }
0x45d: {  	v30 =	vld [tilespmem:s7+$0x141D0]  }
0x45e: {  	v0 =	vld [tilespmem:s7+$0x141E0]  }
0x45f: {  	[tilespmem:s7+$0x8C00] =	vst.add.f32.msk $0xffff, v1  }
0x460: {  	[tilespmem:s7+$0x8C10] =	vst.add.f32.msk $0xffff, v2  }
0x461: {  	[tilespmem:s7+$0x8C20] =	vst.add.f32.msk $0xffff, v3  }
0x462: {  	[tilespmem:s7+$0x8C30] =	vst.add.f32.msk $0xffff, v4  }
0x463: {  	[tilespmem:s7+$0x8C40] =	vst.add.f32.msk $0xffff, v5  }
0x464: {  	[tilespmem:s7+$0x8C50] =	vst.add.f32.msk $0xffff, v6  }
0x465: {  	[tilespmem:s7+$0x8C60] =	vst.add.f32.msk $0xffff, v7  }
0x466: {  	[tilespmem:s7+$0x8C70] =	vst.add.f32.msk $0xffff, v8  }
0x467: {  	[tilespmem:s7+$0x8C80] =	vst.add.f32.msk $0xffff, v9  }
0x468: {  	[tilespmem:s7+$0x8C90] =	vst.add.f32.msk $0xffff, v10  }
0x469: {  	[tilespmem:s7+$0x8CA0] =	vst.add.f32.msk $0xffff, v11  }
0x46a: {  	[tilespmem:s7+$0x8CB0] =	vst.add.f32.msk $0xffff, v12  }
0x46b: {  	[tilespmem:s7+$0x8CC0] =	vst.add.f32.msk $0xffff, v13  }
0x46c: {  	[tilespmem:s7+$0x8CD0] =	vst.add.f32.msk $0xffff, v14  }
0x46d: {  	[tilespmem:s7+$0x8CE0] =	vst.add.f32.msk $0xffff, v15  }
0x46e: {  	[tilespmem:s7+$0x8CF0] =	vst.add.f32.msk $0xffff, v16  }
0x46f: {  	[tilespmem:s7+$0x8D00] =	vst.add.f32.msk $0xffff, v17  }
0x470: {  	[tilespmem:s7+$0x8D10] =	vst.add.f32.msk $0xffff, v18  }
0x471: {  	[tilespmem:s7+$0x8D20] =	vst.add.f32.msk $0xffff, v19  }
0x472: {  	[tilespmem:s7+$0x8D30] =	vst.add.f32.msk $0xffff, v20  }
0x473: {  	[tilespmem:s7+$0x8D40] =	vst.add.f32.msk $0xffff, v21  }
0x474: {  	[tilespmem:s7+$0x8D50] =	vst.add.f32.msk $0xffff, v22  }
0x475: {  	[tilespmem:s7+$0x8D60] =	vst.add.f32.msk $0xffff, v23  }
0x476: {  	[tilespmem:s7+$0x8D70] =	vst.add.f32.msk $0xffff, v24  }
0x477: {  	[tilespmem:s7+$0x8D80] =	vst.add.f32.msk $0xffff, v25  }
.Ltmp7:
0x478: {  	[tilespmem:s7+$0x8D90] =	vst.add.f32.msk $0xffff, v26;
	(pc) =	sbr.rel @p1 .LBB2_17-.Ltmp7, $4  }
0x479: {  	[tilespmem:s7+$0x8DA0] =	vst.add.f32.msk $0xffff, v27  }
0x47a: {  	[tilespmem:s7+$0x8DB0] =	vst.add.f32.msk $0xffff, v28  }
0x47b: {  	[tilespmem:s7+$0x8DC0] =	vst.add.f32.msk $0xffff, v29  }
0x47c: {  	s10 =	sadd.s32 $0x800, s10;
	[tilespmem:s7+$0x8DD0] =	vst.add.f32.msk $0xffff, v30  }
0x47d: {  	s9 =	smul.u32 $0x28, s18;
	_ =	sdelay $0x1  }
0x47e: {  	s9 =	sadd.s32 s6, s9  }
0x47f: {  	s9 =	sshll.u32 s9, $0x4  }
0x480: {  	[tilespmem:s7+$0x8DE0] =	vst.add.f32.msk $0xffff, v0;
	s7 =	simm.s32 @!p0 $0xE;
	s18 =	sadd.s32 s4, s9  }
0x481: {  	[hbm4b:s18+s5] =	stream.linear.scatter [tilespmem:s30], [sflag:$0x12], $0x1400, $0x38;
	[tilespmem:$0x17C00] =	vst v63  }
0x482: {  	_ =	swait.ge @!p0 [sflag:s7], $0x1400  }
0x483: {  	s10 =	simm.s32 @!p0 $0x3C00;
	[sflag:s7] =	ssyncset.done @!p0 $0x0  }
0x484: {  	s9 =	simm.s32 @!p0 $0x28;
	[sflag:s7] =	ssyncadd.s32 @!p0 $0xFFFFEC00;
	s7 =	sadd.s32 @!p0 $0xCE80, s24  }
0x485: {  	[tilespmem:s10], [sflag:$0x4] =	stream.indirect.gather @!p0 [hbm4b:s3+s9], $0x80, s7, s9, $0xb8;
	[tilespmem:$0x17C00] =	vst v63  }
0x486: {  	_ =	swait.ge [sflag:s23], $0x1400  }
0x487: {  	[sflag:s23] =	ssyncset.done $0x0  }
0x488: {  	s7 =	simm.s32 $0x0;
	[sflag:s23] =	ssyncadd.s32 $0xFFFFEC00  }
0x489: {  	v0 =	vld [tilespmem:s7+$0x155F0]  }
0x48a: {  	v1 =	vld [tilespmem:s7+$0x15400]  }
0x48b: {  	v2 =	vld [tilespmem:s7+$0x15410]  }
0x48c: {  	v3 =	vld [tilespmem:s7+$0x15420]  }
0x48d: {  	v4 =	vld [tilespmem:s7+$0x15430]  }
0x48e: {  	v5 =	vld [tilespmem:s7+$0x15440]  }
0x48f: {  	v6 =	vld [tilespmem:s7+$0x15450]  }
0x490: {  	v7 =	vld [tilespmem:s7+$0x15460]  }
0x491: {  	v8 =	vld [tilespmem:s7+$0x15470]  }
0x492: {  	v9 =	vld [tilespmem:s7+$0x15480]  }
0x493: {  	v10 =	vld [tilespmem:s7+$0x15490]  }
0x494: {  	v11 =	vld [tilespmem:s7+$0x154A0]  }
0x495: {  	v12 =	vld [tilespmem:s7+$0x154B0]  }
0x496: {  	v13 =	vld [tilespmem:s7+$0x154C0]  }
0x497: {  	v14 =	vld [tilespmem:s7+$0x154D0]  }
0x498: {  	v15 =	vld [tilespmem:s7+$0x154E0]  }
0x499: {  	v16 =	vld [tilespmem:s7+$0x154F0]  }
0x49a: {  	v17 =	vld [tilespmem:s7+$0x15500]  }
0x49b: {  	v18 =	vld [tilespmem:s7+$0x15510]  }
0x49c: {  	v19 =	vld [tilespmem:s7+$0x15520]  }
0x49d: {  	v20 =	vld [tilespmem:s7+$0x15530]  }
0x49e: {  	v21 =	vld [tilespmem:s7+$0x15540]  }
0x49f: {  	v22 =	vld [tilespmem:s7+$0x15550]  }
0x4a0: {  	v23 =	vld [tilespmem:s7+$0x15560]  }
0x4a1: {  	v24 =	vld [tilespmem:s7+$0x15570]  }
0x4a2: {  	v25 =	vld [tilespmem:s7+$0x15580]  }
0x4a3: {  	v26 =	vld [tilespmem:s7+$0x15590]  }
0x4a4: {  	v27 =	vld [tilespmem:s7+$0x155A0]  }
0x4a5: {  	v28 =	vld [tilespmem:s7+$0x155B0]  }
0x4a6: {  	v29 =	vld [tilespmem:s7+$0x155C0]  }
0x4a7: {  	v30 =	vld [tilespmem:s7+$0x155D0]  }
0x4a8: {  	[tilespmem:s7+$0xA1F0] =	vst.add.f32.msk $0xffff, v0  }
0x4a9: {  	v0 =	vld [tilespmem:s7+$0x155E0]  }
0x4aa: {  	[tilespmem:s7+$0xA000] =	vst.add.f32.msk $0xffff, v1  }
0x4ab: {  	[tilespmem:s7+$0xA010] =	vst.add.f32.msk $0xffff, v2  }
0x4ac: {  	[tilespmem:s7+$0xA020] =	vst.add.f32.msk $0xffff, v3  }
0x4ad: {  	[tilespmem:s7+$0xA030] =	vst.add.f32.msk $0xffff, v4  }
0x4ae: {  	[tilespmem:s7+$0xA040] =	vst.add.f32.msk $0xffff, v5  }
0x4af: {  	[tilespmem:s7+$0xA050] =	vst.add.f32.msk $0xffff, v6  }
0x4b0: {  	[tilespmem:s7+$0xA060] =	vst.add.f32.msk $0xffff, v7  }
0x4b1: {  	[tilespmem:s7+$0xA070] =	vst.add.f32.msk $0xffff, v8  }
0x4b2: {  	[tilespmem:s7+$0xA080] =	vst.add.f32.msk $0xffff, v9  }
0x4b3: {  	[tilespmem:s7+$0xA090] =	vst.add.f32.msk $0xffff, v10  }
0x4b4: {  	[tilespmem:s7+$0xA0A0] =	vst.add.f32.msk $0xffff, v11  }
0x4b5: {  	[tilespmem:s7+$0xA0B0] =	vst.add.f32.msk $0xffff, v12  }
0x4b6: {  	[tilespmem:s7+$0xA0C0] =	vst.add.f32.msk $0xffff, v13  }
0x4b7: {  	[tilespmem:s7+$0xA0D0] =	vst.add.f32.msk $0xffff, v14  }
0x4b8: {  	[tilespmem:s7+$0xA0E0] =	vst.add.f32.msk $0xffff, v15  }
0x4b9: {  	[tilespmem:s7+$0xA0F0] =	vst.add.f32.msk $0xffff, v16  }
0x4ba: {  	[tilespmem:s7+$0xA100] =	vst.add.f32.msk $0xffff, v17  }
0x4bb: {  	[tilespmem:s7+$0xA110] =	vst.add.f32.msk $0xffff, v18  }
0x4bc: {  	[tilespmem:s7+$0xA120] =	vst.add.f32.msk $0xffff, v19  }
0x4bd: {  	[tilespmem:s7+$0xA130] =	vst.add.f32.msk $0xffff, v20  }
0x4be: {  	[tilespmem:s7+$0xA140] =	vst.add.f32.msk $0xffff, v21  }
0x4bf: {  	[tilespmem:s7+$0xA150] =	vst.add.f32.msk $0xffff, v22  }
0x4c0: {  	[tilespmem:s7+$0xA160] =	vst.add.f32.msk $0xffff, v23  }
0x4c1: {  	[tilespmem:s7+$0xA170] =	vst.add.f32.msk $0xffff, v24  }
0x4c2: {  	[tilespmem:s7+$0xA180] =	vst.add.f32.msk $0xffff, v25  }
0x4c3: {  	[tilespmem:s7+$0xA190] =	vst.add.f32.msk $0xffff, v26  }
0x4c4: {  	[tilespmem:s7+$0xA1A0] =	vst.add.f32.msk $0xffff, v27  }
0x4c5: {  	[tilespmem:s7+$0xA1B0] =	vst.add.f32.msk $0xffff, v28  }
0x4c6: {  	[tilespmem:s7+$0xA1C0] =	vst.add.f32.msk $0xffff, v29  }
0x4c7: {  	s9 =	simm.s32 $0x0;
	s10 =	simm.s32 $0x800;
	[tilespmem:s7+$0xA1D0] =	vst.add.f32.msk $0xffff, v30  }
.LBB2_19:
0x4c8: {  	s9 =	sadd.s32 $0x4, s9;
	[tilespmem:s7+$0xA1E0] =	vst.add.f32.msk $0xffff, v0;
	s7 =	sshra.s32 s10, $0x2  }
0x4c9: {  	v0 =	vld [tilespmem:s7+$0x155F0];
	p1 =	slt.u32 s9, $0x24  }
0x4ca: {  	v1 =	vld [tilespmem:s7+$0x15400]  }
0x4cb: {  	v2 =	vld [tilespmem:s7+$0x15410]  }
0x4cc: {  	v3 =	vld [tilespmem:s7+$0x15420]  }
0x4cd: {  	v4 =	vld [tilespmem:s7+$0x15430]  }
0x4ce: {  	[tilespmem:s7+$0xA1F0] =	vst.add.f32.msk $0xffff, v0  }
0x4cf: {  	v5 =	vld [tilespmem:s7+$0x15440]  }
0x4d0: {  	v6 =	vld [tilespmem:s7+$0x15450]  }
0x4d1: {  	v7 =	vld [tilespmem:s7+$0x15460]  }
0x4d2: {  	v8 =	vld [tilespmem:s7+$0x15470]  }
0x4d3: {  	v9 =	vld [tilespmem:s7+$0x15480]  }
0x4d4: {  	v10 =	vld [tilespmem:s7+$0x15490]  }
0x4d5: {  	v11 =	vld [tilespmem:s7+$0x154A0]  }
0x4d6: {  	v12 =	vld [tilespmem:s7+$0x154B0]  }
0x4d7: {  	v13 =	vld [tilespmem:s7+$0x154C0]  }
0x4d8: {  	v14 =	vld [tilespmem:s7+$0x154D0]  }
0x4d9: {  	v15 =	vld [tilespmem:s7+$0x154E0]  }
0x4da: {  	v16 =	vld [tilespmem:s7+$0x154F0]  }
0x4db: {  	v17 =	vld [tilespmem:s7+$0x15500]  }
0x4dc: {  	v18 =	vld [tilespmem:s7+$0x15510]  }
0x4dd: {  	v19 =	vld [tilespmem:s7+$0x15520]  }
0x4de: {  	v20 =	vld [tilespmem:s7+$0x15530]  }
0x4df: {  	v21 =	vld [tilespmem:s7+$0x15540]  }
0x4e0: {  	v22 =	vld [tilespmem:s7+$0x15550]  }
0x4e1: {  	v23 =	vld [tilespmem:s7+$0x15560]  }
0x4e2: {  	v24 =	vld [tilespmem:s7+$0x15570]  }
0x4e3: {  	v25 =	vld [tilespmem:s7+$0x15580]  }
0x4e4: {  	v26 =	vld [tilespmem:s7+$0x15590]  }
0x4e5: {  	v27 =	vld [tilespmem:s7+$0x155A0]  }
0x4e6: {  	v28 =	vld [tilespmem:s7+$0x155B0]  }
0x4e7: {  	v29 =	vld [tilespmem:s7+$0x155C0]  }
0x4e8: {  	v30 =	vld [tilespmem:s7+$0x155D0]  }
0x4e9: {  	v0 =	vld [tilespmem:s7+$0x155E0]  }
0x4ea: {  	[tilespmem:s7+$0xA000] =	vst.add.f32.msk $0xffff, v1  }
0x4eb: {  	[tilespmem:s7+$0xA010] =	vst.add.f32.msk $0xffff, v2  }
0x4ec: {  	[tilespmem:s7+$0xA020] =	vst.add.f32.msk $0xffff, v3  }
0x4ed: {  	[tilespmem:s7+$0xA030] =	vst.add.f32.msk $0xffff, v4  }
0x4ee: {  	[tilespmem:s7+$0xA040] =	vst.add.f32.msk $0xffff, v5  }
0x4ef: {  	[tilespmem:s7+$0xA050] =	vst.add.f32.msk $0xffff, v6  }
0x4f0: {  	[tilespmem:s7+$0xA060] =	vst.add.f32.msk $0xffff, v7  }
0x4f1: {  	[tilespmem:s7+$0xA070] =	vst.add.f32.msk $0xffff, v8  }
0x4f2: {  	[tilespmem:s7+$0xA080] =	vst.add.f32.msk $0xffff, v9  }
0x4f3: {  	[tilespmem:s7+$0xA090] =	vst.add.f32.msk $0xffff, v10  }
0x4f4: {  	[tilespmem:s7+$0xA0A0] =	vst.add.f32.msk $0xffff, v11  }
0x4f5: {  	[tilespmem:s7+$0xA0B0] =	vst.add.f32.msk $0xffff, v12  }
0x4f6: {  	[tilespmem:s7+$0xA0C0] =	vst.add.f32.msk $0xffff, v13  }
0x4f7: {  	[tilespmem:s7+$0xA0D0] =	vst.add.f32.msk $0xffff, v14  }
0x4f8: {  	[tilespmem:s7+$0xA0E0] =	vst.add.f32.msk $0xffff, v15  }
0x4f9: {  	[tilespmem:s7+$0xA0F0] =	vst.add.f32.msk $0xffff, v16  }
0x4fa: {  	[tilespmem:s7+$0xA100] =	vst.add.f32.msk $0xffff, v17  }
0x4fb: {  	[tilespmem:s7+$0xA110] =	vst.add.f32.msk $0xffff, v18  }
0x4fc: {  	[tilespmem:s7+$0xA120] =	vst.add.f32.msk $0xffff, v19  }
0x4fd: {  	[tilespmem:s7+$0xA130] =	vst.add.f32.msk $0xffff, v20  }
0x4fe: {  	[tilespmem:s7+$0xA140] =	vst.add.f32.msk $0xffff, v21  }
0x4ff: {  	[tilespmem:s7+$0xA150] =	vst.add.f32.msk $0xffff, v22  }
0x500: {  	[tilespmem:s7+$0xA160] =	vst.add.f32.msk $0xffff, v23  }
0x501: {  	[tilespmem:s7+$0xA170] =	vst.add.f32.msk $0xffff, v24  }
0x502: {  	[tilespmem:s7+$0xA180] =	vst.add.f32.msk $0xffff, v25  }
.Ltmp8:
0x503: {  	[tilespmem:s7+$0xA190] =	vst.add.f32.msk $0xffff, v26;
	(pc) =	sbr.rel @p1 .LBB2_19-.Ltmp8, $4  }
0x504: {  	[tilespmem:s7+$0xA1A0] =	vst.add.f32.msk $0xffff, v27  }
0x505: {  	[tilespmem:s7+$0xA1B0] =	vst.add.f32.msk $0xffff, v28  }
0x506: {  	[tilespmem:s7+$0xA1C0] =	vst.add.f32.msk $0xffff, v29  }
0x507: {  	s10 =	sadd.s32 $0x800, s10;
	[tilespmem:s7+$0xA1D0] =	vst.add.f32.msk $0xffff, v30  }
0x508: {  	s9 =	smul.u32 $0x28, s20;
	_ =	sdelay $0x1  }
0x509: {  	s9 =	sadd.s32 s6, s9  }
0x50a: {  	s9 =	sshll.u32 s9, $0x4  }
0x50b: {  	[tilespmem:s7+$0xA1E0] =	vst.add.f32.msk $0xffff, v0;
	s7 =	simm.s32 @!p0 $0xF;
	s20 =	sadd.s32 s4, s9  }
0x50c: {  	[hbm4b:s20+s5] =	stream.linear.scatter [tilespmem:s2], [sflag:$0x13], $0x1400, $0x38;
	[tilespmem:$0x17C00] =	vst v63  }
0x50d: {  	_ =	swait.ge @!p0 [sflag:s7], $0x1400  }
0x50e: {  	s10 =	simm.s32 @!p0 $0x5000;
	[sflag:s7] =	ssyncset.done @!p0 $0x0  }
0x50f: {  	s9 =	simm.s32 @!p0 $0x28;
	[sflag:s7] =	ssyncadd.s32 @!p0 $0xFFFFEC00;
	s7 =	sadd.s32 @!p0 $0xCF00, s24  }
0x510: {  	[tilespmem:s10], [sflag:$0x5] =	stream.indirect.gather @!p0 [hbm4b:s3+s9], $0x80, s7, s9, $0xb8;
	[tilespmem:$0x17C00] =	vst v63  }
0x511: {  	_ =	swait.ge [sflag:s13], $0x1400  }
0x512: {  	[sflag:s13] =	ssyncset.done $0x0  }
0x513: {  	s7 =	simm.s32 $0x0;
	[sflag:s13] =	ssyncadd.s32 $0xFFFFEC00  }
0x514: {  	v0 =	vld [tilespmem:s7+$0x169F0]  }
0x515: {  	v1 =	vld [tilespmem:s7+$0x16800]  }
0x516: {  	v2 =	vld [tilespmem:s7+$0x16810]  }
0x517: {  	v3 =	vld [tilespmem:s7+$0x16820]  }
0x518: {  	v4 =	vld [tilespmem:s7+$0x16830]  }
0x519: {  	v5 =	vld [tilespmem:s7+$0x16840]  }
0x51a: {  	v6 =	vld [tilespmem:s7+$0x16850]  }
0x51b: {  	v7 =	vld [tilespmem:s7+$0x16860]  }
0x51c: {  	v8 =	vld [tilespmem:s7+$0x16870]  }
0x51d: {  	v9 =	vld [tilespmem:s7+$0x16880]  }
0x51e: {  	v10 =	vld [tilespmem:s7+$0x16890]  }
0x51f: {  	v11 =	vld [tilespmem:s7+$0x168A0]  }
0x520: {  	v12 =	vld [tilespmem:s7+$0x168B0]  }
0x521: {  	v13 =	vld [tilespmem:s7+$0x168C0]  }
0x522: {  	v14 =	vld [tilespmem:s7+$0x168D0]  }
0x523: {  	v15 =	vld [tilespmem:s7+$0x168E0]  }
0x524: {  	v16 =	vld [tilespmem:s7+$0x168F0]  }
0x525: {  	v17 =	vld [tilespmem:s7+$0x16900]  }
0x526: {  	v18 =	vld [tilespmem:s7+$0x16910]  }
0x527: {  	v19 =	vld [tilespmem:s7+$0x16920]  }
0x528: {  	v20 =	vld [tilespmem:s7+$0x16930]  }
0x529: {  	v21 =	vld [tilespmem:s7+$0x16940]  }
0x52a: {  	v22 =	vld [tilespmem:s7+$0x16950]  }
0x52b: {  	v23 =	vld [tilespmem:s7+$0x16960]  }
0x52c: {  	v24 =	vld [tilespmem:s7+$0x16970]  }
0x52d: {  	v25 =	vld [tilespmem:s7+$0x16980]  }
0x52e: {  	v26 =	vld [tilespmem:s7+$0x16990]  }
0x52f: {  	v27 =	vld [tilespmem:s7+$0x169A0]  }
0x530: {  	v28 =	vld [tilespmem:s7+$0x169B0]  }
0x531: {  	v29 =	vld [tilespmem:s7+$0x169C0]  }
0x532: {  	v30 =	vld [tilespmem:s7+$0x169D0]  }
0x533: {  	[tilespmem:s7+$0xB5F0] =	vst.add.f32.msk $0xffff, v0  }
0x534: {  	v0 =	vld [tilespmem:s7+$0x169E0]  }
0x535: {  	[tilespmem:s7+$0xB400] =	vst.add.f32.msk $0xffff, v1  }
0x536: {  	[tilespmem:s7+$0xB410] =	vst.add.f32.msk $0xffff, v2  }
0x537: {  	[tilespmem:s7+$0xB420] =	vst.add.f32.msk $0xffff, v3  }
0x538: {  	[tilespmem:s7+$0xB430] =	vst.add.f32.msk $0xffff, v4  }
0x539: {  	[tilespmem:s7+$0xB440] =	vst.add.f32.msk $0xffff, v5  }
0x53a: {  	[tilespmem:s7+$0xB450] =	vst.add.f32.msk $0xffff, v6  }
0x53b: {  	[tilespmem:s7+$0xB460] =	vst.add.f32.msk $0xffff, v7  }
0x53c: {  	[tilespmem:s7+$0xB470] =	vst.add.f32.msk $0xffff, v8  }
0x53d: {  	[tilespmem:s7+$0xB480] =	vst.add.f32.msk $0xffff, v9  }
0x53e: {  	[tilespmem:s7+$0xB490] =	vst.add.f32.msk $0xffff, v10  }
0x53f: {  	[tilespmem:s7+$0xB4A0] =	vst.add.f32.msk $0xffff, v11  }
0x540: {  	[tilespmem:s7+$0xB4B0] =	vst.add.f32.msk $0xffff, v12  }
0x541: {  	[tilespmem:s7+$0xB4C0] =	vst.add.f32.msk $0xffff, v13  }
0x542: {  	[tilespmem:s7+$0xB4D0] =	vst.add.f32.msk $0xffff, v14  }
0x543: {  	[tilespmem:s7+$0xB4E0] =	vst.add.f32.msk $0xffff, v15  }
0x544: {  	[tilespmem:s7+$0xB4F0] =	vst.add.f32.msk $0xffff, v16  }
0x545: {  	[tilespmem:s7+$0xB500] =	vst.add.f32.msk $0xffff, v17  }
0x546: {  	[tilespmem:s7+$0xB510] =	vst.add.f32.msk $0xffff, v18  }
0x547: {  	[tilespmem:s7+$0xB520] =	vst.add.f32.msk $0xffff, v19  }
0x548: {  	[tilespmem:s7+$0xB530] =	vst.add.f32.msk $0xffff, v20  }
0x549: {  	[tilespmem:s7+$0xB540] =	vst.add.f32.msk $0xffff, v21  }
0x54a: {  	[tilespmem:s7+$0xB550] =	vst.add.f32.msk $0xffff, v22  }
0x54b: {  	[tilespmem:s7+$0xB560] =	vst.add.f32.msk $0xffff, v23  }
0x54c: {  	[tilespmem:s7+$0xB570] =	vst.add.f32.msk $0xffff, v24  }
0x54d: {  	[tilespmem:s7+$0xB580] =	vst.add.f32.msk $0xffff, v25  }
0x54e: {  	[tilespmem:s7+$0xB590] =	vst.add.f32.msk $0xffff, v26  }
0x54f: {  	[tilespmem:s7+$0xB5A0] =	vst.add.f32.msk $0xffff, v27  }
0x550: {  	[tilespmem:s7+$0xB5B0] =	vst.add.f32.msk $0xffff, v28  }
0x551: {  	[tilespmem:s7+$0xB5C0] =	vst.add.f32.msk $0xffff, v29  }
0x552: {  	s9 =	simm.s32 $0x0;
	s10 =	simm.s32 $0x800;
	[tilespmem:s7+$0xB5D0] =	vst.add.f32.msk $0xffff, v30  }
.LBB2_21:
0x553: {  	s9 =	sadd.s32 $0x4, s9;
	[tilespmem:s7+$0xB5E0] =	vst.add.f32.msk $0xffff, v0;
	s7 =	sshra.s32 s10, $0x2  }
0x554: {  	v0 =	vld [tilespmem:s7+$0x169F0];
	p0 =	slt.u32 s9, $0x24  }
0x555: {  	v1 =	vld [tilespmem:s7+$0x16800]  }
0x556: {  	v2 =	vld [tilespmem:s7+$0x16810]  }
0x557: {  	v3 =	vld [tilespmem:s7+$0x16820]  }
0x558: {  	v4 =	vld [tilespmem:s7+$0x16830]  }
0x559: {  	[tilespmem:s7+$0xB5F0] =	vst.add.f32.msk $0xffff, v0  }
0x55a: {  	v5 =	vld [tilespmem:s7+$0x16840]  }
0x55b: {  	v6 =	vld [tilespmem:s7+$0x16850]  }
0x55c: {  	v7 =	vld [tilespmem:s7+$0x16860]  }
0x55d: {  	v8 =	vld [tilespmem:s7+$0x16870]  }
0x55e: {  	v9 =	vld [tilespmem:s7+$0x16880]  }
0x55f: {  	v10 =	vld [tilespmem:s7+$0x16890]  }
0x560: {  	v11 =	vld [tilespmem:s7+$0x168A0]  }
0x561: {  	v12 =	vld [tilespmem:s7+$0x168B0]  }
0x562: {  	v13 =	vld [tilespmem:s7+$0x168C0]  }
0x563: {  	v14 =	vld [tilespmem:s7+$0x168D0]  }
0x564: {  	v15 =	vld [tilespmem:s7+$0x168E0]  }
0x565: {  	v16 =	vld [tilespmem:s7+$0x168F0]  }
0x566: {  	v17 =	vld [tilespmem:s7+$0x16900]  }
0x567: {  	v18 =	vld [tilespmem:s7+$0x16910]  }
0x568: {  	v19 =	vld [tilespmem:s7+$0x16920]  }
0x569: {  	v20 =	vld [tilespmem:s7+$0x16930]  }
0x56a: {  	v21 =	vld [tilespmem:s7+$0x16940]  }
0x56b: {  	v22 =	vld [tilespmem:s7+$0x16950]  }
0x56c: {  	v23 =	vld [tilespmem:s7+$0x16960]  }
0x56d: {  	v24 =	vld [tilespmem:s7+$0x16970]  }
0x56e: {  	v25 =	vld [tilespmem:s7+$0x16980]  }
0x56f: {  	v26 =	vld [tilespmem:s7+$0x16990]  }
0x570: {  	v27 =	vld [tilespmem:s7+$0x169A0]  }
0x571: {  	v28 =	vld [tilespmem:s7+$0x169B0]  }
0x572: {  	v29 =	vld [tilespmem:s7+$0x169C0]  }
0x573: {  	v30 =	vld [tilespmem:s7+$0x169D0]  }
0x574: {  	v0 =	vld [tilespmem:s7+$0x169E0]  }
0x575: {  	[tilespmem:s7+$0xB400] =	vst.add.f32.msk $0xffff, v1  }
0x576: {  	[tilespmem:s7+$0xB410] =	vst.add.f32.msk $0xffff, v2  }
0x577: {  	[tilespmem:s7+$0xB420] =	vst.add.f32.msk $0xffff, v3  }
0x578: {  	[tilespmem:s7+$0xB430] =	vst.add.f32.msk $0xffff, v4  }
0x579: {  	[tilespmem:s7+$0xB440] =	vst.add.f32.msk $0xffff, v5  }
0x57a: {  	[tilespmem:s7+$0xB450] =	vst.add.f32.msk $0xffff, v6  }
0x57b: {  	[tilespmem:s7+$0xB460] =	vst.add.f32.msk $0xffff, v7  }
0x57c: {  	[tilespmem:s7+$0xB470] =	vst.add.f32.msk $0xffff, v8  }
0x57d: {  	[tilespmem:s7+$0xB480] =	vst.add.f32.msk $0xffff, v9  }
0x57e: {  	[tilespmem:s7+$0xB490] =	vst.add.f32.msk $0xffff, v10  }
0x57f: {  	[tilespmem:s7+$0xB4A0] =	vst.add.f32.msk $0xffff, v11  }
0x580: {  	[tilespmem:s7+$0xB4B0] =	vst.add.f32.msk $0xffff, v12  }
0x581: {  	[tilespmem:s7+$0xB4C0] =	vst.add.f32.msk $0xffff, v13  }
0x582: {  	[tilespmem:s7+$0xB4D0] =	vst.add.f32.msk $0xffff, v14  }
0x583: {  	[tilespmem:s7+$0xB4E0] =	vst.add.f32.msk $0xffff, v15  }
0x584: {  	[tilespmem:s7+$0xB4F0] =	vst.add.f32.msk $0xffff, v16  }
0x585: {  	[tilespmem:s7+$0xB500] =	vst.add.f32.msk $0xffff, v17  }
0x586: {  	[tilespmem:s7+$0xB510] =	vst.add.f32.msk $0xffff, v18  }
0x587: {  	[tilespmem:s7+$0xB520] =	vst.add.f32.msk $0xffff, v19  }
0x588: {  	[tilespmem:s7+$0xB530] =	vst.add.f32.msk $0xffff, v20  }
0x589: {  	[tilespmem:s7+$0xB540] =	vst.add.f32.msk $0xffff, v21  }
0x58a: {  	[tilespmem:s7+$0xB550] =	vst.add.f32.msk $0xffff, v22  }
0x58b: {  	[tilespmem:s7+$0xB560] =	vst.add.f32.msk $0xffff, v23  }
0x58c: {  	[tilespmem:s7+$0xB570] =	vst.add.f32.msk $0xffff, v24  }
0x58d: {  	[tilespmem:s7+$0xB580] =	vst.add.f32.msk $0xffff, v25  }
.Ltmp9:
0x58e: {  	[tilespmem:s7+$0xB590] =	vst.add.f32.msk $0xffff, v26;
	(pc) =	sbr.rel @p0 .LBB2_21-.Ltmp9, $4  }
0x58f: {  	[tilespmem:s7+$0xB5A0] =	vst.add.f32.msk $0xffff, v27  }
0x590: {  	[tilespmem:s7+$0xB5B0] =	vst.add.f32.msk $0xffff, v28  }
0x591: {  	[tilespmem:s7+$0xB5C0] =	vst.add.f32.msk $0xffff, v29  }
0x592: {  	s10 =	sadd.s32 $0x800, s10;
	[tilespmem:s7+$0xB5D0] =	vst.add.f32.msk $0xffff, v30  }
0x593: {  	s8 =	sadd.s32 $0x1, s8  }
0x594: {  	s9 =	smul.u32 $0x28, s22;
	p0 =	sne.s32 s8, $0x10  }
.Ltmp10:
0x595: {  	_ = 	snop;
	(pc) =	sbr.rel @p0 .LBB2_2-.Ltmp10, $4  }
0x596: {  	s9 =	sadd.s32 s6, s9  }
0x597: {  	s9 =	sshll.u32 s9, $0x4  }
0x598: {  	[tilespmem:s7+$0xB5E0] =	vst.add.f32.msk $0xffff, v0;
	s24 =	sadd.s32 s4, s9  }
0x599: {  	[hbm4b:s24+s5] =	stream.linear.scatter [tilespmem:s1], [sflag:$0x14], $0x1400, $0x38;
	[tilespmem:$0x17C00] =	vst v63  }
0x59a: {  	s7 =	simm.s32 $0xB  }
0x59b: {  	_ =	swait.ge [sflag:s7], $0x1400  }
0x59c: {  	[sflag:s7] =	ssyncset.done $0x0  }
0x59d: {  	s8 =	simm.s32 $0xC;
	[sflag:s7] =	ssyncadd.s32 $0xFFFFEC00  }
0x59e: {  	_ =	swait.ge [sflag:s8], $0x1400  }
0x59f: {  	[sflag:s8] =	ssyncset.done $0x0  }
0x5a0: {  	s9 =	simm.s32 $0xD;
	[sflag:s8] =	ssyncadd.s32 $0xFFFFEC00  }
0x5a1: {  	_ =	swait.ge [sflag:s9], $0x1400  }
0x5a2: {  	[sflag:s9] =	ssyncset.done $0x0  }
0x5a3: {  	s10 =	simm.s32 $0xE;
	[sflag:s9] =	ssyncadd.s32 $0xFFFFEC00  }
0x5a4: {  	_ =	swait.ge [sflag:s10], $0x1400  }
0x5a5: {  	[sflag:s10] =	ssyncset.done $0x0  }
0x5a6: {  	s11 =	simm.s32 $0xF;
	[sflag:s10] =	ssyncadd.s32 $0xFFFFEC00  }
0x5a7: {  	_ =	swait.ge [sflag:s11], $0x1400  }
0x5a8: {  	[sflag:s11] =	ssyncset.done $0x0  }
0x5a9: {  	s14 =	simm.s32 $0x10;
	[sflag:s11] =	ssyncadd.s32 $0xFFFFEC00  }
0x5aa: {  	_ =	swait.ge [sflag:s14], $0x1400  }
0x5ab: {  	[sflag:s14] =	ssyncset.done $0x0  }
0x5ac: {  	s18 =	simm.s32 $0x11;
	[sflag:s14] =	ssyncadd.s32 $0xFFFFEC00  }
0x5ad: {  	_ =	swait.ge [sflag:s18], $0x1400  }
0x5ae: {  	[sflag:s18] =	ssyncset.done $0x0  }
0x5af: {  	s20 =	simm.s32 $0x12;
	[sflag:s18] =	ssyncadd.s32 $0xFFFFEC00  }
0x5b0: {  	_ =	swait.ge [sflag:s20], $0x1400  }
0x5b1: {  	[sflag:s20] =	ssyncset.done $0x0  }
0x5b2: {  	s22 =	simm.s32 $0x13;
	[sflag:s20] =	ssyncadd.s32 $0xFFFFEC00  }
0x5b3: {  	_ =	swait.ge [sflag:s22], $0x1400  }
0x5b4: {  	[sflag:s22] =	ssyncset.done $0x0  }
0x5b5: {  	s8 =	simm.s32 $0x14;
	[sflag:s22] =	ssyncadd.s32 $0xFFFFEC00  }
0x5b6: {  	_ =	swait.ge [sflag:s8], $0x1400  }
0x5b7: {  	s9 =	rddreg [dreg:$0xa]  }
0x5b8: {  	s24 =	rddreg [dreg:$0x6];
	s9 =	sadd.s32 $0x1, s9  }
0x5b9: {  	p0 =	sne.s32 s9, s24  }
.Ltmp11:
0x5ba: {  	_ = 	snop;
	(pc) =	sbr.rel @p0 .LBB2_1-.Ltmp11, $3  }
0x5bb: {  	_ =	sdelay $0x1  }
0x5bc: {  	[sflag:s8] =	ssyncset.done $0x0  }
0x5bd: {  	[sflag:s8] =	ssyncadd.s32 $0xFFFFEC00  }
0x5be: {  	_ =	sfence.sel $0x180000  }
0x5bf: {  	[bflag:$0x0] =	sbarrier.arrive $0xFFFF  }
0x5c0: {  	_ =	strace $0x90000047  }
0x5c1: {  	s0 =	stileid.u32;
	[bflag:$0x2] =	sbarrier.arrive $0xFFFF  }
0x5c2: {  	p0 =	sne.s32 s0, $0x0;
	s0 =	rddreg [dreg:$0x4]  }
0x5c3: {  	s0 =	sadd.s32 @!p0 $0x100000, s0  }
0x5c4: {  	[sflag:s0] =	ssyncadd.tile.s32 @!p0 $0x1;
	_ =	shalt  }
.Lfunc_end2:
_tile_overlayer_lowered:
.L_overlay_start_2:
0x5c5: {  	(tag) =	ssettag $0x2  }
0x5c6: {  	s0 =	rddreg [dreg:$0x0];
	s2 =	stileid.u32  }
0x5c7: {  	s1 =	rddreg [dreg:$0x1];
	p0 =	sne.s32 s2, $0x0  }
0x5c8: {  	s3 =	rddreg [dreg:$0x2];
	[bflag:$0x3] =	sbarrier.arrive $0xFFFF;
	s2 =	simm.s32 @!p0 $0x1C15  }
0x5c9: {  	[timem:s3], [sflag:s2] =	dma.local @!p0 [hbm:s0], s1  }
0x5ca: {  	s0 =	simm.s32 @!p0 $0x15  }
0x5cb: {  	_ =	swait.ge @!p0 [sflag:s0], s1  }
0x5cc: {  	s1 =	ssub.s32 @!p0 $0x0, s1;
	[sflag:s0] =	ssyncset.done @!p0 $0x0  }
0x5cd: {  	[sflag:s0] =	ssyncadd.s32 @!p0 s1  }
0x5ce: {  	[bflag:$0x3] =	sbarrier.arrive $0xFFFF  }
0x5cf: {  	_ =	shalt  }

</sc_bundles>
